<compile_context>
chip_gen: v7x
topology: tpu7x:2x2x1
jax: 0.10.2.dev20260603
libtpu: 0.0.44.dev20260713+nightly
codegen_flags: <defaults>
</compile_context>

<pallas_src>
import functools

import jax
import jax.numpy as jnp
from jax import lax
from jax.experimental import pallas as pl
from jax.experimental.pallas import tpu as pltpu
from jax.experimental.pallas import tpu_sc as plsc

NC = 2
NS = 16
C1 = 96
G1 = 2
C2 = 128
G2 = 8
DCOL = 2
BN = 2048


def _make_sc_agg(feat, ptc, n_acc, chunk, g, idx4, want_deg):
  n_groups = ptc // g
  rows_per_tile = n_acc // NS
  mesh = plsc.VectorSubcoreMesh(core_axis_name="c", subcore_axis_name="s")

  out_type = [jax.ShapeDtypeStruct((NC, n_acc, feat), jnp.float32)]
  scratch = [
      pltpu.VMEM((2, g, chunk), jnp.int32),
      pltpu.VMEM((2, g, chunk), jnp.int32),
      pltpu.VMEM((chunk, feat), jnp.float32),
      pltpu.VMEM((chunk, feat), jnp.float32),
      pltpu.VMEM_SHARED((n_acc, feat), jnp.float32),
      pltpu.SemaphoreType.DMA,
      pltpu.SemaphoreType.DMA,
      pltpu.SemaphoreType.DMA,
  ]
  if want_deg:
    out_type.append(jax.ShapeDtypeStruct((NC, NS, n_acc), jnp.float32))
    scratch.append(pltpu.VMEM((DCOL * n_acc,), jnp.float32))

  @functools.partial(
      pl.kernel, out_type=tuple(out_type), mesh=mesh, scratch_types=scratch,
      compiler_params=pltpu.CompilerParams(needs_layout_passes=False))
  def k(*refs):
    if want_deg:
      (table_hbm, ei_hbm, zeros_hbm, zdeg_hbm, out_hbm, odeg_hbm,
       sbuf, dbuf, b0, b1, acc_sh, sg0, sg1, si, deg_v) = refs
    else:
      (table_hbm, ei_hbm, zeros_hbm, out_hbm,
       sbuf, dbuf, b0, b1, acc_sh, sg0, sg1, si) = refs
    src_hbm = ei_hbm.at[0]
    dst_hbm = ei_hbm.at[1]

    c = lax.axis_index("c")
    s = lax.axis_index("s")
    bufs = (b0, b1)
    sems = (sg0, sg1)
    row0 = s * rows_per_tile
    table = table_hbm if idx4 else table_hbm.at[c]
    bt = (c * NS + s) * ptc if idx4 else s * ptc

    pltpu.sync_copy(zeros_hbm, acc_sh.at[pl.ds(row0, rows_per_tile)])
    if want_deg:
      pltpu.sync_copy(zdeg_hbm, deg_v)
      lane = lax.iota(jnp.int32, 16)
      colbase = (lane & (DCOL - 1)) * n_acc
      ones16 = jnp.full((16,), 1.0, jnp.float32)
      gmasks = [(lane // DCOL) == q for q in range(16 // DCOL)]
    plsc.subcore_barrier()

    pltpu.sync_copy(src_hbm.at[pl.ds(bt, g)], sbuf.at[0])
    pltpu.sync_copy(dst_hbm.at[pl.ds(bt, g)], dbuf.at[0])
    pltpu.async_copy(table.at[sbuf.at[0, 0]], b0, sg0)

    def group(gi, carry):
      par = gi & 1
      nxt = 1 - par
      nc0 = bt + (gi + 1) * g
      pltpu.async_copy(src_hbm.at[pl.ds(nc0, g)], sbuf.at[nxt], si)
      pltpu.async_copy(dst_hbm.at[pl.ds(nc0, g)], dbuf.at[nxt], si)
      for j in range(g):
        pb = j & 1
        nb = (j + 1) & 1
        if j + 1 < g:
          nxt_idx = sbuf.at[par, j + 1]
        else:
          pltpu.make_async_copy(src_hbm.at[pl.ds(0, g)],
                                sbuf.at[par], si).wait()
          pltpu.make_async_copy(dst_hbm.at[pl.ds(0, g)],
                                dbuf.at[par], si).wait()
          nxt_idx = sbuf.at[nxt, 0]
        pltpu.async_copy(table.at[nxt_idx], bufs[nb], sems[nb])
        pltpu.make_async_copy(table.at[pl.ds(0, chunk)],
                              bufs[pb], sems[pb]).wait()
        pltpu.sync_copy(bufs[pb], acc_sh.at[dbuf.at[par, j]], add=True)
        if want_deg:
          for q in range(chunk // 16):
            dv = dbuf[par, j, pl.ds(q * 16, 16)]
            idxv = dv + colbase
            for m in gmasks:
              plsc.addupdate_scatter(deg_v, [idxv], ones16, mask=m)
      return carry

    lax.fori_loop(0, n_groups, group, 0)
    pltpu.make_async_copy(table.at[pl.ds(0, chunk)], b0, sg0).wait()
    plsc.subcore_barrier()

    pltpu.sync_copy(acc_sh.at[pl.ds(row0, rows_per_tile)],
                    out_hbm.at[c, pl.ds(row0, rows_per_tile)])

    if want_deg:
      def red(i, carry):
        for u in range(4):
          o = (i * 4 + u) * 16
          v = deg_v[pl.ds(o, 16)]
          for d in range(1, DCOL):
            v += deg_v[pl.ds(d * n_acc + o, 16)]
          deg_v[pl.ds(o, 16)] = v
        return carry
      lax.fori_loop(0, n_acc // 64, red, 0)
      pltpu.sync_copy(deg_v.at[pl.ds(0, n_acc)], odeg_hbm.at[c, s])

  return k


def _tc_lin(inp, w, b, n_acc, split_in):
  kdim, m = w.shape

  def body(in_ref, w_ref, b_ref, out_ref):
    if split_in:
      a = jnp.concatenate([in_ref[0], in_ref[1]], axis=1)
    else:
      a = in_ref[...]
    out_ref[...] = (
        jnp.dot(a, w_ref[...], preferred_element_type=jnp.float32)
        + b_ref[...])

  in_spec = (pl.BlockSpec((NC, BN, kdim // 2), lambda i: (0, i, 0))
             if split_in else pl.BlockSpec((BN, kdim), lambda i: (i, 0)))
  return pl.pallas_call(
      body,
      grid=(n_acc // BN,),
      in_specs=[
          in_spec,
          pl.BlockSpec((kdim, m), lambda i: (0, 0)),
          pl.BlockSpec((m,), lambda i: (0,)),
      ],
      out_specs=pl.BlockSpec((BN, m), lambda i: (i, 0)),
      out_shape=jax.ShapeDtypeStruct((n_acc, m), jnp.float32),
  )(inp, w, b)


def _tc_layer1(parts, degp, xr, wl, n_acc, in_dim, h_dim):
  feat = parts.shape[2]
  hh = h_dim // 2

  def body(parts_ref, degp_ref, xr_ref, wl_ref, h1_ref, invd_ref):
    deg = jnp.sum(degp_ref[...], axis=(0, 1))
    invd = 1.0 / jnp.maximum(deg, 1.0)
    p = parts_ref[0] + parts_ref[1]
    mean = p * invd[:, None]
    h = jnp.dot(mean, wl_ref[...], preferred_element_type=jnp.float32)
    h = jnp.maximum(h + xr_ref[...], 0.0)
    h1_ref[0] = h[:, :hh]
    h1_ref[1] = h[:, hh:]
    invd_ref[...] = invd

  return pl.pallas_call(
      body,
      grid=(1,),
      in_specs=[
          pl.BlockSpec((NC, n_acc, feat), lambda i: (0, 0, 0)),
          pl.BlockSpec((NC, NS, n_acc), lambda i: (0, 0, 0)),
          pl.BlockSpec((n_acc, h_dim), lambda i: (0, 0)),
          pl.BlockSpec((in_dim, h_dim), lambda i: (0, 0)),
      ],
      out_specs=[
          pl.BlockSpec((NC, n_acc, hh), lambda i: (0, 0, 0)),
          pl.BlockSpec((n_acc,), lambda i: (0,)),
      ],
      out_shape=[
          jax.ShapeDtypeStruct((NC, n_acc, hh), jnp.float32),
          jax.ShapeDtypeStruct((n_acc,), jnp.float32),
      ],
  )(parts, degp, xr, wl)


def _tc_layer2(parts2, invd, hr, wl2, wc_pad, bc_pad, n_acc, h_dim):
  hh = h_dim // 2
  oc = wc_pad.shape[1]

  def body(p2_ref, invd_ref, hr_ref, wl_ref, wc_ref, bc_ref, out_ref):
    agg = jnp.concatenate([p2_ref[0], p2_ref[1]], axis=1)
    mean = agg * invd_ref[...][:, None]
    h = jnp.dot(mean, wl_ref[...], preferred_element_type=jnp.float32)
    h = jnp.maximum(h + hr_ref[...], 0.0)
    out_ref[...] = (
        jnp.dot(h, wc_ref[...], preferred_element_type=jnp.float32)
        + bc_ref[...])

  return pl.pallas_call(
      body,
      grid=(1,),
      in_specs=[
          pl.BlockSpec((NC, n_acc, hh), lambda i: (0, 0, 0)),
          pl.BlockSpec((n_acc,), lambda i: (0,)),
          pl.BlockSpec((n_acc, h_dim), lambda i: (0, 0)),
          pl.BlockSpec((h_dim, h_dim), lambda i: (0, 0)),
          pl.BlockSpec((h_dim, oc), lambda i: (0, 0)),
          pl.BlockSpec((oc,), lambda i: (0,)),
      ],
      out_specs=pl.BlockSpec((n_acc, oc), lambda i: (0, 0)),
      out_shape=jax.ShapeDtypeStruct((n_acc, oc), jnp.float32),
  )(parts2, invd, hr, wl2, wc_pad, bc_pad)


def _spread_fill(k, base, mod):
  return base + (jnp.arange(k, dtype=jnp.int32) % mod)


def kernel(x, edge_index, W_l1, W_r1, b1, W_l2, W_r2, b2, Wc, bc):
  n, in_dim = x.shape
  e = edge_index.shape[1]
  h_dim = W_l1.shape[1]
  out_dim = Wc.shape[1]
  hh = h_dim // 2

  n_acc = -(-(n + 1) // (NS * 128)) * (NS * 128)
  rows_per_tile = n_acc // NS

  def padded_ei(tiles, ptc, chunk, g):
    total = (tiles * ptc + g) * chunk
    fills = jnp.stack([_spread_fill(total - e, 0, n),
                       _spread_fill(total - e, n, n_acc - n)])
    return jnp.concatenate([edge_index, fills], axis=1).reshape(
        2, -1, chunk)

  def round_up(a, m):
    return -(-a // m) * m

  ptc1 = round_up(-(-e // (NC * NS * C1)), G1)
  ei1 = padded_ei(NC * NS, ptc1, C1, G1)
  zeros1 = jnp.zeros((rows_per_tile, in_dim), jnp.float32)
  zdeg = jnp.zeros((DCOL * n_acc,), jnp.float32)

  agg1 = _make_sc_agg(in_dim, ptc1, n_acc, C1, G1, idx4=True, want_deg=True)
  parts1, degp = agg1(x, ei1, zeros1, zdeg)

  x_pad = jnp.concatenate(
      [x, jnp.zeros((n_acc - n, in_dim), jnp.float32)], axis=0)
  xr = _tc_lin(x_pad, W_r1, b1, n_acc, split_in=False)

  h1, invd = _tc_layer1(parts1, degp, xr, W_l1, n_acc, in_dim, h_dim)

  ptc2 = round_up(-(-e // (NS * C2)), G2)
  ei2 = padded_ei(NS, ptc2, C2, G2)
  zeros2 = jnp.zeros((rows_per_tile, hh), jnp.float32)

  agg2 = _make_sc_agg(hh, ptc2, n_acc, C2, G2, idx4=False, want_deg=False)
  (parts2,) = agg2(h1, ei2, zeros2)

  hr = _tc_lin(h1, W_r2, b2, n_acc, split_in=True)

  oc = 128
  wc_pad = jnp.zeros((h_dim, oc), jnp.float32).at[:, :out_dim].set(Wc)
  bc_pad = jnp.zeros((oc,), jnp.float32).at[:out_dim].set(bc)
  out = _tc_layer2(parts2, invd, hr, W_l2, wc_pad, bc_pad, n_acc, h_dim)
  return out[:n, :out_dim]

# --- scband reference (transcript-rebuilt; emitter-appended) ---
"""Pipeline reference for scband-churn-gnn-51153060495915 (READ-ONLY COPY).

The authoritative reference and input builder live on the scoring server;
editing this copy changes nothing except your own understanding.
"""

import jax, jax.numpy as jnp
import numpy as np

N = 10000
E = 320000
IN = 128
H = 256
OUT = 2


def setup_inputs(seed: int = 0) -> dict:
    key = jax.random.key(seed)
    ks = jax.random.split(key, 12)
    x = jax.random.normal(ks[0], (N, IN), dtype=jnp.float32)
    edge_index = jax.random.randint(ks[1], (2, E), 0, N, dtype=jnp.int32)
    # SAGEConv params: lin_l acts on aggregated neighbors (with bias), lin_r on root
    W_l1 = jax.random.normal(ks[2], (IN, H), dtype=jnp.float32) / np.sqrt(IN)
    W_r1 = jax.random.normal(ks[3], (IN, H), dtype=jnp.float32) / np.sqrt(IN)
    b1 = jnp.zeros((H,), dtype=jnp.float32)
    W_l2 = jax.random.normal(ks[4], (H, H), dtype=jnp.float32) / np.sqrt(H)
    W_r2 = jax.random.normal(ks[5], (H, H), dtype=jnp.float32) / np.sqrt(H)
    b2 = jnp.zeros((H,), dtype=jnp.float32)
    Wc = jax.random.normal(ks[6], (H, OUT), dtype=jnp.float32) / np.sqrt(H)
    bc = jnp.zeros((OUT,), dtype=jnp.float32)
    return {"x": x, "edge_index": edge_index, "W_l1": W_l1, "W_r1": W_r1, "b1": b1,
            "W_l2": W_l2, "W_r2": W_r2, "b2": b2, "Wc": Wc, "bc": bc}


def sage_conv(x, edge_index, W_l, W_r, b):
    # PyG SAGEConv with mean aggregation:
    # out = lin_l(mean_{j in N(i)} x_j) + lin_r(x_i)
    src = edge_index[0]
    dst = edge_index[1]
    msg = jnp.take(x, src, axis=0)                               # gather
    agg = jax.ops.segment_sum(msg, dst, num_segments=N)          # scatter-add
    deg = jax.ops.segment_sum(jnp.ones((E,), x.dtype), dst, num_segments=N)
    mean = agg / jnp.maximum(deg, 1.0)[:, None]
    return mean @ W_l + x @ W_r + b


def reference(x, edge_index, W_l1, W_r1, b1, W_l2, W_r2, b2, Wc, bc):
    # dropout is identity in eval mode
    h = jax.nn.relu(sage_conv(x, edge_index, W_l1, W_r1, b1))
    h = jax.nn.relu(sage_conv(h, edge_index, W_l2, W_r2, b2))
    return h @ Wc + bc

if __name__ == "__main__":
    import jax
    _d = setup_inputs()
    print(jax.jit(kernel)(*tuple(_d.values())))

</pallas_src>

<mosaic_0001>
#map = affine_map<(d0, d1) -> (0, 0)>
#map1 = affine_map<(d0, d1) -> (0, 0, 0)>
#map2 = affine_map<(d0, d1) -> (0)>
module attributes {stable_mosaic.version = 14 : i64} {
  func.func @k(%arg0: i32, %arg1: i32, %arg2: memref<10000x128xf32, #tpu.memory_space<hbm>>, %arg3: memref<2x3394x96xi32, #tpu.memory_space<hbm>>, %arg4: memref<640x128xf32, #tpu.memory_space<hbm>>, %arg5: memref<20480xf32, #tpu.memory_space<hbm>>, %arg6: memref<2x10240x128xf32, #tpu.memory_space<hbm>>, %arg7: memref<2x16x10240xf32, #tpu.memory_space<hbm>>, %arg8: memref<2x2x96xi32, #tpu.memory_space<vmem>>, %arg9: memref<2x2x96xi32, #tpu.memory_space<vmem>>, %arg10: memref<96x128xf32, #tpu.memory_space<vmem>>, %arg11: memref<96x128xf32, #tpu.memory_space<vmem>>, %arg12: memref<10240x128xf32, #tpu.memory_space<vmem_shared>>, %arg13: memref<!tpu.dma_semaphore, #tpu.memory_space<semaphore_mem>>, %arg14: memref<!tpu.dma_semaphore, #tpu.memory_space<semaphore_mem>>, %arg15: memref<!tpu.dma_semaphore, #tpu.memory_space<semaphore_mem>>, %arg16: memref<20480xf32, #tpu.memory_space<vmem>>) attributes {dimension_semantics = [#tpu.dimension_semantics<core_parallel>, #tpu.dimension_semantics<subcore_parallel>], iteration_bounds = array<i64: 2, 16>, scalar_prefetch = 0 : i64, scratch_operands = 9 : i64, tpu.core_type = #tpu.core_type<sc_vector_subcore>, window_params = [{transform_indices = #map}, {transform_indices = #map1}, {transform_indices = #map}, {transform_indices = #map2}, {transform_indices = #map1}, {transform_indices = #map1}]} {
    %mul3A = arith.constant 640 : i32
    %mul3A_0 = arith.muli %arg1, %mul3A : i32
    %mul3A_1 = arith.constant 16 : i32
    %mul3A_2 = arith.muli %arg0, %mul3A_1 : i32
    %add3A = arith.addi %mul3A_2, %arg1 : i32
    %mul3A_3 = arith.constant 106 : i32
    %mul3A_4 = arith.muli %add3A, %mul3A_3 : i32
    "tpu.region"() ({
      %run_scoped3A_304 = tpu.sem_alloc : memref<!tpu.dma_semaphore, #tpu.memory_space<semaphore_mem>>
      %dma_start3A_305 = arith.constant 0 : i32
      %dma_start3A_306 = tpu.memref_slice %arg12[%mul3A_0, %dma_start3A_305] : memref<10240x128xf32, #tpu.memory_space<vmem_shared>> -> memref<640x128xf32, #tpu.memory_space<vmem_shared>>
      tpu.enqueue_dma source(%arg4 : memref<640x128xf32, #tpu.memory_space<hbm>>) target(%dma_start3A_306 : memref<640x128xf32, #tpu.memory_space<vmem_shared>>) target_semaphore(%run_scoped3A_304 : memref<!tpu.dma_semaphore, #tpu.memory_space<semaphore_mem>>)
      %dma_wait3A_307 = arith.constant 0 : i32
      %dma_wait3A_308 = tpu.memref_slice %arg12[%mul3A_0, %dma_wait3A_307] : memref<10240x128xf32, #tpu.memory_space<vmem_shared>> -> memref<640x128xf32, #tpu.memory_space<vmem_shared>>
      tpu.wait_dma2 semaphore(%run_scoped3A_304 : memref<!tpu.dma_semaphore, #tpu.memory_space<semaphore_mem>>) src(%arg4 : memref<640x128xf32, #tpu.memory_space<hbm>>) dst(%dma_wait3A_308 : memref<640x128xf32, #tpu.memory_space<vmem_shared>>)
      tpu.yield
    }) : () -> ()
    "tpu.region"() ({
      %run_scoped3A_304 = tpu.sem_alloc : memref<!tpu.dma_semaphore, #tpu.memory_space<semaphore_mem>>
      tpu.enqueue_dma source(%arg5 : memref<20480xf32, #tpu.memory_space<hbm>>) target(%arg16 : memref<20480xf32, #tpu.memory_space<vmem>>) target_semaphore(%run_scoped3A_304 : memref<!tpu.dma_semaphore, #tpu.memory_space<semaphore_mem>>)
      tpu.wait_dma2 semaphore(%run_scoped3A_304 : memref<!tpu.dma_semaphore, #tpu.memory_space<semaphore_mem>>) src(%arg5 : memref<20480xf32, #tpu.memory_space<hbm>>) dst(%arg16 : memref<20480xf32, #tpu.memory_space<vmem>>)
      tpu.yield
    }) : () -> ()
    %iota3A = tpu.iota {dimensions = array<i32: 0>} : vector<16xi32>
    %and3A = arith.constant 1 : i32
    %and3A_5 = vector.broadcast %and3A : i32 to vector<16xi32>
    %and3A_6 = arith.andi %iota3A, %and3A_5 : vector<16xi32>
    %mul3A_7 = arith.constant 10240 : i32
    %mul3A_8 = vector.broadcast %mul3A_7 : i32 to vector<16xi32>
    %mul3A_9 = arith.muli %and3A_6, %mul3A_8 : vector<16xi32>
    %broadcast_in_dim3A = arith.constant 1.000000e+00 : f32
    %broadcast_in_dim3A_10 = vector.broadcast %broadcast_in_dim3A : f32 to vector<16xf32>
    %jit3A = arith.constant 2 : i32
    %div3A = vector.broadcast %jit3A : i32 to vector<16xi32>
    %div3A_11 = arith.divsi %iota3A, %div3A : vector<16xi32>
    %sign3A = arith.constant 0 : i32
    %sign3A_12 = vector.broadcast %sign3A : i32 to vector<16xi32>
    %sign3A_13 = arith.cmpi sgt, %iota3A, %sign3A_12 : vector<16xi32>
    %sign3A_14 = arith.extui %sign3A_13 : vector<16xi1> to vector<16xi32>
    %sign3A_15 = arith.constant 0 : i32
    %sign3A_16 = vector.broadcast %sign3A_15 : i32 to vector<16xi32>
    %sign3A_17 = arith.cmpi slt, %iota3A, %sign3A_16 : vector<16xi32>
    %sign3A_18 = arith.extui %sign3A_17 : vector<16xi1> to vector<16xi32>
    %sign3A_19 = arith.subi %sign3A_14, %sign3A_18 : vector<16xi32>
    %sign3A_20 = arith.constant 0 : i32
    %sign3A_21 = arith.cmpi sgt, %jit3A, %sign3A_20 : i32
    %sign3A_22 = arith.extui %sign3A_21 : i1 to i32
    %sign3A_23 = arith.constant 0 : i32
    %sign3A_24 = arith.cmpi slt, %jit3A, %sign3A_23 : i32
    %sign3A_25 = arith.extui %sign3A_24 : i1 to i32
    %sign3A_26 = arith.subi %sign3A_22, %sign3A_25 : i32
    %ne3A = vector.broadcast %sign3A_26 : i32 to vector<16xi32>
    %ne3A_27 = arith.cmpi ne, %sign3A_19, %ne3A : vector<16xi32>
    %rem3A = vector.broadcast %jit3A : i32 to vector<16xi32>
    %rem3A_28 = arith.remsi %iota3A, %rem3A : vector<16xi32>
    %ne3A_29 = arith.constant 0 : i32
    %ne3A_30 = vector.broadcast %ne3A_29 : i32 to vector<16xi32>
    %ne3A_31 = arith.cmpi ne, %rem3A_28, %ne3A_30 : vector<16xi32>
    %and3A_32 = arith.andi %ne3A_27, %ne3A_31 : vector<16xi1>
    %sub3A = arith.constant 1 : i32
    %sub3A_33 = vector.broadcast %sub3A : i32 to vector<16xi32>
    %sub3A_34 = arith.subi %div3A_11, %sub3A_33 : vector<16xi32>
    %select_n3A = arith.select %and3A_32, %sub3A_34, %div3A_11 : vector<16xi1>, vector<16xi32>
    %eq3A = arith.constant 0 : i32
    %eq3A_35 = vector.broadcast %eq3A : i32 to vector<16xi32>
    %eq3A_36 = arith.cmpi eq, %select_n3A, %eq3A_35 : vector<16xi32>
    %jit3A_37 = arith.constant 2 : i32
    %div3A_38 = vector.broadcast %jit3A_37 : i32 to vector<16xi32>
    %div3A_39 = arith.divsi %iota3A, %div3A_38 : vector<16xi32>
    %sign3A_40 = arith.constant 0 : i32
    %sign3A_41 = vector.broadcast %sign3A_40 : i32 to vector<16xi32>
    %sign3A_42 = arith.cmpi sgt, %iota3A, %sign3A_41 : vector<16xi32>
    %sign3A_43 = arith.extui %sign3A_42 : vector<16xi1> to vector<16xi32>
    %sign3A_44 = arith.constant 0 : i32
    %sign3A_45 = vector.broadcast %sign3A_44 : i32 to vector<16xi32>
    %sign3A_46 = arith.cmpi slt, %iota3A, %sign3A_45 : vector<16xi32>
    %sign3A_47 = arith.extui %sign3A_46 : vector<16xi1> to vector<16xi32>
    %sign3A_48 = arith.subi %sign3A_43, %sign3A_47 : vector<16xi32>
    %sign3A_49 = arith.constant 0 : i32
    %sign3A_50 = arith.cmpi sgt, %jit3A_37, %sign3A_49 : i32
    %sign3A_51 = arith.extui %sign3A_50 : i1 to i32
    %sign3A_52 = arith.constant 0 : i32
    %sign3A_53 = arith.cmpi slt, %jit3A_37, %sign3A_52 : i32
    %sign3A_54 = arith.extui %sign3A_53 : i1 to i32
    %sign3A_55 = arith.subi %sign3A_51, %sign3A_54 : i32
    %ne3A_56 = vector.broadcast %sign3A_55 : i32 to vector<16xi32>
    %ne3A_57 = arith.cmpi ne, %sign3A_48, %ne3A_56 : vector<16xi32>
    %rem3A_58 = vector.broadcast %jit3A_37 : i32 to vector<16xi32>
    %rem3A_59 = arith.remsi %iota3A, %rem3A_58 : vector<16xi32>
    %ne3A_60 = arith.constant 0 : i32
    %ne3A_61 = vector.broadcast %ne3A_60 : i32 to vector<16xi32>
    %ne3A_62 = arith.cmpi ne, %rem3A_59, %ne3A_61 : vector<16xi32>
    %and3A_63 = arith.andi %ne3A_57, %ne3A_62 : vector<16xi1>
    %sub3A_64 = arith.constant 1 : i32
    %sub3A_65 = vector.broadcast %sub3A_64 : i32 to vector<16xi32>
    %sub3A_66 = arith.subi %div3A_39, %sub3A_65 : vector<16xi32>
    %select_n3A_67 = arith.select %and3A_63, %sub3A_66, %div3A_39 : vector<16xi1>, vector<16xi32>
    %eq3A_68 = arith.constant 1 : i32
    %eq3A_69 = vector.broadcast %eq3A_68 : i32 to vector<16xi32>
    %eq3A_70 = arith.cmpi eq, %select_n3A_67, %eq3A_69 : vector<16xi32>
    %jit3A_71 = arith.constant 2 : i32
    %div3A_72 = vector.broadcast %jit3A_71 : i32 to vector<16xi32>
    %div3A_73 = arith.divsi %iota3A, %div3A_72 : vector<16xi32>
    %sign3A_74 = arith.constant 0 : i32
    %sign3A_75 = vector.broadcast %sign3A_74 : i32 to vector<16xi32>
    %sign3A_76 = arith.cmpi sgt, %iota3A, %sign3A_75 : vector<16xi32>
    %sign3A_77 = arith.extui %sign3A_76 : vector<16xi1> to vector<16xi32>
    %sign3A_78 = arith.constant 0 : i32
    %sign3A_79 = vector.broadcast %sign3A_78 : i32 to vector<16xi32>
    %sign3A_80 = arith.cmpi slt, %iota3A, %sign3A_79 : vector<16xi32>
    %sign3A_81 = arith.extui %sign3A_80 : vector<16xi1> to vector<16xi32>
    %sign3A_82 = arith.subi %sign3A_77, %sign3A_81 : vector<16xi32>
    %sign3A_83 = arith.constant 0 : i32
    %sign3A_84 = arith.cmpi sgt, %jit3A_71, %sign3A_83 : i32
    %sign3A_85 = arith.extui %sign3A_84 : i1 to i32
    %sign3A_86 = arith.constant 0 : i32
    %sign3A_87 = arith.cmpi slt, %jit3A_71, %sign3A_86 : i32
    %sign3A_88 = arith.extui %sign3A_87 : i1 to i32
    %sign3A_89 = arith.subi %sign3A_85, %sign3A_88 : i32
    %ne3A_90 = vector.broadcast %sign3A_89 : i32 to vector<16xi32>
    %ne3A_91 = arith.cmpi ne, %sign3A_82, %ne3A_90 : vector<16xi32>
    %rem3A_92 = vector.broadcast %jit3A_71 : i32 to vector<16xi32>
    %rem3A_93 = arith.remsi %iota3A, %rem3A_92 : vector<16xi32>
    %ne3A_94 = arith.constant 0 : i32
    %ne3A_95 = vector.broadcast %ne3A_94 : i32 to vector<16xi32>
    %ne3A_96 = arith.cmpi ne, %rem3A_93, %ne3A_95 : vector<16xi32>
    %and3A_97 = arith.andi %ne3A_91, %ne3A_96 : vector<16xi1>
    %sub3A_98 = arith.constant 1 : i32
    %sub3A_99 = vector.broadcast %sub3A_98 : i32 to vector<16xi32>
    %sub3A_100 = arith.subi %div3A_73, %sub3A_99 : vector<16xi32>
    %select_n3A_101 = arith.select %and3A_97, %sub3A_100, %div3A_73 : vector<16xi1>, vector<16xi32>
    %eq3A_102 = arith.constant 2 : i32
    %eq3A_103 = vector.broadcast %eq3A_102 : i32 to vector<16xi32>
    %eq3A_104 = arith.cmpi eq, %select_n3A_101, %eq3A_103 : vector<16xi32>
    %jit3A_105 = arith.constant 2 : i32
    %div3A_106 = vector.broadcast %jit3A_105 : i32 to vector<16xi32>
    %div3A_107 = arith.divsi %iota3A, %div3A_106 : vector<16xi32>
    %sign3A_108 = arith.constant 0 : i32
    %sign3A_109 = vector.broadcast %sign3A_108 : i32 to vector<16xi32>
    %sign3A_110 = arith.cmpi sgt, %iota3A, %sign3A_109 : vector<16xi32>
    %sign3A_111 = arith.extui %sign3A_110 : vector<16xi1> to vector<16xi32>
    %sign3A_112 = arith.constant 0 : i32
    %sign3A_113 = vector.broadcast %sign3A_112 : i32 to vector<16xi32>
    %sign3A_114 = arith.cmpi slt, %iota3A, %sign3A_113 : vector<16xi32>
    %sign3A_115 = arith.extui %sign3A_114 : vector<16xi1> to vector<16xi32>
    %sign3A_116 = arith.subi %sign3A_111, %sign3A_115 : vector<16xi32>
    %sign3A_117 = arith.constant 0 : i32
    %sign3A_118 = arith.cmpi sgt, %jit3A_105, %sign3A_117 : i32
    %sign3A_119 = arith.extui %sign3A_118 : i1 to i32
    %sign3A_120 = arith.constant 0 : i32
    %sign3A_121 = arith.cmpi slt, %jit3A_105, %sign3A_120 : i32
    %sign3A_122 = arith.extui %sign3A_121 : i1 to i32
    %sign3A_123 = arith.subi %sign3A_119, %sign3A_122 : i32
    %ne3A_124 = vector.broadcast %sign3A_123 : i32 to vector<16xi32>
    %ne3A_125 = arith.cmpi ne, %sign3A_116, %ne3A_124 : vector<16xi32>
    %rem3A_126 = vector.broadcast %jit3A_105 : i32 to vector<16xi32>
    %rem3A_127 = arith.remsi %iota3A, %rem3A_126 : vector<16xi32>
    %ne3A_128 = arith.constant 0 : i32
    %ne3A_129 = vector.broadcast %ne3A_128 : i32 to vector<16xi32>
    %ne3A_130 = arith.cmpi ne, %rem3A_127, %ne3A_129 : vector<16xi32>
    %and3A_131 = arith.andi %ne3A_125, %ne3A_130 : vector<16xi1>
    %sub3A_132 = arith.constant 1 : i32
    %sub3A_133 = vector.broadcast %sub3A_132 : i32 to vector<16xi32>
    %sub3A_134 = arith.subi %div3A_107, %sub3A_133 : vector<16xi32>
    %select_n3A_135 = arith.select %and3A_131, %sub3A_134, %div3A_107 : vector<16xi1>, vector<16xi32>
    %eq3A_136 = arith.constant 3 : i32
    %eq3A_137 = vector.broadcast %eq3A_136 : i32 to vector<16xi32>
    %eq3A_138 = arith.cmpi eq, %select_n3A_135, %eq3A_137 : vector<16xi32>
    %jit3A_139 = arith.constant 2 : i32
    %div3A_140 = vector.broadcast %jit3A_139 : i32 to vector<16xi32>
    %div3A_141 = arith.divsi %iota3A, %div3A_140 : vector<16xi32>
    %sign3A_142 = arith.constant 0 : i32
    %sign3A_143 = vector.broadcast %sign3A_142 : i32 to vector<16xi32>
    %sign3A_144 = arith.cmpi sgt, %iota3A, %sign3A_143 : vector<16xi32>
    %sign3A_145 = arith.extui %sign3A_144 : vector<16xi1> to vector<16xi32>
    %sign3A_146 = arith.constant 0 : i32
    %sign3A_147 = vector.broadcast %sign3A_146 : i32 to vector<16xi32>
    %sign3A_148 = arith.cmpi slt, %iota3A, %sign3A_147 : vector<16xi32>
    %sign3A_149 = arith.extui %sign3A_148 : vector<16xi1> to vector<16xi32>
    %sign3A_150 = arith.subi %sign3A_145, %sign3A_149 : vector<16xi32>
    %sign3A_151 = arith.constant 0 : i32
    %sign3A_152 = arith.cmpi sgt, %jit3A_139, %sign3A_151 : i32
    %sign3A_153 = arith.extui %sign3A_152 : i1 to i32
    %sign3A_154 = arith.constant 0 : i32
    %sign3A_155 = arith.cmpi slt, %jit3A_139, %sign3A_154 : i32
    %sign3A_156 = arith.extui %sign3A_155 : i1 to i32
    %sign3A_157 = arith.subi %sign3A_153, %sign3A_156 : i32
    %ne3A_158 = vector.broadcast %sign3A_157 : i32 to vector<16xi32>
    %ne3A_159 = arith.cmpi ne, %sign3A_150, %ne3A_158 : vector<16xi32>
    %rem3A_160 = vector.broadcast %jit3A_139 : i32 to vector<16xi32>
    %rem3A_161 = arith.remsi %iota3A, %rem3A_160 : vector<16xi32>
    %ne3A_162 = arith.constant 0 : i32
    %ne3A_163 = vector.broadcast %ne3A_162 : i32 to vector<16xi32>
    %ne3A_164 = arith.cmpi ne, %rem3A_161, %ne3A_163 : vector<16xi32>
    %and3A_165 = arith.andi %ne3A_159, %ne3A_164 : vector<16xi1>
    %sub3A_166 = arith.constant 1 : i32
    %sub3A_167 = vector.broadcast %sub3A_166 : i32 to vector<16xi32>
    %sub3A_168 = arith.subi %div3A_141, %sub3A_167 : vector<16xi32>
    %select_n3A_169 = arith.select %and3A_165, %sub3A_168, %div3A_141 : vector<16xi1>, vector<16xi32>
    %eq3A_170 = arith.constant 4 : i32
    %eq3A_171 = vector.broadcast %eq3A_170 : i32 to vector<16xi32>
    %eq3A_172 = arith.cmpi eq, %select_n3A_169, %eq3A_171 : vector<16xi32>
    %jit3A_173 = arith.constant 2 : i32
    %div3A_174 = vector.broadcast %jit3A_173 : i32 to vector<16xi32>
    %div3A_175 = arith.divsi %iota3A, %div3A_174 : vector<16xi32>
    %sign3A_176 = arith.constant 0 : i32
    %sign3A_177 = vector.broadcast %sign3A_176 : i32 to vector<16xi32>
    %sign3A_178 = arith.cmpi sgt, %iota3A, %sign3A_177 : vector<16xi32>
    %sign3A_179 = arith.extui %sign3A_178 : vector<16xi1> to vector<16xi32>
    %sign3A_180 = arith.constant 0 : i32
    %sign3A_181 = vector.broadcast %sign3A_180 : i32 to vector<16xi32>
    %sign3A_182 = arith.cmpi slt, %iota3A, %sign3A_181 : vector<16xi32>
    %sign3A_183 = arith.extui %sign3A_182 : vector<16xi1> to vector<16xi32>
    %sign3A_184 = arith.subi %sign3A_179, %sign3A_183 : vector<16xi32>
    %sign3A_185 = arith.constant 0 : i32
    %sign3A_186 = arith.cmpi sgt, %jit3A_173, %sign3A_185 : i32
    %sign3A_187 = arith.extui %sign3A_186 : i1 to i32
    %sign3A_188 = arith.constant 0 : i32
    %sign3A_189 = arith.cmpi slt, %jit3A_173, %sign3A_188 : i32
    %sign3A_190 = arith.extui %sign3A_189 : i1 to i32
    %sign3A_191 = arith.subi %sign3A_187, %sign3A_190 : i32
    %ne3A_192 = vector.broadcast %sign3A_191 : i32 to vector<16xi32>
    %ne3A_193 = arith.cmpi ne, %sign3A_184, %ne3A_192 : vector<16xi32>
    %rem3A_194 = vector.broadcast %jit3A_173 : i32 to vector<16xi32>
    %rem3A_195 = arith.remsi %iota3A, %rem3A_194 : vector<16xi32>
    %ne3A_196 = arith.constant 0 : i32
    %ne3A_197 = vector.broadcast %ne3A_196 : i32 to vector<16xi32>
    %ne3A_198 = arith.cmpi ne, %rem3A_195, %ne3A_197 : vector<16xi32>
    %and3A_199 = arith.andi %ne3A_193, %ne3A_198 : vector<16xi1>
    %sub3A_200 = arith.constant 1 : i32
    %sub3A_201 = vector.broadcast %sub3A_200 : i32 to vector<16xi32>
    %sub3A_202 = arith.subi %div3A_175, %sub3A_201 : vector<16xi32>
    %select_n3A_203 = arith.select %and3A_199, %sub3A_202, %div3A_175 : vector<16xi1>, vector<16xi32>
    %eq3A_204 = arith.constant 5 : i32
    %eq3A_205 = vector.broadcast %eq3A_204 : i32 to vector<16xi32>
    %eq3A_206 = arith.cmpi eq, %select_n3A_203, %eq3A_205 : vector<16xi32>
    %jit3A_207 = arith.constant 2 : i32
    %div3A_208 = vector.broadcast %jit3A_207 : i32 to vector<16xi32>
    %div3A_209 = arith.divsi %iota3A, %div3A_208 : vector<16xi32>
    %sign3A_210 = arith.constant 0 : i32
    %sign3A_211 = vector.broadcast %sign3A_210 : i32 to vector<16xi32>
    %sign3A_212 = arith.cmpi sgt, %iota3A, %sign3A_211 : vector<16xi32>
    %sign3A_213 = arith.extui %sign3A_212 : vector<16xi1> to vector<16xi32>
    %sign3A_214 = arith.constant 0 : i32
    %sign3A_215 = vector.broadcast %sign3A_214 : i32 to vector<16xi32>
    %sign3A_216 = arith.cmpi slt, %iota3A, %sign3A_215 : vector<16xi32>
    %sign3A_217 = arith.extui %sign3A_216 : vector<16xi1> to vector<16xi32>
    %sign3A_218 = arith.subi %sign3A_213, %sign3A_217 : vector<16xi32>
    %sign3A_219 = arith.constant 0 : i32
    %sign3A_220 = arith.cmpi sgt, %jit3A_207, %sign3A_219 : i32
    %sign3A_221 = arith.extui %sign3A_220 : i1 to i32
    %sign3A_222 = arith.constant 0 : i32
    %sign3A_223 = arith.cmpi slt, %jit3A_207, %sign3A_222 : i32
    %sign3A_224 = arith.extui %sign3A_223 : i1 to i32
    %sign3A_225 = arith.subi %sign3A_221, %sign3A_224 : i32
    %ne3A_226 = vector.broadcast %sign3A_225 : i32 to vector<16xi32>
    %ne3A_227 = arith.cmpi ne, %sign3A_218, %ne3A_226 : vector<16xi32>
    %rem3A_228 = vector.broadcast %jit3A_207 : i32 to vector<16xi32>
    %rem3A_229 = arith.remsi %iota3A, %rem3A_228 : vector<16xi32>
    %ne3A_230 = arith.constant 0 : i32
    %ne3A_231 = vector.broadcast %ne3A_230 : i32 to vector<16xi32>
    %ne3A_232 = arith.cmpi ne, %rem3A_229, %ne3A_231 : vector<16xi32>
    %and3A_233 = arith.andi %ne3A_227, %ne3A_232 : vector<16xi1>
    %sub3A_234 = arith.constant 1 : i32
    %sub3A_235 = vector.broadcast %sub3A_234 : i32 to vector<16xi32>
    %sub3A_236 = arith.subi %div3A_209, %sub3A_235 : vector<16xi32>
    %select_n3A_237 = arith.select %and3A_233, %sub3A_236, %div3A_209 : vector<16xi1>, vector<16xi32>
    %eq3A_238 = arith.constant 6 : i32
    %eq3A_239 = vector.broadcast %eq3A_238 : i32 to vector<16xi32>
    %eq3A_240 = arith.cmpi eq, %select_n3A_237, %eq3A_239 : vector<16xi32>
    %jit3A_241 = arith.constant 2 : i32
    %div3A_242 = vector.broadcast %jit3A_241 : i32 to vector<16xi32>
    %div3A_243 = arith.divsi %iota3A, %div3A_242 : vector<16xi32>
    %sign3A_244 = arith.constant 0 : i32
    %sign3A_245 = vector.broadcast %sign3A_244 : i32 to vector<16xi32>
    %sign3A_246 = arith.cmpi sgt, %iota3A, %sign3A_245 : vector<16xi32>
    %sign3A_247 = arith.extui %sign3A_246 : vector<16xi1> to vector<16xi32>
    %sign3A_248 = arith.constant 0 : i32
    %sign3A_249 = vector.broadcast %sign3A_248 : i32 to vector<16xi32>
    %sign3A_250 = arith.cmpi slt, %iota3A, %sign3A_249 : vector<16xi32>
    %sign3A_251 = arith.extui %sign3A_250 : vector<16xi1> to vector<16xi32>
    %sign3A_252 = arith.subi %sign3A_247, %sign3A_251 : vector<16xi32>
    %sign3A_253 = arith.constant 0 : i32
    %sign3A_254 = arith.cmpi sgt, %jit3A_241, %sign3A_253 : i32
    %sign3A_255 = arith.extui %sign3A_254 : i1 to i32
    %sign3A_256 = arith.constant 0 : i32
    %sign3A_257 = arith.cmpi slt, %jit3A_241, %sign3A_256 : i32
    %sign3A_258 = arith.extui %sign3A_257 : i1 to i32
    %sign3A_259 = arith.subi %sign3A_255, %sign3A_258 : i32
    %ne3A_260 = vector.broadcast %sign3A_259 : i32 to vector<16xi32>
    %ne3A_261 = arith.cmpi ne, %sign3A_252, %ne3A_260 : vector<16xi32>
    %rem3A_262 = vector.broadcast %jit3A_241 : i32 to vector<16xi32>
    %rem3A_263 = arith.remsi %iota3A, %rem3A_262 : vector<16xi32>
    %ne3A_264 = arith.constant 0 : i32
    %ne3A_265 = vector.broadcast %ne3A_264 : i32 to vector<16xi32>
    %ne3A_266 = arith.cmpi ne, %rem3A_263, %ne3A_265 : vector<16xi32>
    %and3A_267 = arith.andi %ne3A_261, %ne3A_266 : vector<16xi1>
    %sub3A_268 = arith.constant 1 : i32
    %sub3A_269 = vector.broadcast %sub3A_268 : i32 to vector<16xi32>
    %sub3A_270 = arith.subi %div3A_243, %sub3A_269 : vector<16xi32>
    %select_n3A_271 = arith.select %and3A_267, %sub3A_270, %div3A_243 : vector<16xi1>, vector<16xi32>
    %eq3A_272 = arith.constant 7 : i32
    %eq3A_273 = vector.broadcast %eq3A_272 : i32 to vector<16xi32>
    %eq3A_274 = arith.cmpi eq, %select_n3A_271, %eq3A_273 : vector<16xi32>
    %barrier3A = arith.constant 0 : index
    tpu.barrier barrier_id(%barrier3A)
    %run_scoped3A = arith.constant 0 : i32
    %run_scoped3A_275 = arith.constant 0 : i32
    "tpu.region"() ({
      %run_scoped3A_304 = tpu.sem_alloc : memref<!tpu.dma_semaphore, #tpu.memory_space<semaphore_mem>>
      %dma_start3A_305 = arith.constant 0 : i32
      %dma_start3A_306 = arith.constant 0 : i32
      %dma_start3A_307 = tpu.memref_slice %arg8[%run_scoped3A_275, %dma_start3A_305, %dma_start3A_306] : memref<2x2x96xi32, #tpu.memory_space<vmem>> -> memref<1x2x96xi32, #tpu.memory_space<vmem>>
      %dma_start3A_308 = tpu.memref_squeeze %dma_start3A_307 : memref<1x2x96xi32, #tpu.memory_space<vmem>> -> memref<2x96xi32, #tpu.memory_space<vmem>>
      %dma_start3A_309 = arith.constant 0 : i32
      %dma_start3A_310 = arith.constant 0 : i32
      %dma_start3A_311 = tpu.memref_slice %arg3[%run_scoped3A, %dma_start3A_309, %dma_start3A_310] : memref<2x3394x96xi32, #tpu.memory_space<hbm>> -> memref<1x3394x96xi32, #tpu.memory_space<hbm>>
      %dma_start3A_312 = tpu.memref_squeeze %dma_start3A_311 : memref<1x3394x96xi32, #tpu.memory_space<hbm>> -> memref<3394x96xi32, #tpu.memory_space<hbm>>
      %dma_start3A_313 = arith.constant 0 : i32
      %dma_start3A_314 = tpu.memref_slice %dma_start3A_312[%mul3A_4, %dma_start3A_313] : memref<3394x96xi32, #tpu.memory_space<hbm>> -> memref<2x96xi32, #tpu.memory_space<hbm>>
      %dma_start3A_315 = arith.constant 0 : i32
      %dma_start3A_316 = arith.constant 0 : i32
      %dma_start3A_317 = tpu.memref_slice %arg8[%run_scoped3A_275, %dma_start3A_315, %dma_start3A_316] : memref<2x2x96xi32, #tpu.memory_space<vmem>> -> memref<1x2x96xi32, #tpu.memory_space<vmem>>
      %dma_start3A_318 = tpu.memref_squeeze %dma_start3A_317 : memref<1x2x96xi32, #tpu.memory_space<vmem>> -> memref<2x96xi32, #tpu.memory_space<vmem>>
      %dma_start3A_319 = arith.constant 0 : i32
      %dma_start3A_320 = arith.constant 0 : i32
      %dma_start3A_321 = tpu.memref_slice %arg3[%run_scoped3A, %dma_start3A_319, %dma_start3A_320] : memref<2x3394x96xi32, #tpu.memory_space<hbm>> -> memref<1x3394x96xi32, #tpu.memory_space<hbm>>
      %dma_start3A_322 = tpu.memref_squeeze %dma_start3A_321 : memref<1x3394x96xi32, #tpu.memory_space<hbm>> -> memref<3394x96xi32, #tpu.memory_space<hbm>>
      %dma_start3A_323 = arith.constant 0 : i32
      %dma_start3A_324 = tpu.memref_slice %dma_start3A_322[%mul3A_4, %dma_start3A_323] : memref<3394x96xi32, #tpu.memory_space<hbm>> -> memref<2x96xi32, #tpu.memory_space<hbm>>
      tpu.enqueue_dma source(%dma_start3A_324 : memref<2x96xi32, #tpu.memory_space<hbm>>) target(%dma_start3A_318 : memref<2x96xi32, #tpu.memory_space<vmem>>) target_semaphore(%run_scoped3A_304 : memref<!tpu.dma_semaphore, #tpu.memory_space<semaphore_mem>>)
      %dma_wait3A_325 = arith.constant 0 : i32
      %dma_wait3A_326 = arith.constant 0 : i32
      %dma_wait3A_327 = tpu.memref_slice %arg8[%run_scoped3A_275, %dma_wait3A_325, %dma_wait3A_326] : memref<2x2x96xi32, #tpu.memory_space<vmem>> -> memref<1x2x96xi32, #tpu.memory_space<vmem>>
      %dma_wait3A_328 = tpu.memref_squeeze %dma_wait3A_327 : memref<1x2x96xi32, #tpu.memory_space<vmem>> -> memref<2x96xi32, #tpu.memory_space<vmem>>
      %dma_wait3A_329 = arith.constant 0 : i32
      %dma_wait3A_330 = arith.constant 0 : i32
      %dma_wait3A_331 = tpu.memref_slice %arg3[%run_scoped3A, %dma_wait3A_329, %dma_wait3A_330] : memref<2x3394x96xi32, #tpu.memory_space<hbm>> -> memref<1x3394x96xi32, #tpu.memory_space<hbm>>
      %dma_wait3A_332 = tpu.memref_squeeze %dma_wait3A_331 : memref<1x3394x96xi32, #tpu.memory_space<hbm>> -> memref<3394x96xi32, #tpu.memory_space<hbm>>
      %dma_wait3A_333 = arith.constant 0 : i32
      %dma_wait3A_334 = tpu.memref_slice %dma_wait3A_332[%mul3A_4, %dma_wait3A_333] : memref<3394x96xi32, #tpu.memory_space<hbm>> -> memref<2x96xi32, #tpu.memory_space<hbm>>
      %dma_wait3A_335 = arith.constant 0 : i32
      %dma_wait3A_336 = arith.constant 0 : i32
      %dma_wait3A_337 = tpu.memref_slice %arg8[%run_scoped3A_275, %dma_wait3A_335, %dma_wait3A_336] : memref<2x2x96xi32, #tpu.memory_space<vmem>> -> memref<1x2x96xi32, #tpu.memory_space<vmem>>
      %dma_wait3A_338 = tpu.memref_squeeze %dma_wait3A_337 : memref<1x2x96xi32, #tpu.memory_space<vmem>> -> memref<2x96xi32, #tpu.memory_space<vmem>>
      %dma_wait3A_339 = arith.constant 0 : i32
      %dma_wait3A_340 = arith.constant 0 : i32
      %dma_wait3A_341 = tpu.memref_slice %arg3[%run_scoped3A, %dma_wait3A_339, %dma_wait3A_340] : memref<2x3394x96xi32, #tpu.memory_space<hbm>> -> memref<1x3394x96xi32, #tpu.memory_space<hbm>>
      %dma_wait3A_342 = tpu.memref_squeeze %dma_wait3A_341 : memref<1x3394x96xi32, #tpu.memory_space<hbm>> -> memref<3394x96xi32, #tpu.memory_space<hbm>>
      %dma_wait3A_343 = arith.constant 0 : i32
      %dma_wait3A_344 = tpu.memref_slice %dma_wait3A_342[%mul3A_4, %dma_wait3A_343] : memref<3394x96xi32, #tpu.memory_space<hbm>> -> memref<2x96xi32, #tpu.memory_space<hbm>>
      tpu.wait_dma2 semaphore(%run_scoped3A_304 : memref<!tpu.dma_semaphore, #tpu.memory_space<semaphore_mem>>) src(%dma_wait3A_344 : memref<2x96xi32, #tpu.memory_space<hbm>>) dst(%dma_wait3A_338 : memref<2x96xi32, #tpu.memory_space<vmem>>)
      tpu.yield
    }) : () -> ()
    %run_scoped3A_276 = arith.constant 1 : i32
    %run_scoped3A_277 = arith.constant 0 : i32
    "tpu.region"() ({
      %run_scoped3A_304 = tpu.sem_alloc : memref<!tpu.dma_semaphore, #tpu.memory_space<semaphore_mem>>
      %dma_start3A_305 = arith.constant 0 : i32
      %dma_start3A_306 = arith.constant 0 : i32
      %dma_start3A_307 = tpu.memref_slice %arg9[%run_scoped3A_277, %dma_start3A_305, %dma_start3A_306] : memref<2x2x96xi32, #tpu.memory_space<vmem>> -> memref<1x2x96xi32, #tpu.memory_space<vmem>>
      %dma_start3A_308 = tpu.memref_squeeze %dma_start3A_307 : memref<1x2x96xi32, #tpu.memory_space<vmem>> -> memref<2x96xi32, #tpu.memory_space<vmem>>
      %dma_start3A_309 = arith.constant 0 : i32
      %dma_start3A_310 = arith.constant 0 : i32
      %dma_start3A_311 = tpu.memref_slice %arg3[%run_scoped3A_276, %dma_start3A_309, %dma_start3A_310] : memref<2x3394x96xi32, #tpu.memory_space<hbm>> -> memref<1x3394x96xi32, #tpu.memory_space<hbm>>
      %dma_start3A_312 = tpu.memref_squeeze %dma_start3A_311 : memref<1x3394x96xi32, #tpu.memory_space<hbm>> -> memref<3394x96xi32, #tpu.memory_space<hbm>>
      %dma_start3A_313 = arith.constant 0 : i32
      %dma_start3A_314 = tpu.memref_slice %dma_start3A_312[%mul3A_4, %dma_start3A_313] : memref<3394x96xi32, #tpu.memory_space<hbm>> -> memref<2x96xi32, #tpu.memory_space<hbm>>
      %dma_start3A_315 = arith.constant 0 : i32
      %dma_start3A_316 = arith.constant 0 : i32
      %dma_start3A_317 = tpu.memref_slice %arg9[%run_scoped3A_277, %dma_start3A_315, %dma_start3A_316] : memref<2x2x96xi32, #tpu.memory_space<vmem>> -> memref<1x2x96xi32, #tpu.memory_space<vmem>>
      %dma_start3A_318 = tpu.memref_squeeze %dma_start3A_317 : memref<1x2x96xi32, #tpu.memory_space<vmem>> -> memref<2x96xi32, #tpu.memory_space<vmem>>
      %dma_start3A_319 = arith.constant 0 : i32
      %dma_start3A_320 = arith.constant 0 : i32
      %dma_start3A_321 = tpu.memref_slice %arg3[%run_scoped3A_276, %dma_start3A_319, %dma_start3A_320] : memref<2x3394x96xi32, #tpu.memory_space<hbm>> -> memref<1x3394x96xi32, #tpu.memory_space<hbm>>
      %dma_start3A_322 = tpu.memref_squeeze %dma_start3A_321 : memref<1x3394x96xi32, #tpu.memory_space<hbm>> -> memref<3394x96xi32, #tpu.memory_space<hbm>>
      %dma_start3A_323 = arith.constant 0 : i32
      %dma_start3A_324 = tpu.memref_slice %dma_start3A_322[%mul3A_4, %dma_start3A_323] : memref<3394x96xi32, #tpu.memory_space<hbm>> -> memref<2x96xi32, #tpu.memory_space<hbm>>
      tpu.enqueue_dma source(%dma_start3A_324 : memref<2x96xi32, #tpu.memory_space<hbm>>) target(%dma_start3A_318 : memref<2x96xi32, #tpu.memory_space<vmem>>) target_semaphore(%run_scoped3A_304 : memref<!tpu.dma_semaphore, #tpu.memory_space<semaphore_mem>>)
      %dma_wait3A_325 = arith.constant 0 : i32
      %dma_wait3A_326 = arith.constant 0 : i32
      %dma_wait3A_327 = tpu.memref_slice %arg9[%run_scoped3A_277, %dma_wait3A_325, %dma_wait3A_326] : memref<2x2x96xi32, #tpu.memory_space<vmem>> -> memref<1x2x96xi32, #tpu.memory_space<vmem>>
      %dma_wait3A_328 = tpu.memref_squeeze %dma_wait3A_327 : memref<1x2x96xi32, #tpu.memory_space<vmem>> -> memref<2x96xi32, #tpu.memory_space<vmem>>
      %dma_wait3A_329 = arith.constant 0 : i32
      %dma_wait3A_330 = arith.constant 0 : i32
      %dma_wait3A_331 = tpu.memref_slice %arg3[%run_scoped3A_276, %dma_wait3A_329, %dma_wait3A_330] : memref<2x3394x96xi32, #tpu.memory_space<hbm>> -> memref<1x3394x96xi32, #tpu.memory_space<hbm>>
      %dma_wait3A_332 = tpu.memref_squeeze %dma_wait3A_331 : memref<1x3394x96xi32, #tpu.memory_space<hbm>> -> memref<3394x96xi32, #tpu.memory_space<hbm>>
      %dma_wait3A_333 = arith.constant 0 : i32
      %dma_wait3A_334 = tpu.memref_slice %dma_wait3A_332[%mul3A_4, %dma_wait3A_333] : memref<3394x96xi32, #tpu.memory_space<hbm>> -> memref<2x96xi32, #tpu.memory_space<hbm>>
      %dma_wait3A_335 = arith.constant 0 : i32
      %dma_wait3A_336 = arith.constant 0 : i32
      %dma_wait3A_337 = tpu.memref_slice %arg9[%run_scoped3A_277, %dma_wait3A_335, %dma_wait3A_336] : memref<2x2x96xi32, #tpu.memory_space<vmem>> -> memref<1x2x96xi32, #tpu.memory_space<vmem>>
      %dma_wait3A_338 = tpu.memref_squeeze %dma_wait3A_337 : memref<1x2x96xi32, #tpu.memory_space<vmem>> -> memref<2x96xi32, #tpu.memory_space<vmem>>
      %dma_wait3A_339 = arith.constant 0 : i32
      %dma_wait3A_340 = arith.constant 0 : i32
      %dma_wait3A_341 = tpu.memref_slice %arg3[%run_scoped3A_276, %dma_wait3A_339, %dma_wait3A_340] : memref<2x3394x96xi32, #tpu.memory_space<hbm>> -> memref<1x3394x96xi32, #tpu.memory_space<hbm>>
      %dma_wait3A_342 = tpu.memref_squeeze %dma_wait3A_341 : memref<1x3394x96xi32, #tpu.memory_space<hbm>> -> memref<3394x96xi32, #tpu.memory_space<hbm>>
      %dma_wait3A_343 = arith.constant 0 : i32
      %dma_wait3A_344 = tpu.memref_slice %dma_wait3A_342[%mul3A_4, %dma_wait3A_343] : memref<3394x96xi32, #tpu.memory_space<hbm>> -> memref<2x96xi32, #tpu.memory_space<hbm>>
      tpu.wait_dma2 semaphore(%run_scoped3A_304 : memref<!tpu.dma_semaphore, #tpu.memory_space<semaphore_mem>>) src(%dma_wait3A_344 : memref<2x96xi32, #tpu.memory_space<hbm>>) dst(%dma_wait3A_338 : memref<2x96xi32, #tpu.memory_space<vmem>>)
      tpu.yield
    }) : () -> ()
    %dma_start3A = arith.constant 0 : i32
    %dma_start3A_278 = arith.constant 0 : i32
    %dma_start3A_279 = arith.constant 0 : i32
    %dma_start3A_280 = tpu.memref_slice %arg8[%dma_start3A, %dma_start3A_278, %dma_start3A_279] : memref<2x2x96xi32, #tpu.memory_space<vmem>> -> memref<1x1x96xi32, #tpu.memory_space<vmem>>
    %dma_start3A_281 = tpu.memref_squeeze %dma_start3A_280 : memref<1x1x96xi32, #tpu.memory_space<vmem>> -> memref<96xi32, #tpu.memory_space<vmem>>
    %dma_start3A_282 = arith.constant 0 : i32
    %dma_start3A_283 = arith.constant 0 : i32
    %dma_start3A_284 = tpu.memref_slice %arg2[%dma_start3A_282, %dma_start3A_283] : memref<10000x128xf32, #tpu.memory_space<hbm>> -> memref<10000x128xf32, #tpu.memory_space<hbm>>
    tpu.enqueue_indirect_dma source(%dma_start3A_284 : memref<10000x128xf32, #tpu.memory_space<hbm>>) target(%arg10 : memref<96x128xf32, #tpu.memory_space<vmem>>) offsets(%dma_start3A_281 : memref<96xi32, #tpu.memory_space<vmem>>) semaphore(%arg13 : memref<!tpu.dma_semaphore, #tpu.memory_space<semaphore_mem>>)
    %scan3A = arith.constant 0 : i32
    %scan3A_285 = arith.constant 0 : i32
    %scan3A_286 = arith.constant 1 : i32
    %scan3A_287 = arith.constant 0 : i32
    %scan3A_288 = arith.constant 53 : i32
    %scan3A_289 = arith.addi %scan3A_287, %scan3A_288 : i32
    %scan3A_290 = arith.constant 1 : i32
    scf.for %scan3A_304 = %scan3A_287 to %scan3A_289 step %scan3A_290  : i32 {
      %and3A_305 = arith.constant 1 : i32
      %and3A_306 = arith.andi %scan3A_304, %and3A_305 : i32
      %sub3A_307 = arith.constant 1 : i32
      %sub3A_308 = arith.subi %sub3A_307, %and3A_306 : i32
      %add3A_309 = arith.constant 1 : i32
      %add3A_310 = arith.addi %scan3A_304, %add3A_309 : i32
      %mul3A_311 = arith.constant 2 : i32
      %mul3A_312 = arith.muli %add3A_310, %mul3A_311 : i32
      %add3A_313 = arith.addi %mul3A_4, %mul3A_312 : i32
      %dma_start3A_314 = arith.constant 0 : i32
      %dma_start3A_315 = arith.constant 0 : i32
      %dma_start3A_316 = tpu.memref_slice %arg8[%sub3A_308, %dma_start3A_314, %dma_start3A_315] : memref<2x2x96xi32, #tpu.memory_space<vmem>> -> memref<1x2x96xi32, #tpu.memory_space<vmem>>
      %dma_start3A_317 = tpu.memref_squeeze %dma_start3A_316 : memref<1x2x96xi32, #tpu.memory_space<vmem>> -> memref<2x96xi32, #tpu.memory_space<vmem>>
      %dma_start3A_318 = arith.constant 0 : i32
      %dma_start3A_319 = arith.constant 0 : i32
      %dma_start3A_320 = tpu.memref_slice %arg3[%scan3A_285, %dma_start3A_318, %dma_start3A_319] : memref<2x3394x96xi32, #tpu.memory_space<hbm>> -> memref<1x3394x96xi32, #tpu.memory_space<hbm>>
      %dma_start3A_321 = tpu.memref_squeeze %dma_start3A_320 : memref<1x3394x96xi32, #tpu.memory_space<hbm>> -> memref<3394x96xi32, #tpu.memory_space<hbm>>
      %dma_start3A_322 = arith.constant 0 : i32
      %dma_start3A_323 = tpu.memref_slice %dma_start3A_321[%add3A_313, %dma_start3A_322] : memref<3394x96xi32, #tpu.memory_space<hbm>> -> memref<2x96xi32, #tpu.memory_space<hbm>>
      %dma_start3A_324 = arith.constant 0 : i32
      %dma_start3A_325 = arith.constant 0 : i32
      %dma_start3A_326 = tpu.memref_slice %arg8[%sub3A_308, %dma_start3A_324, %dma_start3A_325] : memref<2x2x96xi32, #tpu.memory_space<vmem>> -> memref<1x2x96xi32, #tpu.memory_space<vmem>>
      %dma_start3A_327 = tpu.memref_squeeze %dma_start3A_326 : memref<1x2x96xi32, #tpu.memory_space<vmem>> -> memref<2x96xi32, #tpu.memory_space<vmem>>
      %dma_start3A_328 = arith.constant 0 : i32
      %dma_start3A_329 = arith.constant 0 : i32
      %dma_start3A_330 = tpu.memref_slice %arg3[%scan3A_285, %dma_start3A_328, %dma_start3A_329] : memref<2x3394x96xi32, #tpu.memory_space<hbm>> -> memref<1x3394x96xi32, #tpu.memory_space<hbm>>
      %dma_start3A_331 = tpu.memref_squeeze %dma_start3A_330 : memref<1x3394x96xi32, #tpu.memory_space<hbm>> -> memref<3394x96xi32, #tpu.memory_space<hbm>>
      %dma_start3A_332 = arith.constant 0 : i32
      %dma_start3A_333 = tpu.memref_slice %dma_start3A_331[%add3A_313, %dma_start3A_332] : memref<3394x96xi32, #tpu.memory_space<hbm>> -> memref<2x96xi32, #tpu.memory_space<hbm>>
      tpu.enqueue_dma source(%dma_start3A_333 : memref<2x96xi32, #tpu.memory_space<hbm>>) target(%dma_start3A_327 : memref<2x96xi32, #tpu.memory_space<vmem>>) target_semaphore(%arg15 : memref<!tpu.dma_semaphore, #tpu.memory_space<semaphore_mem>>)
      %dma_start3A_334 = arith.constant 0 : i32
      %dma_start3A_335 = arith.constant 0 : i32
      %dma_start3A_336 = tpu.memref_slice %arg9[%sub3A_308, %dma_start3A_334, %dma_start3A_335] : memref<2x2x96xi32, #tpu.memory_space<vmem>> -> memref<1x2x96xi32, #tpu.memory_space<vmem>>
      %dma_start3A_337 = tpu.memref_squeeze %dma_start3A_336 : memref<1x2x96xi32, #tpu.memory_space<vmem>> -> memref<2x96xi32, #tpu.memory_space<vmem>>
      %dma_start3A_338 = arith.constant 0 : i32
      %dma_start3A_339 = arith.constant 0 : i32
      %dma_start3A_340 = tpu.memref_slice %arg3[%scan3A_286, %dma_start3A_338, %dma_start3A_339] : memref<2x3394x96xi32, #tpu.memory_space<hbm>> -> memref<1x3394x96xi32, #tpu.memory_space<hbm>>
      %dma_start3A_341 = tpu.memref_squeeze %dma_start3A_340 : memref<1x3394x96xi32, #tpu.memory_space<hbm>> -> memref<3394x96xi32, #tpu.memory_space<hbm>>
      %dma_start3A_342 = arith.constant 0 : i32
      %dma_start3A_343 = tpu.memref_slice %dma_start3A_341[%add3A_313, %dma_start3A_342] : memref<3394x96xi32, #tpu.memory_space<hbm>> -> memref<2x96xi32, #tpu.memory_space<hbm>>
      %dma_start3A_344 = arith.constant 0 : i32
      %dma_start3A_345 = arith.constant 0 : i32
      %dma_start3A_346 = tpu.memref_slice %arg9[%sub3A_308, %dma_start3A_344, %dma_start3A_345] : memref<2x2x96xi32, #tpu.memory_space<vmem>> -> memref<1x2x96xi32, #tpu.memory_space<vmem>>
      %dma_start3A_347 = tpu.memref_squeeze %dma_start3A_346 : memref<1x2x96xi32, #tpu.memory_space<vmem>> -> memref<2x96xi32, #tpu.memory_space<vmem>>
      %dma_start3A_348 = arith.constant 0 : i32
      %dma_start3A_349 = arith.constant 0 : i32
      %dma_start3A_350 = tpu.memref_slice %arg3[%scan3A_286, %dma_start3A_348, %dma_start3A_349] : memref<2x3394x96xi32, #tpu.memory_space<hbm>> -> memref<1x3394x96xi32, #tpu.memory_space<hbm>>
      %dma_start3A_351 = tpu.memref_squeeze %dma_start3A_350 : memref<1x3394x96xi32, #tpu.memory_space<hbm>> -> memref<3394x96xi32, #tpu.memory_space<hbm>>
      %dma_start3A_352 = arith.constant 0 : i32
      %dma_start3A_353 = tpu.memref_slice %dma_start3A_351[%add3A_313, %dma_start3A_352] : memref<3394x96xi32, #tpu.memory_space<hbm>> -> memref<2x96xi32, #tpu.memory_space<hbm>>
      tpu.enqueue_dma source(%dma_start3A_353 : memref<2x96xi32, #tpu.memory_space<hbm>>) target(%dma_start3A_347 : memref<2x96xi32, #tpu.memory_space<vmem>>) target_semaphore(%arg15 : memref<!tpu.dma_semaphore, #tpu.memory_space<semaphore_mem>>)
      %dma_start3A_354 = arith.constant 1 : i32
      %dma_start3A_355 = arith.constant 0 : i32
      %dma_start3A_356 = tpu.memref_slice %arg8[%and3A_306, %dma_start3A_354, %dma_start3A_355] : memref<2x2x96xi32, #tpu.memory_space<vmem>> -> memref<1x1x96xi32, #tpu.memory_space<vmem>>
      %dma_start3A_357 = tpu.memref_squeeze %dma_start3A_356 : memref<1x1x96xi32, #tpu.memory_space<vmem>> -> memref<96xi32, #tpu.memory_space<vmem>>
      %dma_start3A_358 = arith.constant 0 : i32
      %dma_start3A_359 = arith.constant 0 : i32
      %dma_start3A_360 = tpu.memref_slice %arg2[%dma_start3A_358, %dma_start3A_359] : memref<10000x128xf32, #tpu.memory_space<hbm>> -> memref<10000x128xf32, #tpu.memory_space<hbm>>
      tpu.enqueue_indirect_dma source(%dma_start3A_360 : memref<10000x128xf32, #tpu.memory_space<hbm>>) target(%arg11 : memref<96x128xf32, #tpu.memory_space<vmem>>) offsets(%dma_start3A_357 : memref<96xi32, #tpu.memory_space<vmem>>) semaphore(%arg14 : memref<!tpu.dma_semaphore, #tpu.memory_space<semaphore_mem>>)
      %dma_wait3A_361 = arith.constant 0 : i32
      %dma_wait3A_362 = arith.constant 0 : i32
      %dma_wait3A_363 = tpu.memref_slice %arg2[%dma_wait3A_361, %dma_wait3A_362] : memref<10000x128xf32, #tpu.memory_space<hbm>> -> memref<96x128xf32, #tpu.memory_space<hbm>>
      %dma_wait3A_364 = arith.constant 0 : i32
      %dma_wait3A_365 = arith.constant 0 : i32
      %dma_wait3A_366 = tpu.memref_slice %arg2[%dma_wait3A_364, %dma_wait3A_365] : memref<10000x128xf32, #tpu.memory_space<hbm>> -> memref<96x128xf32, #tpu.memory_space<hbm>>
      tpu.wait_dma2 semaphore(%arg13 : memref<!tpu.dma_semaphore, #tpu.memory_space<semaphore_mem>>) src(%dma_wait3A_366 : memref<96x128xf32, #tpu.memory_space<hbm>>) dst(%arg10 : memref<96x128xf32, #tpu.memory_space<vmem>>)
      %run_scoped3A_367 = arith.constant 0 : i32
      "tpu.region"() ({
        %run_scoped3A_497 = tpu.sem_alloc : memref<!tpu.dma_semaphore, #tpu.memory_space<semaphore_mem>>
        %dma_start3A_498 = arith.constant 0 : i32
        %dma_start3A_499 = tpu.memref_slice %arg9[%and3A_306, %run_scoped3A_367, %dma_start3A_498] : memref<2x2x96xi32, #tpu.memory_space<vmem>> -> memref<1x1x96xi32, #tpu.memory_space<vmem>>
        %dma_start3A_500 = tpu.memref_squeeze %dma_start3A_499 : memref<1x1x96xi32, #tpu.memory_space<vmem>> -> memref<96xi32, #tpu.memory_space<vmem>>
        %dma_start3A_501 = arith.constant 0 : i32
        %dma_start3A_502 = arith.constant 0 : i32
        %dma_start3A_503 = tpu.memref_slice %arg12[%dma_start3A_501, %dma_start3A_502] : memref<10240x128xf32, #tpu.memory_space<vmem_shared>> -> memref<10240x128xf32, #tpu.memory_space<vmem_shared>>
        tpu.enqueue_indirect_dma source(%arg10 : memref<96x128xf32, #tpu.memory_space<vmem>>) target(%dma_start3A_503 : memref<10240x128xf32, #tpu.memory_space<vmem_shared>>) offsets(%dma_start3A_500 : memref<96xi32, #tpu.memory_space<vmem>>) semaphore(%run_scoped3A_497 : memref<!tpu.dma_semaphore, #tpu.memory_space<semaphore_mem>>) {add = true}
        %dma_wait3A_504 = arith.constant 0 : i32
        %dma_wait3A_505 = tpu.memref_slice %arg9[%and3A_306, %run_scoped3A_367, %dma_wait3A_504] : memref<2x2x96xi32, #tpu.memory_space<vmem>> -> memref<1x1x96xi32, #tpu.memory_space<vmem>>
        %dma_wait3A_506 = tpu.memref_squeeze %dma_wait3A_505 : memref<1x1x96xi32, #tpu.memory_space<vmem>> -> memref<96xi32, #tpu.memory_space<vmem>>
        %dma_wait3A_507 = arith.constant 0 : i32
        %dma_wait3A_508 = arith.constant 0 : i32
        %dma_wait3A_509 = tpu.memref_slice %arg12[%dma_wait3A_507, %dma_wait3A_508] : memref<10240x128xf32, #tpu.memory_space<vmem_shared>> -> memref<10240x128xf32, #tpu.memory_space<vmem_shared>>
        tpu.wait_indirect_dma semaphore(%run_scoped3A_497 : memref<!tpu.dma_semaphore, #tpu.memory_space<semaphore_mem>>) src(%arg10 : memref<96x128xf32, #tpu.memory_space<vmem>>) dst(%dma_wait3A_509 : memref<10240x128xf32, #tpu.memory_space<vmem_shared>>)
        tpu.yield
      }) : () -> ()
      %get3A = arith.constant 0 : i32
      %get3A_368 = arith.index_cast %and3A_306 : i32 to index
      %get3A_369 = arith.index_cast %get3A : i32 to index
      %get3A_370 = arith.constant 0 : index
      %get3A_371 = tpu.vector_load %arg9[%get3A_368, %get3A_369, %get3A_370] {strides = array<i32>} : memref<2x2x96xi32, #tpu.memory_space<vmem>>, vector<16xi32>,
      %add3A_372 = arith.addi %get3A_371, %mul3A_9 : vector<16xi32>
      tpu.vector_store_idx %arg16[%add3A_372], %broadcast_in_dim3A_10 masked %eq3A_36 {add = true} : memref<20480xf32, #tpu.memory_space<vmem>>[vector<16xi32>], vector<16xf32>, vector<16xi1>
      tpu.vector_store_idx %arg16[%add3A_372], %broadcast_in_dim3A_10 masked %eq3A_70 {add = true} : memref<20480xf32, #tpu.memory_space<vmem>>[vector<16xi32>], vector<16xf32>, vector<16xi1>
      tpu.vector_store_idx %arg16[%add3A_372], %broadcast_in_dim3A_10 masked %eq3A_104 {add = true} : memref<20480xf32, #tpu.memory_space<vmem>>[vector<16xi32>], vector<16xf32>, vector<16xi1>
      tpu.vector_store_idx %arg16[%add3A_372], %broadcast_in_dim3A_10 masked %eq3A_138 {add = true} : memref<20480xf32, #tpu.memory_space<vmem>>[vector<16xi32>], vector<16xf32>, vector<16xi1>
      tpu.vector_store_idx %arg16[%add3A_372], %broadcast_in_dim3A_10 masked %eq3A_172 {add = true} : memref<20480xf32, #tpu.memory_space<vmem>>[vector<16xi32>], vector<16xf32>, vector<16xi1>
      tpu.vector_store_idx %arg16[%add3A_372], %broadcast_in_dim3A_10 masked %eq3A_206 {add = true} : memref<20480xf32, #tpu.memory_space<vmem>>[vector<16xi32>], vector<16xf32>, vector<16xi1>
      tpu.vector_store_idx %arg16[%add3A_372], %broadcast_in_dim3A_10 masked %eq3A_240 {add = true} : memref<20480xf32, #tpu.memory_space<vmem>>[vector<16xi32>], vector<16xf32>, vector<16xi1>
      tpu.vector_store_idx %arg16[%add3A_372], %broadcast_in_dim3A_10 masked %eq3A_274 {add = true} : memref<20480xf32, #tpu.memory_space<vmem>>[vector<16xi32>], vector<16xf32>, vector<16xi1>
      %get3A_373 = arith.constant 0 : i32
      %get3A_374 = arith.index_cast %and3A_306 : i32 to index
      %get3A_375 = arith.index_cast %get3A_373 : i32 to index
      %get3A_376 = arith.constant 16 : index
      %get3A_377 = tpu.vector_load %arg9[%get3A_374, %get3A_375, %get3A_376] {strides = array<i32>} : memref<2x2x96xi32, #tpu.memory_space<vmem>>, vector<16xi32>,
      %add3A_378 = arith.addi %get3A_377, %mul3A_9 : vector<16xi32>
      tpu.vector_store_idx %arg16[%add3A_378], %broadcast_in_dim3A_10 masked %eq3A_36 {add = true} : memref<20480xf32, #tpu.memory_space<vmem>>[vector<16xi32>], vector<16xf32>, vector<16xi1>
      tpu.vector_store_idx %arg16[%add3A_378], %broadcast_in_dim3A_10 masked %eq3A_70 {add = true} : memref<20480xf32, #tpu.memory_space<vmem>>[vector<16xi32>], vector<16xf32>, vector<16xi1>
      tpu.vector_store_idx %arg16[%add3A_378], %broadcast_in_dim3A_10 masked %eq3A_104 {add = true} : memref<20480xf32, #tpu.memory_space<vmem>>[vector<16xi32>], vector<16xf32>, vector<16xi1>
      tpu.vector_store_idx %arg16[%add3A_378], %broadcast_in_dim3A_10 masked %eq3A_138 {add = true} : memref<20480xf32, #tpu.memory_space<vmem>>[vector<16xi32>], vector<16xf32>, vector<16xi1>
      tpu.vector_store_idx %arg16[%add3A_378], %broadcast_in_dim3A_10 masked %eq3A_172 {add = true} : memref<20480xf32, #tpu.memory_space<vmem>>[vector<16xi32>], vector<16xf32>, vector<16xi1>
      tpu.vector_store_idx %arg16[%add3A_378], %broadcast_in_dim3A_10 masked %eq3A_206 {add = true} : memref<20480xf32, #tpu.memory_space<vmem>>[vector<16xi32>], vector<16xf32>, vector<16xi1>
      tpu.vector_store_idx %arg16[%add3A_378], %broadcast_in_dim3A_10 masked %eq3A_240 {add = true} : memref<20480xf32, #tpu.memory_space<vmem>>[vector<16xi32>], vector<16xf32>, vector<16xi1>
      tpu.vector_store_idx %arg16[%add3A_378], %broadcast_in_dim3A_10 masked %eq3A_274 {add = true} : memref<20480xf32, #tpu.memory_space<vmem>>[vector<16xi32>], vector<16xf32>, vector<16xi1>
      %get3A_379 = arith.constant 0 : i32
      %get3A_380 = arith.index_cast %and3A_306 : i32 to index
      %get3A_381 = arith.index_cast %get3A_379 : i32 to index
      %get3A_382 = arith.constant 32 : index
      %get3A_383 = tpu.vector_load %arg9[%get3A_380, %get3A_381, %get3A_382] {strides = array<i32>} : memref<2x2x96xi32, #tpu.memory_space<vmem>>, vector<16xi32>,
      %add3A_384 = arith.addi %get3A_383, %mul3A_9 : vector<16xi32>
      tpu.vector_store_idx %arg16[%add3A_384], %broadcast_in_dim3A_10 masked %eq3A_36 {add = true} : memref<20480xf32, #tpu.memory_space<vmem>>[vector<16xi32>], vector<16xf32>, vector<16xi1>
      tpu.vector_store_idx %arg16[%add3A_384], %broadcast_in_dim3A_10 masked %eq3A_70 {add = true} : memref<20480xf32, #tpu.memory_space<vmem>>[vector<16xi32>], vector<16xf32>, vector<16xi1>
      tpu.vector_store_idx %arg16[%add3A_384], %broadcast_in_dim3A_10 masked %eq3A_104 {add = true} : memref<20480xf32, #tpu.memory_space<vmem>>[vector<16xi32>], vector<16xf32>, vector<16xi1>
      tpu.vector_store_idx %arg16[%add3A_384], %broadcast_in_dim3A_10 masked %eq3A_138 {add = true} : memref<20480xf32, #tpu.memory_space<vmem>>[vector<16xi32>], vector<16xf32>, vector<16xi1>
      tpu.vector_store_idx %arg16[%add3A_384], %broadcast_in_dim3A_10 masked %eq3A_172 {add = true} : memref<20480xf32, #tpu.memory_space<vmem>>[vector<16xi32>], vector<16xf32>, vector<16xi1>
      tpu.vector_store_idx %arg16[%add3A_384], %broadcast_in_dim3A_10 masked %eq3A_206 {add = true} : memref<20480xf32, #tpu.memory_space<vmem>>[vector<16xi32>], vector<16xf32>, vector<16xi1>
      tpu.vector_store_idx %arg16[%add3A_384], %broadcast_in_dim3A_10 masked %eq3A_240 {add = true} : memref<20480xf32, #tpu.memory_space<vmem>>[vector<16xi32>], vector<16xf32>, vector<16xi1>
      tpu.vector_store_idx %arg16[%add3A_384], %broadcast_in_dim3A_10 masked %eq3A_274 {add = true} : memref<20480xf32, #tpu.memory_space<vmem>>[vector<16xi32>], vector<16xf32>, vector<16xi1>
      %get3A_385 = arith.constant 0 : i32
      %get3A_386 = arith.index_cast %and3A_306 : i32 to index
      %get3A_387 = arith.index_cast %get3A_385 : i32 to index
      %get3A_388 = arith.constant 48 : index
      %get3A_389 = tpu.vector_load %arg9[%get3A_386, %get3A_387, %get3A_388] {strides = array<i32>} : memref<2x2x96xi32, #tpu.memory_space<vmem>>, vector<16xi32>,
      %add3A_390 = arith.addi %get3A_389, %mul3A_9 : vector<16xi32>
      tpu.vector_store_idx %arg16[%add3A_390], %broadcast_in_dim3A_10 masked %eq3A_36 {add = true} : memref<20480xf32, #tpu.memory_space<vmem>>[vector<16xi32>], vector<16xf32>, vector<16xi1>
      tpu.vector_store_idx %arg16[%add3A_390], %broadcast_in_dim3A_10 masked %eq3A_70 {add = true} : memref<20480xf32, #tpu.memory_space<vmem>>[vector<16xi32>], vector<16xf32>, vector<16xi1>
      tpu.vector_store_idx %arg16[%add3A_390], %broadcast_in_dim3A_10 masked %eq3A_104 {add = true} : memref<20480xf32, #tpu.memory_space<vmem>>[vector<16xi32>], vector<16xf32>, vector<16xi1>
      tpu.vector_store_idx %arg16[%add3A_390], %broadcast_in_dim3A_10 masked %eq3A_138 {add = true} : memref<20480xf32, #tpu.memory_space<vmem>>[vector<16xi32>], vector<16xf32>, vector<16xi1>
      tpu.vector_store_idx %arg16[%add3A_390], %broadcast_in_dim3A_10 masked %eq3A_172 {add = true} : memref<20480xf32, #tpu.memory_space<vmem>>[vector<16xi32>], vector<16xf32>, vector<16xi1>
      tpu.vector_store_idx %arg16[%add3A_390], %broadcast_in_dim3A_10 masked %eq3A_206 {add = true} : memref<20480xf32, #tpu.memory_space<vmem>>[vector<16xi32>], vector<16xf32>, vector<16xi1>
      tpu.vector_store_idx %arg16[%add3A_390], %broadcast_in_dim3A_10 masked %eq3A_240 {add = true} : memref<20480xf32, #tpu.memory_space<vmem>>[vector<16xi32>], vector<16xf32>, vector<16xi1>
      tpu.vector_store_idx %arg16[%add3A_390], %broadcast_in_dim3A_10 masked %eq3A_274 {add = true} : memref<20480xf32, #tpu.memory_space<vmem>>[vector<16xi32>], vector<16xf32>, vector<16xi1>
      %get3A_391 = arith.constant 0 : i32
      %get3A_392 = arith.index_cast %and3A_306 : i32 to index
      %get3A_393 = arith.index_cast %get3A_391 : i32 to index
      %get3A_394 = arith.constant 64 : index
      %get3A_395 = tpu.vector_load %arg9[%get3A_392, %get3A_393, %get3A_394] {strides = array<i32>} : memref<2x2x96xi32, #tpu.memory_space<vmem>>, vector<16xi32>,
      %add3A_396 = arith.addi %get3A_395, %mul3A_9 : vector<16xi32>
      tpu.vector_store_idx %arg16[%add3A_396], %broadcast_in_dim3A_10 masked %eq3A_36 {add = true} : memref<20480xf32, #tpu.memory_space<vmem>>[vector<16xi32>], vector<16xf32>, vector<16xi1>
      tpu.vector_store_idx %arg16[%add3A_396], %broadcast_in_dim3A_10 masked %eq3A_70 {add = true} : memref<20480xf32, #tpu.memory_space<vmem>>[vector<16xi32>], vector<16xf32>, vector<16xi1>
      tpu.vector_store_idx %arg16[%add3A_396], %broadcast_in_dim3A_10 masked %eq3A_104 {add = true} : memref<20480xf32, #tpu.memory_space<vmem>>[vector<16xi32>], vector<16xf32>, vector<16xi1>
      tpu.vector_store_idx %arg16[%add3A_396], %broadcast_in_dim3A_10 masked %eq3A_138 {add = true} : memref<20480xf32, #tpu.memory_space<vmem>>[vector<16xi32>], vector<16xf32>, vector<16xi1>
      tpu.vector_store_idx %arg16[%add3A_396], %broadcast_in_dim3A_10 masked %eq3A_172 {add = true} : memref<20480xf32, #tpu.memory_space<vmem>>[vector<16xi32>], vector<16xf32>, vector<16xi1>
      tpu.vector_store_idx %arg16[%add3A_396], %broadcast_in_dim3A_10 masked %eq3A_206 {add = true} : memref<20480xf32, #tpu.memory_space<vmem>>[vector<16xi32>], vector<16xf32>, vector<16xi1>
      tpu.vector_store_idx %arg16[%add3A_396], %broadcast_in_dim3A_10 masked %eq3A_240 {add = true} : memref<20480xf32, #tpu.memory_space<vmem>>[vector<16xi32>], vector<16xf32>, vector<16xi1>
      tpu.vector_store_idx %arg16[%add3A_396], %broadcast_in_dim3A_10 masked %eq3A_274 {add = true} : memref<20480xf32, #tpu.memory_space<vmem>>[vector<16xi32>], vector<16xf32>, vector<16xi1>
      %get3A_397 = arith.constant 0 : i32
      %get3A_398 = arith.index_cast %and3A_306 : i32 to index
      %get3A_399 = arith.index_cast %get3A_397 : i32 to index
      %get3A_400 = arith.constant 80 : index
      %get3A_401 = tpu.vector_load %arg9[%get3A_398, %get3A_399, %get3A_400] {strides = array<i32>} : memref<2x2x96xi32, #tpu.memory_space<vmem>>, vector<16xi32>,
      %add3A_402 = arith.addi %get3A_401, %mul3A_9 : vector<16xi32>
      tpu.vector_store_idx %arg16[%add3A_402], %broadcast_in_dim3A_10 masked %eq3A_36 {add = true} : memref<20480xf32, #tpu.memory_space<vmem>>[vector<16xi32>], vector<16xf32>, vector<16xi1>
      tpu.vector_store_idx %arg16[%add3A_402], %broadcast_in_dim3A_10 masked %eq3A_70 {add = true} : memref<20480xf32, #tpu.memory_space<vmem>>[vector<16xi32>], vector<16xf32>, vector<16xi1>
      tpu.vector_store_idx %arg16[%add3A_402], %broadcast_in_dim3A_10 masked %eq3A_104 {add = true} : memref<20480xf32, #tpu.memory_space<vmem>>[vector<16xi32>], vector<16xf32>, vector<16xi1>
      tpu.vector_store_idx %arg16[%add3A_402], %broadcast_in_dim3A_10 masked %eq3A_138 {add = true} : memref<20480xf32, #tpu.memory_space<vmem>>[vector<16xi32>], vector<16xf32>, vector<16xi1>
      tpu.vector_store_idx %arg16[%add3A_402], %broadcast_in_dim3A_10 masked %eq3A_172 {add = true} : memref<20480xf32, #tpu.memory_space<vmem>>[vector<16xi32>], vector<16xf32>, vector<16xi1>
      tpu.vector_store_idx %arg16[%add3A_402], %broadcast_in_dim3A_10 masked %eq3A_206 {add = true} : memref<20480xf32, #tpu.memory_space<vmem>>[vector<16xi32>], vector<16xf32>, vector<16xi1>
      tpu.vector_store_idx %arg16[%add3A_402], %broadcast_in_dim3A_10 masked %eq3A_240 {add = true} : memref<20480xf32, #tpu.memory_space<vmem>>[vector<16xi32>], vector<16xf32>, vector<16xi1>
      tpu.vector_store_idx %arg16[%add3A_402], %broadcast_in_dim3A_10 masked %eq3A_274 {add = true} : memref<20480xf32, #tpu.memory_space<vmem>>[vector<16xi32>], vector<16xf32>, vector<16xi1>
      %dma_wait3A_403 = arith.constant 0 : i32
      %dma_wait3A_404 = arith.constant 0 : i32
      %dma_wait3A_405 = tpu.memref_slice %arg8[%and3A_306, %dma_wait3A_403, %dma_wait3A_404] : memref<2x2x96xi32, #tpu.memory_space<vmem>> -> memref<1x2x96xi32, #tpu.memory_space<vmem>>
      %dma_wait3A_406 = tpu.memref_squeeze %dma_wait3A_405 : memref<1x2x96xi32, #tpu.memory_space<vmem>> -> memref<2x96xi32, #tpu.memory_space<vmem>>
      %dma_wait3A_407 = arith.constant 0 : i32
      %dma_wait3A_408 = arith.constant 0 : i32
      %dma_wait3A_409 = tpu.memref_slice %arg3[%scan3A_285, %dma_wait3A_407, %dma_wait3A_408] : memref<2x3394x96xi32, #tpu.memory_space<hbm>> -> memref<1x3394x96xi32, #tpu.memory_space<hbm>>
      %dma_wait3A_410 = tpu.memref_squeeze %dma_wait3A_409 : memref<1x3394x96xi32, #tpu.memory_space<hbm>> -> memref<3394x96xi32, #tpu.memory_space<hbm>>
      %dma_wait3A_411 = arith.constant 0 : i32
      %dma_wait3A_412 = arith.constant 0 : i32
      %dma_wait3A_413 = tpu.memref_slice %dma_wait3A_410[%dma_wait3A_411, %dma_wait3A_412] : memref<3394x96xi32, #tpu.memory_space<hbm>> -> memref<2x96xi32, #tpu.memory_space<hbm>>
      %dma_wait3A_414 = arith.constant 0 : i32
      %dma_wait3A_415 = arith.constant 0 : i32
      %dma_wait3A_416 = tpu.memref_slice %arg8[%and3A_306, %dma_wait3A_414, %dma_wait3A_415] : memref<2x2x96xi32, #tpu.memory_space<vmem>> -> memref<1x2x96xi32, #tpu.memory_space<vmem>>
      %dma_wait3A_417 = tpu.memref_squeeze %dma_wait3A_416 : memref<1x2x96xi32, #tpu.memory_space<vmem>> -> memref<2x96xi32, #tpu.memory_space<vmem>>
      %dma_wait3A_418 = arith.constant 0 : i32
      %dma_wait3A_419 = arith.constant 0 : i32
      %dma_wait3A_420 = tpu.memref_slice %arg3[%scan3A_285, %dma_wait3A_418, %dma_wait3A_419] : memref<2x3394x96xi32, #tpu.memory_space<hbm>> -> memref<1x3394x96xi32, #tpu.memory_space<hbm>>
      %dma_wait3A_421 = tpu.memref_squeeze %dma_wait3A_420 : memref<1x3394x96xi32, #tpu.memory_space<hbm>> -> memref<3394x96xi32, #tpu.memory_space<hbm>>
      %dma_wait3A_422 = arith.constant 0 : i32
      %dma_wait3A_423 = arith.constant 0 : i32
      %dma_wait3A_424 = tpu.memref_slice %dma_wait3A_421[%dma_wait3A_422, %dma_wait3A_423] : memref<3394x96xi32, #tpu.memory_space<hbm>> -> memref<2x96xi32, #tpu.memory_space<hbm>>
      tpu.wait_dma2 semaphore(%arg15 : memref<!tpu.dma_semaphore, #tpu.memory_space<semaphore_mem>>) src(%dma_wait3A_424 : memref<2x96xi32, #tpu.memory_space<hbm>>) dst(%dma_wait3A_417 : memref<2x96xi32, #tpu.memory_space<vmem>>)
      %dma_wait3A_425 = arith.constant 0 : i32
      %dma_wait3A_426 = arith.constant 0 : i32
      %dma_wait3A_427 = tpu.memref_slice %arg9[%and3A_306, %dma_wait3A_425, %dma_wait3A_426] : memref<2x2x96xi32, #tpu.memory_space<vmem>> -> memref<1x2x96xi32, #tpu.memory_space<vmem>>
      %dma_wait3A_428 = tpu.memref_squeeze %dma_wait3A_427 : memref<1x2x96xi32, #tpu.memory_space<vmem>> -> memref<2x96xi32, #tpu.memory_space<vmem>>
      %dma_wait3A_429 = arith.constant 0 : i32
      %dma_wait3A_430 = arith.constant 0 : i32
      %dma_wait3A_431 = tpu.memref_slice %arg3[%scan3A_286, %dma_wait3A_429, %dma_wait3A_430] : memref<2x3394x96xi32, #tpu.memory_space<hbm>> -> memref<1x3394x96xi32, #tpu.memory_space<hbm>>
      %dma_wait3A_432 = tpu.memref_squeeze %dma_wait3A_431 : memref<1x3394x96xi32, #tpu.memory_space<hbm>> -> memref<3394x96xi32, #tpu.memory_space<hbm>>
      %dma_wait3A_433 = arith.constant 0 : i32
      %dma_wait3A_434 = arith.constant 0 : i32
      %dma_wait3A_435 = tpu.memref_slice %dma_wait3A_432[%dma_wait3A_433, %dma_wait3A_434] : memref<3394x96xi32, #tpu.memory_space<hbm>> -> memref<2x96xi32, #tpu.memory_space<hbm>>
      %dma_wait3A_436 = arith.constant 0 : i32
      %dma_wait3A_437 = arith.constant 0 : i32
      %dma_wait3A_438 = tpu.memref_slice %arg9[%and3A_306, %dma_wait3A_436, %dma_wait3A_437] : memref<2x2x96xi32, #tpu.memory_space<vmem>> -> memref<1x2x96xi32, #tpu.memory_space<vmem>>
      %dma_wait3A_439 = tpu.memref_squeeze %dma_wait3A_438 : memref<1x2x96xi32, #tpu.memory_space<vmem>> -> memref<2x96xi32, #tpu.memory_space<vmem>>
      %dma_wait3A_440 = arith.constant 0 : i32
      %dma_wait3A_441 = arith.constant 0 : i32
      %dma_wait3A_442 = tpu.memref_slice %arg3[%scan3A_286, %dma_wait3A_440, %dma_wait3A_441] : memref<2x3394x96xi32, #tpu.memory_space<hbm>> -> memref<1x3394x96xi32, #tpu.memory_space<hbm>>
      %dma_wait3A_443 = tpu.memref_squeeze %dma_wait3A_442 : memref<1x3394x96xi32, #tpu.memory_space<hbm>> -> memref<3394x96xi32, #tpu.memory_space<hbm>>
      %dma_wait3A_444 = arith.constant 0 : i32
      %dma_wait3A_445 = arith.constant 0 : i32
      %dma_wait3A_446 = tpu.memref_slice %dma_wait3A_443[%dma_wait3A_444, %dma_wait3A_445] : memref<3394x96xi32, #tpu.memory_space<hbm>> -> memref<2x96xi32, #tpu.memory_space<hbm>>
      tpu.wait_dma2 semaphore(%arg15 : memref<!tpu.dma_semaphore, #tpu.memory_space<semaphore_mem>>) src(%dma_wait3A_446 : memref<2x96xi32, #tpu.memory_space<hbm>>) dst(%dma_wait3A_439 : memref<2x96xi32, #tpu.memory_space<vmem>>)
      %dma_start3A_447 = arith.constant 0 : i32
      %dma_start3A_448 = arith.constant 0 : i32
      %dma_start3A_449 = tpu.memref_slice %arg8[%sub3A_308, %dma_start3A_447, %dma_start3A_448] : memref<2x2x96xi32, #tpu.memory_space<vmem>> -> memref<1x1x96xi32, #tpu.memory_space<vmem>>
      %dma_start3A_450 = tpu.memref_squeeze %dma_start3A_449 : memref<1x1x96xi32, #tpu.memory_space<vmem>> -> memref<96xi32, #tpu.memory_space<vmem>>
      %dma_start3A_451 = arith.constant 0 : i32
      %dma_start3A_452 = arith.constant 0 : i32
      %dma_start3A_453 = tpu.memref_slice %arg2[%dma_start3A_451, %dma_start3A_452] : memref<10000x128xf32, #tpu.memory_space<hbm>> -> memref<10000x128xf32, #tpu.memory_space<hbm>>
      tpu.enqueue_indirect_dma source(%dma_start3A_453 : memref<10000x128xf32, #tpu.memory_space<hbm>>) target(%arg10 : memref<96x128xf32, #tpu.memory_space<vmem>>) offsets(%dma_start3A_450 : memref<96xi32, #tpu.memory_space<vmem>>) semaphore(%arg13 : memref<!tpu.dma_semaphore, #tpu.memory_space<semaphore_mem>>)
      %dma_wait3A_454 = arith.constant 0 : i32
      %dma_wait3A_455 = arith.constant 0 : i32
      %dma_wait3A_456 = tpu.memref_slice %arg2[%dma_wait3A_454, %dma_wait3A_455] : memref<10000x128xf32, #tpu.memory_space<hbm>> -> memref<96x128xf32, #tpu.memory_space<hbm>>
      %dma_wait3A_457 = arith.constant 0 : i32
      %dma_wait3A_458 = arith.constant 0 : i32
      %dma_wait3A_459 = tpu.memref_slice %arg2[%dma_wait3A_457, %dma_wait3A_458] : memref<10000x128xf32, #tpu.memory_space<hbm>> -> memref<96x128xf32, #tpu.memory_space<hbm>>
      tpu.wait_dma2 semaphore(%arg14 : memref<!tpu.dma_semaphore, #tpu.memory_space<semaphore_mem>>) src(%dma_wait3A_459 : memref<96x128xf32, #tpu.memory_space<hbm>>) dst(%arg11 : memref<96x128xf32, #tpu.memory_space<vmem>>)
      %run_scoped3A_460 = arith.constant 1 : i32
      "tpu.region"() ({
        %run_scoped3A_497 = tpu.sem_alloc : memref<!tpu.dma_semaphore, #tpu.memory_space<semaphore_mem>>
        %dma_start3A_498 = arith.constant 0 : i32
        %dma_start3A_499 = tpu.memref_slice %arg9[%and3A_306, %run_scoped3A_460, %dma_start3A_498] : memref<2x2x96xi32, #tpu.memory_space<vmem>> -> memref<1x1x96xi32, #tpu.memory_space<vmem>>
        %dma_start3A_500 = tpu.memref_squeeze %dma_start3A_499 : memref<1x1x96xi32, #tpu.memory_space<vmem>> -> memref<96xi32, #tpu.memory_space<vmem>>
        %dma_start3A_501 = arith.constant 0 : i32
        %dma_start3A_502 = arith.constant 0 : i32
        %dma_start3A_503 = tpu.memref_slice %arg12[%dma_start3A_501, %dma_start3A_502] : memref<10240x128xf32, #tpu.memory_space<vmem_shared>> -> memref<10240x128xf32, #tpu.memory_space<vmem_shared>>
        tpu.enqueue_indirect_dma source(%arg11 : memref<96x128xf32, #tpu.memory_space<vmem>>) target(%dma_start3A_503 : memref<10240x128xf32, #tpu.memory_space<vmem_shared>>) offsets(%dma_start3A_500 : memref<96xi32, #tpu.memory_space<vmem>>) semaphore(%run_scoped3A_497 : memref<!tpu.dma_semaphore, #tpu.memory_space<semaphore_mem>>) {add = true}
        %dma_wait3A_504 = arith.constant 0 : i32
        %dma_wait3A_505 = tpu.memref_slice %arg9[%and3A_306, %run_scoped3A_460, %dma_wait3A_504] : memref<2x2x96xi32, #tpu.memory_space<vmem>> -> memref<1x1x96xi32, #tpu.memory_space<vmem>>
        %dma_wait3A_506 = tpu.memref_squeeze %dma_wait3A_505 : memref<1x1x96xi32, #tpu.memory_space<vmem>> -> memref<96xi32, #tpu.memory_space<vmem>>
        %dma_wait3A_507 = arith.constant 0 : i32
        %dma_wait3A_508 = arith.constant 0 : i32
        %dma_wait3A_509 = tpu.memref_slice %arg12[%dma_wait3A_507, %dma_wait3A_508] : memref<10240x128xf32, #tpu.memory_space<vmem_shared>> -> memref<10240x128xf32, #tpu.memory_space<vmem_shared>>
        tpu.wait_indirect_dma semaphore(%run_scoped3A_497 : memref<!tpu.dma_semaphore, #tpu.memory_space<semaphore_mem>>) src(%arg11 : memref<96x128xf32, #tpu.memory_space<vmem>>) dst(%dma_wait3A_509 : memref<10240x128xf32, #tpu.memory_space<vmem_shared>>)
        tpu.yield
      }) : () -> ()
      %get3A_461 = arith.constant 1 : i32
      %get3A_462 = arith.index_cast %and3A_306 : i32 to index
      %get3A_463 = arith.index_cast %get3A_461 : i32 to index
      %get3A_464 = arith.constant 0 : index
      %get3A_465 = tpu.vector_load %arg9[%get3A_462, %get3A_463, %get3A_464] {strides = array<i32>} : memref<2x2x96xi32, #tpu.memory_space<vmem>>, vector<16xi32>,
      %add3A_466 = arith.addi %get3A_465, %mul3A_9 : vector<16xi32>
      tpu.vector_store_idx %arg16[%add3A_466], %broadcast_in_dim3A_10 masked %eq3A_36 {add = true} : memref<20480xf32, #tpu.memory_space<vmem>>[vector<16xi32>], vector<16xf32>, vector<16xi1>
      tpu.vector_store_idx %arg16[%add3A_466], %broadcast_in_dim3A_10 masked %eq3A_70 {add = true} : memref<20480xf32, #tpu.memory_space<vmem>>[vector<16xi32>], vector<16xf32>, vector<16xi1>
      tpu.vector_store_idx %arg16[%add3A_466], %broadcast_in_dim3A_10 masked %eq3A_104 {add = true} : memref<20480xf32, #tpu.memory_space<vmem>>[vector<16xi32>], vector<16xf32>, vector<16xi1>
      tpu.vector_store_idx %arg16[%add3A_466], %broadcast_in_dim3A_10 masked %eq3A_138 {add = true} : memref<20480xf32, #tpu.memory_space<vmem>>[vector<16xi32>], vector<16xf32>, vector<16xi1>
      tpu.vector_store_idx %arg16[%add3A_466], %broadcast_in_dim3A_10 masked %eq3A_172 {add = true} : memref<20480xf32, #tpu.memory_space<vmem>>[vector<16xi32>], vector<16xf32>, vector<16xi1>
      tpu.vector_store_idx %arg16[%add3A_466], %broadcast_in_dim3A_10 masked %eq3A_206 {add = true} : memref<20480xf32, #tpu.memory_space<vmem>>[vector<16xi32>], vector<16xf32>, vector<16xi1>
      tpu.vector_store_idx %arg16[%add3A_466], %broadcast_in_dim3A_10 masked %eq3A_240 {add = true} : memref<20480xf32, #tpu.memory_space<vmem>>[vector<16xi32>], vector<16xf32>, vector<16xi1>
      tpu.vector_store_idx %arg16[%add3A_466], %broadcast_in_dim3A_10 masked %eq3A_274 {add = true} : memref<20480xf32, #tpu.memory_space<vmem>>[vector<16xi32>], vector<16xf32>, vector<16xi1>
      %get3A_467 = arith.constant 1 : i32
      %get3A_468 = arith.index_cast %and3A_306 : i32 to index
      %get3A_469 = arith.index_cast %get3A_467 : i32 to index
      %get3A_470 = arith.constant 16 : index
      %get3A_471 = tpu.vector_load %arg9[%get3A_468, %get3A_469, %get3A_470] {strides = array<i32>} : memref<2x2x96xi32, #tpu.memory_space<vmem>>, vector<16xi32>,
      %add3A_472 = arith.addi %get3A_471, %mul3A_9 : vector<16xi32>
      tpu.vector_store_idx %arg16[%add3A_472], %broadcast_in_dim3A_10 masked %eq3A_36 {add = true} : memref<20480xf32, #tpu.memory_space<vmem>>[vector<16xi32>], vector<16xf32>, vector<16xi1>
      tpu.vector_store_idx %arg16[%add3A_472], %broadcast_in_dim3A_10 masked %eq3A_70 {add = true} : memref<20480xf32, #tpu.memory_space<vmem>>[vector<16xi32>], vector<16xf32>, vector<16xi1>
      tpu.vector_store_idx %arg16[%add3A_472], %broadcast_in_dim3A_10 masked %eq3A_104 {add = true} : memref<20480xf32, #tpu.memory_space<vmem>>[vector<16xi32>], vector<16xf32>, vector<16xi1>
      tpu.vector_store_idx %arg16[%add3A_472], %broadcast_in_dim3A_10 masked %eq3A_138 {add = true} : memref<20480xf32, #tpu.memory_space<vmem>>[vector<16xi32>], vector<16xf32>, vector<16xi1>
      tpu.vector_store_idx %arg16[%add3A_472], %broadcast_in_dim3A_10 masked %eq3A_172 {add = true} : memref<20480xf32, #tpu.memory_space<vmem>>[vector<16xi32>], vector<16xf32>, vector<16xi1>
      tpu.vector_store_idx %arg16[%add3A_472], %broadcast_in_dim3A_10 masked %eq3A_206 {add = true} : memref<20480xf32, #tpu.memory_space<vmem>>[vector<16xi32>], vector<16xf32>, vector<16xi1>
      tpu.vector_store_idx %arg16[%add3A_472], %broadcast_in_dim3A_10 masked %eq3A_240 {add = true} : memref<20480xf32, #tpu.memory_space<vmem>>[vector<16xi32>], vector<16xf32>, vector<16xi1>
      tpu.vector_store_idx %arg16[%add3A_472], %broadcast_in_dim3A_10 masked %eq3A_274 {add = true} : memref<20480xf32, #tpu.memory_space<vmem>>[vector<16xi32>], vector<16xf32>, vector<16xi1>
      %get3A_473 = arith.constant 1 : i32
      %get3A_474 = arith.index_cast %and3A_306 : i32 to index
      %get3A_475 = arith.index_cast %get3A_473 : i32 to index
      %get3A_476 = arith.constant 32 : index
      %get3A_477 = tpu.vector_load %arg9[%get3A_474, %get3A_475, %get3A_476] {strides = array<i32>} : memref<2x2x96xi32, #tpu.memory_space<vmem>>, vector<16xi32>,
      %add3A_478 = arith.addi %get3A_477, %mul3A_9 : vector<16xi32>
      tpu.vector_store_idx %arg16[%add3A_478], %broadcast_in_dim3A_10 masked %eq3A_36 {add = true} : memref<20480xf32, #tpu.memory_space<vmem>>[vector<16xi32>], vector<16xf32>, vector<16xi1>
      tpu.vector_store_idx %arg16[%add3A_478], %broadcast_in_dim3A_10 masked %eq3A_70 {add = true} : memref<20480xf32, #tpu.memory_space<vmem>>[vector<16xi32>], vector<16xf32>, vector<16xi1>
      tpu.vector_store_idx %arg16[%add3A_478], %broadcast_in_dim3A_10 masked %eq3A_104 {add = true} : memref<20480xf32, #tpu.memory_space<vmem>>[vector<16xi32>], vector<16xf32>, vector<16xi1>
      tpu.vector_store_idx %arg16[%add3A_478], %broadcast_in_dim3A_10 masked %eq3A_138 {add = true} : memref<20480xf32, #tpu.memory_space<vmem>>[vector<16xi32>], vector<16xf32>, vector<16xi1>
      tpu.vector_store_idx %arg16[%add3A_478], %broadcast_in_dim3A_10 masked %eq3A_172 {add = true} : memref<20480xf32, #tpu.memory_space<vmem>>[vector<16xi32>], vector<16xf32>, vector<16xi1>
      tpu.vector_store_idx %arg16[%add3A_478], %broadcast_in_dim3A_10 masked %eq3A_206 {add = true} : memref<20480xf32, #tpu.memory_space<vmem>>[vector<16xi32>], vector<16xf32>, vector<16xi1>
      tpu.vector_store_idx %arg16[%add3A_478], %broadcast_in_dim3A_10 masked %eq3A_240 {add = true} : memref<20480xf32, #tpu.memory_space<vmem>>[vector<16xi32>], vector<16xf32>, vector<16xi1>
      tpu.vector_store_idx %arg16[%add3A_478], %broadcast_in_dim3A_10 masked %eq3A_274 {add = true} : memref<20480xf32, #tpu.memory_space<vmem>>[vector<16xi32>], vector<16xf32>, vector<16xi1>
      %get3A_479 = arith.constant 1 : i32
      %get3A_480 = arith.index_cast %and3A_306 : i32 to index
      %get3A_481 = arith.index_cast %get3A_479 : i32 to index
      %get3A_482 = arith.constant 48 : index
      %get3A_483 = tpu.vector_load %arg9[%get3A_480, %get3A_481, %get3A_482] {strides = array<i32>} : memref<2x2x96xi32, #tpu.memory_space<vmem>>, vector<16xi32>,
      %add3A_484 = arith.addi %get3A_483, %mul3A_9 : vector<16xi32>
      tpu.vector_store_idx %arg16[%add3A_484], %broadcast_in_dim3A_10 masked %eq3A_36 {add = true} : memref<20480xf32, #tpu.memory_space<vmem>>[vector<16xi32>], vector<16xf32>, vector<16xi1>
      tpu.vector_store_idx %arg16[%add3A_484], %broadcast_in_dim3A_10 masked %eq3A_70 {add = true} : memref<20480xf32, #tpu.memory_space<vmem>>[vector<16xi32>], vector<16xf32>, vector<16xi1>
      tpu.vector_store_idx %arg16[%add3A_484], %broadcast_in_dim3A_10 masked %eq3A_104 {add = true} : memref<20480xf32, #tpu.memory_space<vmem>>[vector<16xi32>], vector<16xf32>, vector<16xi1>
      tpu.vector_store_idx %arg16[%add3A_484], %broadcast_in_dim3A_10 masked %eq3A_138 {add = true} : memref<20480xf32, #tpu.memory_space<vmem>>[vector<16xi32>], vector<16xf32>, vector<16xi1>
      tpu.vector_store_idx %arg16[%add3A_484], %broadcast_in_dim3A_10 masked %eq3A_172 {add = true} : memref<20480xf32, #tpu.memory_space<vmem>>[vector<16xi32>], vector<16xf32>, vector<16xi1>
      tpu.vector_store_idx %arg16[%add3A_484], %broadcast_in_dim3A_10 masked %eq3A_206 {add = true} : memref<20480xf32, #tpu.memory_space<vmem>>[vector<16xi32>], vector<16xf32>, vector<16xi1>
      tpu.vector_store_idx %arg16[%add3A_484], %broadcast_in_dim3A_10 masked %eq3A_240 {add = true} : memref<20480xf32, #tpu.memory_space<vmem>>[vector<16xi32>], vector<16xf32>, vector<16xi1>
      tpu.vector_store_idx %arg16[%add3A_484], %broadcast_in_dim3A_10 masked %eq3A_274 {add = true} : memref<20480xf32, #tpu.memory_space<vmem>>[vector<16xi32>], vector<16xf32>, vector<16xi1>
      %get3A_485 = arith.constant 1 : i32
      %get3A_486 = arith.index_cast %and3A_306 : i32 to index
      %get3A_487 = arith.index_cast %get3A_485 : i32 to index
      %get3A_488 = arith.constant 64 : index
      %get3A_489 = tpu.vector_load %arg9[%get3A_486, %get3A_487, %get3A_488] {strides = array<i32>} : memref<2x2x96xi32, #tpu.memory_space<vmem>>, vector<16xi32>,
      %add3A_490 = arith.addi %get3A_489, %mul3A_9 : vector<16xi32>
      tpu.vector_store_idx %arg16[%add3A_490], %broadcast_in_dim3A_10 masked %eq3A_36 {add = true} : memref<20480xf32, #tpu.memory_space<vmem>>[vector<16xi32>], vector<16xf32>, vector<16xi1>
      tpu.vector_store_idx %arg16[%add3A_490], %broadcast_in_dim3A_10 masked %eq3A_70 {add = true} : memref<20480xf32, #tpu.memory_space<vmem>>[vector<16xi32>], vector<16xf32>, vector<16xi1>
      tpu.vector_store_idx %arg16[%add3A_490], %broadcast_in_dim3A_10 masked %eq3A_104 {add = true} : memref<20480xf32, #tpu.memory_space<vmem>>[vector<16xi32>], vector<16xf32>, vector<16xi1>
      tpu.vector_store_idx %arg16[%add3A_490], %broadcast_in_dim3A_10 masked %eq3A_138 {add = true} : memref<20480xf32, #tpu.memory_space<vmem>>[vector<16xi32>], vector<16xf32>, vector<16xi1>
      tpu.vector_store_idx %arg16[%add3A_490], %broadcast_in_dim3A_10 masked %eq3A_172 {add = true} : memref<20480xf32, #tpu.memory_space<vmem>>[vector<16xi32>], vector<16xf32>, vector<16xi1>
      tpu.vector_store_idx %arg16[%add3A_490], %broadcast_in_dim3A_10 masked %eq3A_206 {add = true} : memref<20480xf32, #tpu.memory_space<vmem>>[vector<16xi32>], vector<16xf32>, vector<16xi1>
      tpu.vector_store_idx %arg16[%add3A_490], %broadcast_in_dim3A_10 masked %eq3A_240 {add = true} : memref<20480xf32, #tpu.memory_space<vmem>>[vector<16xi32>], vector<16xf32>, vector<16xi1>
      tpu.vector_store_idx %arg16[%add3A_490], %broadcast_in_dim3A_10 masked %eq3A_274 {add = true} : memref<20480xf32, #tpu.memory_space<vmem>>[vector<16xi32>], vector<16xf32>, vector<16xi1>
      %get3A_491 = arith.constant 1 : i32
      %get3A_492 = arith.index_cast %and3A_306 : i32 to index
      %get3A_493 = arith.index_cast %get3A_491 : i32 to index
      %get3A_494 = arith.constant 80 : index
      %get3A_495 = tpu.vector_load %arg9[%get3A_492, %get3A_493, %get3A_494] {strides = array<i32>} : memref<2x2x96xi32, #tpu.memory_space<vmem>>, vector<16xi32>,
      %add3A_496 = arith.addi %get3A_495, %mul3A_9 : vector<16xi32>
      tpu.vector_store_idx %arg16[%add3A_496], %broadcast_in_dim3A_10 masked %eq3A_36 {add = true} : memref<20480xf32, #tpu.memory_space<vmem>>[vector<16xi32>], vector<16xf32>, vector<16xi1>
      tpu.vector_store_idx %arg16[%add3A_496], %broadcast_in_dim3A_10 masked %eq3A_70 {add = true} : memref<20480xf32, #tpu.memory_space<vmem>>[vector<16xi32>], vector<16xf32>, vector<16xi1>
      tpu.vector_store_idx %arg16[%add3A_496], %broadcast_in_dim3A_10 masked %eq3A_104 {add = true} : memref<20480xf32, #tpu.memory_space<vmem>>[vector<16xi32>], vector<16xf32>, vector<16xi1>
      tpu.vector_store_idx %arg16[%add3A_496], %broadcast_in_dim3A_10 masked %eq3A_138 {add = true} : memref<20480xf32, #tpu.memory_space<vmem>>[vector<16xi32>], vector<16xf32>, vector<16xi1>
      tpu.vector_store_idx %arg16[%add3A_496], %broadcast_in_dim3A_10 masked %eq3A_172 {add = true} : memref<20480xf32, #tpu.memory_space<vmem>>[vector<16xi32>], vector<16xf32>, vector<16xi1>
      tpu.vector_store_idx %arg16[%add3A_496], %broadcast_in_dim3A_10 masked %eq3A_206 {add = true} : memref<20480xf32, #tpu.memory_space<vmem>>[vector<16xi32>], vector<16xf32>, vector<16xi1>
      tpu.vector_store_idx %arg16[%add3A_496], %broadcast_in_dim3A_10 masked %eq3A_240 {add = true} : memref<20480xf32, #tpu.memory_space<vmem>>[vector<16xi32>], vector<16xf32>, vector<16xi1>
      tpu.vector_store_idx %arg16[%add3A_496], %broadcast_in_dim3A_10 masked %eq3A_274 {add = true} : memref<20480xf32, #tpu.memory_space<vmem>>[vector<16xi32>], vector<16xf32>, vector<16xi1>
    }
    %scan3A_291 = arith.constant 53 : i32
    %dma_wait3A = arith.constant 0 : i32
    %dma_wait3A_292 = arith.constant 0 : i32
    %dma_wait3A_293 = tpu.memref_slice %arg2[%dma_wait3A, %dma_wait3A_292] : memref<10000x128xf32, #tpu.memory_space<hbm>> -> memref<96x128xf32, #tpu.memory_space<hbm>>
    %dma_wait3A_294 = arith.constant 0 : i32
    %dma_wait3A_295 = arith.constant 0 : i32
    %dma_wait3A_296 = tpu.memref_slice %arg2[%dma_wait3A_294, %dma_wait3A_295] : memref<10000x128xf32, #tpu.memory_space<hbm>> -> memref<96x128xf32, #tpu.memory_space<hbm>>
    tpu.wait_dma2 semaphore(%arg13 : memref<!tpu.dma_semaphore, #tpu.memory_space<semaphore_mem>>) src(%dma_wait3A_296 : memref<96x128xf32, #tpu.memory_space<hbm>>) dst(%arg10 : memref<96x128xf32, #tpu.memory_space<vmem>>)
    %barrier3A_297 = arith.constant 0 : index
    tpu.barrier barrier_id(%barrier3A_297)
    "tpu.region"() ({
      %run_scoped3A_304 = tpu.sem_alloc : memref<!tpu.dma_semaphore, #tpu.memory_space<semaphore_mem>>
      %dma_start3A_305 = arith.constant 0 : i32
      %dma_start3A_306 = tpu.memref_slice %arg6[%arg0, %mul3A_0, %dma_start3A_305] : memref<2x10240x128xf32, #tpu.memory_space<hbm>> -> memref<1x640x128xf32, #tpu.memory_space<hbm>>
      %dma_start3A_307 = tpu.memref_squeeze %dma_start3A_306 : memref<1x640x128xf32, #tpu.memory_space<hbm>> -> memref<640x128xf32, #tpu.memory_space<hbm>>
      %dma_start3A_308 = arith.constant 0 : i32
      %dma_start3A_309 = tpu.memref_slice %arg12[%mul3A_0, %dma_start3A_308] : memref<10240x128xf32, #tpu.memory_space<vmem_shared>> -> memref<640x128xf32, #tpu.memory_space<vmem_shared>>
      tpu.enqueue_dma source(%dma_start3A_309 : memref<640x128xf32, #tpu.memory_space<vmem_shared>>) target(%dma_start3A_307 : memref<640x128xf32, #tpu.memory_space<hbm>>) target_semaphore(%run_scoped3A_304 : memref<!tpu.dma_semaphore, #tpu.memory_space<semaphore_mem>>)
      %dma_wait3A_310 = arith.constant 0 : i32
      %dma_wait3A_311 = tpu.memref_slice %arg6[%arg0, %mul3A_0, %dma_wait3A_310] : memref<2x10240x128xf32, #tpu.memory_space<hbm>> -> memref<1x640x128xf32, #tpu.memory_space<hbm>>
      %dma_wait3A_312 = tpu.memref_squeeze %dma_wait3A_311 : memref<1x640x128xf32, #tpu.memory_space<hbm>> -> memref<640x128xf32, #tpu.memory_space<hbm>>
      %dma_wait3A_313 = arith.constant 0 : i32
      %dma_wait3A_314 = tpu.memref_slice %arg12[%mul3A_0, %dma_wait3A_313] : memref<10240x128xf32, #tpu.memory_space<vmem_shared>> -> memref<640x128xf32, #tpu.memory_space<vmem_shared>>
      tpu.wait_dma2 semaphore(%run_scoped3A_304 : memref<!tpu.dma_semaphore, #tpu.memory_space<semaphore_mem>>) src(%dma_wait3A_314 : memref<640x128xf32, #tpu.memory_space<vmem_shared>>) dst(%dma_wait3A_312 : memref<640x128xf32, #tpu.memory_space<hbm>>)
      tpu.yield
    }) : () -> ()
    %scan3A_298 = arith.constant 0 : i32
    %scan3A_299 = arith.constant 0 : i32
    %scan3A_300 = arith.constant 160 : i32
    %scan3A_301 = arith.addi %scan3A_299, %scan3A_300 : i32
    %scan3A_302 = arith.constant 1 : i32
    scf.for %scan3A_304 = %scan3A_299 to %scan3A_301 step %scan3A_302  : i32 {
      %mul3A_305 = arith.constant 4 : i32
      %mul3A_306 = arith.muli %scan3A_304, %mul3A_305 : i32
      %add3A_307 = arith.constant 0 : i32
      %add3A_308 = arith.addi %mul3A_306, %add3A_307 : i32
      %mul3A_309 = arith.constant 16 : i32
      %mul3A_310 = arith.muli %add3A_308, %mul3A_309 : i32
      %get3A = arith.index_cast %mul3A_310 : i32 to index
      %get3A_311 = tpu.vector_load %arg16[%get3A] {strides = array<i32>} : memref<20480xf32, #tpu.memory_space<vmem>>, vector<16xf32>,
      %add3A_312 = arith.constant 10240 : i32
      %add3A_313 = arith.addi %add3A_312, %mul3A_310 : i32
      %get3A_314 = arith.index_cast %add3A_313 : i32 to index
      %get3A_315 = tpu.vector_load %arg16[%get3A_314] {strides = array<i32>} : memref<20480xf32, #tpu.memory_space<vmem>>, vector<16xf32>,
      %add3A_316 = arith.addf %get3A_311, %get3A_315 : vector<16xf32>
      %swap3A = arith.index_cast %mul3A_310 : i32 to index
      %swap3A_317 = tpu.vector_load %arg16[%swap3A] {strides = array<i32>} : memref<20480xf32, #tpu.memory_space<vmem>>, vector<16xf32>,
      tpu.vector_store %arg16[%swap3A], %add3A_316 {strides = array<i32>} : memref<20480xf32, #tpu.memory_space<vmem>>, vector<16xf32>,
      %mul3A_318 = arith.constant 4 : i32
      %mul3A_319 = arith.muli %scan3A_304, %mul3A_318 : i32
      %add3A_320 = arith.constant 1 : i32
      %add3A_321 = arith.addi %mul3A_319, %add3A_320 : i32
      %mul3A_322 = arith.constant 16 : i32
      %mul3A_323 = arith.muli %add3A_321, %mul3A_322 : i32
      %get3A_324 = arith.index_cast %mul3A_323 : i32 to index
      %get3A_325 = tpu.vector_load %arg16[%get3A_324] {strides = array<i32>} : memref<20480xf32, #tpu.memory_space<vmem>>, vector<16xf32>,
      %add3A_326 = arith.constant 10240 : i32
      %add3A_327 = arith.addi %add3A_326, %mul3A_323 : i32
      %get3A_328 = arith.index_cast %add3A_327 : i32 to index
      %get3A_329 = tpu.vector_load %arg16[%get3A_328] {strides = array<i32>} : memref<20480xf32, #tpu.memory_space<vmem>>, vector<16xf32>,
      %add3A_330 = arith.addf %get3A_325, %get3A_329 : vector<16xf32>
      %swap3A_331 = arith.index_cast %mul3A_323 : i32 to index
      %swap3A_332 = tpu.vector_load %arg16[%swap3A_331] {strides = array<i32>} : memref<20480xf32, #tpu.memory_space<vmem>>, vector<16xf32>,
      tpu.vector_store %arg16[%swap3A_331], %add3A_330 {strides = array<i32>} : memref<20480xf32, #tpu.memory_space<vmem>>, vector<16xf32>,
      %mul3A_333 = arith.constant 4 : i32
      %mul3A_334 = arith.muli %scan3A_304, %mul3A_333 : i32
      %add3A_335 = arith.constant 2 : i32
      %add3A_336 = arith.addi %mul3A_334, %add3A_335 : i32
      %mul3A_337 = arith.constant 16 : i32
      %mul3A_338 = arith.muli %add3A_336, %mul3A_337 : i32
      %get3A_339 = arith.index_cast %mul3A_338 : i32 to index
      %get3A_340 = tpu.vector_load %arg16[%get3A_339] {strides = array<i32>} : memref<20480xf32, #tpu.memory_space<vmem>>, vector<16xf32>,
      %add3A_341 = arith.constant 10240 : i32
      %add3A_342 = arith.addi %add3A_341, %mul3A_338 : i32
      %get3A_343 = arith.index_cast %add3A_342 : i32 to index
      %get3A_344 = tpu.vector_load %arg16[%get3A_343] {strides = array<i32>} : memref<20480xf32, #tpu.memory_space<vmem>>, vector<16xf32>,
      %add3A_345 = arith.addf %get3A_340, %get3A_344 : vector<16xf32>
      %swap3A_346 = arith.index_cast %mul3A_338 : i32 to index
      %swap3A_347 = tpu.vector_load %arg16[%swap3A_346] {strides = array<i32>} : memref<20480xf32, #tpu.memory_space<vmem>>, vector<16xf32>,
      tpu.vector_store %arg16[%swap3A_346], %add3A_345 {strides = array<i32>} : memref<20480xf32, #tpu.memory_space<vmem>>, vector<16xf32>,
      %mul3A_348 = arith.constant 4 : i32
      %mul3A_349 = arith.muli %scan3A_304, %mul3A_348 : i32
      %add3A_350 = arith.constant 3 : i32
      %add3A_351 = arith.addi %mul3A_349, %add3A_350 : i32
      %mul3A_352 = arith.constant 16 : i32
      %mul3A_353 = arith.muli %add3A_351, %mul3A_352 : i32
      %get3A_354 = arith.index_cast %mul3A_353 : i32 to index
      %get3A_355 = tpu.vector_load %arg16[%get3A_354] {strides = array<i32>} : memref<20480xf32, #tpu.memory_space<vmem>>, vector<16xf32>,
      %add3A_356 = arith.constant 10240 : i32
      %add3A_357 = arith.addi %add3A_356, %mul3A_353 : i32
      %get3A_358 = arith.index_cast %add3A_357 : i32 to index
      %get3A_359 = tpu.vector_load %arg16[%get3A_358] {strides = array<i32>} : memref<20480xf32, #tpu.memory_space<vmem>>, vector<16xf32>,
      %add3A_360 = arith.addf %get3A_355, %get3A_359 : vector<16xf32>
      %swap3A_361 = arith.index_cast %mul3A_353 : i32 to index
      %swap3A_362 = tpu.vector_load %arg16[%swap3A_361] {strides = array<i32>} : memref<20480xf32, #tpu.memory_space<vmem>>, vector<16xf32>,
      tpu.vector_store %arg16[%swap3A_361], %add3A_360 {strides = array<i32>} : memref<20480xf32, #tpu.memory_space<vmem>>, vector<16xf32>,
    }
    %scan3A_303 = arith.constant 160 : i32
    "tpu.region"() ({
      %run_scoped3A_304 = tpu.sem_alloc : memref<!tpu.dma_semaphore, #tpu.memory_space<semaphore_mem>>
      %dma_start3A_305 = arith.constant 0 : i32
      %dma_start3A_306 = tpu.memref_slice %arg16[%dma_start3A_305] : memref<20480xf32, #tpu.memory_space<vmem>> -> memref<10240xf32, #tpu.memory_space<vmem>>
      %dma_start3A_307 = arith.constant 0 : i32
      %dma_start3A_308 = tpu.memref_slice %arg7[%arg0, %arg1, %dma_start3A_307] : memref<2x16x10240xf32, #tpu.memory_space<hbm>> -> memref<1x1x10240xf32, #tpu.memory_space<hbm>>
      %dma_start3A_309 = tpu.memref_squeeze %dma_start3A_308 : memref<1x1x10240xf32, #tpu.memory_space<hbm>> -> memref<10240xf32, #tpu.memory_space<hbm>>
      %dma_start3A_310 = arith.constant 0 : i32
      %dma_start3A_311 = tpu.memref_slice %arg7[%arg0, %arg1, %dma_start3A_310] : memref<2x16x10240xf32, #tpu.memory_space<hbm>> -> memref<1x1x10240xf32, #tpu.memory_space<hbm>>
      %dma_start3A_312 = tpu.memref_squeeze %dma_start3A_311 : memref<1x1x10240xf32, #tpu.memory_space<hbm>> -> memref<10240xf32, #tpu.memory_space<hbm>>
      %dma_start3A_313 = arith.constant 0 : i32
      %dma_start3A_314 = tpu.memref_slice %arg16[%dma_start3A_313] : memref<20480xf32, #tpu.memory_space<vmem>> -> memref<10240xf32, #tpu.memory_space<vmem>>
      tpu.enqueue_dma source(%dma_start3A_314 : memref<10240xf32, #tpu.memory_space<vmem>>) target(%dma_start3A_312 : memref<10240xf32, #tpu.memory_space<hbm>>) target_semaphore(%run_scoped3A_304 : memref<!tpu.dma_semaphore, #tpu.memory_space<semaphore_mem>>)
      %dma_wait3A_315 = arith.constant 0 : i32
      %dma_wait3A_316 = tpu.memref_slice %arg16[%dma_wait3A_315] : memref<20480xf32, #tpu.memory_space<vmem>> -> memref<10240xf32, #tpu.memory_space<vmem>>
      %dma_wait3A_317 = arith.constant 0 : i32
      %dma_wait3A_318 = tpu.memref_slice %arg7[%arg0, %arg1, %dma_wait3A_317] : memref<2x16x10240xf32, #tpu.memory_space<hbm>> -> memref<1x1x10240xf32, #tpu.memory_space<hbm>>
      %dma_wait3A_319 = tpu.memref_squeeze %dma_wait3A_318 : memref<1x1x10240xf32, #tpu.memory_space<hbm>> -> memref<10240xf32, #tpu.memory_space<hbm>>
      %dma_wait3A_320 = arith.constant 0 : i32
      %dma_wait3A_321 = tpu.memref_slice %arg7[%arg0, %arg1, %dma_wait3A_320] : memref<2x16x10240xf32, #tpu.memory_space<hbm>> -> memref<1x1x10240xf32, #tpu.memory_space<hbm>>
      %dma_wait3A_322 = tpu.memref_squeeze %dma_wait3A_321 : memref<1x1x10240xf32, #tpu.memory_space<hbm>> -> memref<10240xf32, #tpu.memory_space<hbm>>
      %dma_wait3A_323 = arith.constant 0 : i32
      %dma_wait3A_324 = tpu.memref_slice %arg16[%dma_wait3A_323] : memref<20480xf32, #tpu.memory_space<vmem>> -> memref<10240xf32, #tpu.memory_space<vmem>>
      tpu.wait_dma2 semaphore(%run_scoped3A_304 : memref<!tpu.dma_semaphore, #tpu.memory_space<semaphore_mem>>) src(%dma_wait3A_324 : memref<10240xf32, #tpu.memory_space<vmem>>) dst(%dma_wait3A_322 : memref<10240xf32, #tpu.memory_space<hbm>>)
      tpu.yield
    }) : () -> ()
    return
  }
}

#map = affine_map<(d0, d1) -> (0, 0, 0)>
#map1 = affine_map<(d0, d1) -> (0, 0)>
module attributes {stable_mosaic.version = 14 : i64} {
  func.func @k(%arg0: i32, %arg1: i32, %arg2: memref<2x10240x128xf32, #tpu.memory_space<hbm>>, %arg3: memref<2x2568x128xi32, #tpu.memory_space<hbm>>, %arg4: memref<640x128xf32, #tpu.memory_space<hbm>>, %arg5: memref<2x10240x128xf32, #tpu.memory_space<hbm>>, %arg6: memref<2x8x128xi32, #tpu.memory_space<vmem>>, %arg7: memref<2x8x128xi32, #tpu.memory_space<vmem>>, %arg8: memref<128x128xf32, #tpu.memory_space<vmem>>, %arg9: memref<128x128xf32, #tpu.memory_space<vmem>>, %arg10: memref<10240x128xf32, #tpu.memory_space<vmem_shared>>, %arg11: memref<!tpu.dma_semaphore, #tpu.memory_space<semaphore_mem>>, %arg12: memref<!tpu.dma_semaphore, #tpu.memory_space<semaphore_mem>>, %arg13: memref<!tpu.dma_semaphore, #tpu.memory_space<semaphore_mem>>) attributes {dimension_semantics = [#tpu.dimension_semantics<core_parallel>, #tpu.dimension_semantics<subcore_parallel>], iteration_bounds = array<i64: 2, 16>, scalar_prefetch = 0 : i64, scratch_operands = 8 : i64, tpu.core_type = #tpu.core_type<sc_vector_subcore>, window_params = [{transform_indices = #map}, {transform_indices = #map}, {transform_indices = #map1}, {transform_indices = #map}]} {
    %mul3A = arith.constant 640 : i32
    %mul3A_0 = arith.muli %arg1, %mul3A : i32
    %mul3A_1 = arith.constant 160 : i32
    %mul3A_2 = arith.muli %arg1, %mul3A_1 : i32
    "tpu.region"() ({
      %run_scoped3A_38 = tpu.sem_alloc : memref<!tpu.dma_semaphore, #tpu.memory_space<semaphore_mem>>
      %dma_start3A_39 = arith.constant 0 : i32
      %dma_start3A_40 = tpu.memref_slice %arg10[%mul3A_0, %dma_start3A_39] : memref<10240x128xf32, #tpu.memory_space<vmem_shared>> -> memref<640x128xf32, #tpu.memory_space<vmem_shared>>
      tpu.enqueue_dma source(%arg4 : memref<640x128xf32, #tpu.memory_space<hbm>>) target(%dma_start3A_40 : memref<640x128xf32, #tpu.memory_space<vmem_shared>>) target_semaphore(%run_scoped3A_38 : memref<!tpu.dma_semaphore, #tpu.memory_space<semaphore_mem>>)
      %dma_wait3A_41 = arith.constant 0 : i32
      %dma_wait3A_42 = tpu.memref_slice %arg10[%mul3A_0, %dma_wait3A_41] : memref<10240x128xf32, #tpu.memory_space<vmem_shared>> -> memref<640x128xf32, #tpu.memory_space<vmem_shared>>
      tpu.wait_dma2 semaphore(%run_scoped3A_38 : memref<!tpu.dma_semaphore, #tpu.memory_space<semaphore_mem>>) src(%arg4 : memref<640x128xf32, #tpu.memory_space<hbm>>) dst(%dma_wait3A_42 : memref<640x128xf32, #tpu.memory_space<vmem_shared>>)
      tpu.yield
    }) : () -> ()
    %barrier3A = arith.constant 0 : index
    tpu.barrier barrier_id(%barrier3A)
    %run_scoped3A = arith.constant 0 : i32
    %run_scoped3A_3 = arith.constant 0 : i32
    "tpu.region"() ({
      %run_scoped3A_38 = tpu.sem_alloc : memref<!tpu.dma_semaphore, #tpu.memory_space<semaphore_mem>>
      %dma_start3A_39 = arith.constant 0 : i32
      %dma_start3A_40 = arith.constant 0 : i32
      %dma_start3A_41 = tpu.memref_slice %arg6[%run_scoped3A_3, %dma_start3A_39, %dma_start3A_40] : memref<2x8x128xi32, #tpu.memory_space<vmem>> -> memref<1x8x128xi32, #tpu.memory_space<vmem>>
      %dma_start3A_42 = tpu.memref_squeeze %dma_start3A_41 : memref<1x8x128xi32, #tpu.memory_space<vmem>> -> memref<8x128xi32, #tpu.memory_space<vmem>>
      %dma_start3A_43 = arith.constant 0 : i32
      %dma_start3A_44 = arith.constant 0 : i32
      %dma_start3A_45 = tpu.memref_slice %arg3[%run_scoped3A, %dma_start3A_43, %dma_start3A_44] : memref<2x2568x128xi32, #tpu.memory_space<hbm>> -> memref<1x2568x128xi32, #tpu.memory_space<hbm>>
      %dma_start3A_46 = tpu.memref_squeeze %dma_start3A_45 : memref<1x2568x128xi32, #tpu.memory_space<hbm>> -> memref<2568x128xi32, #tpu.memory_space<hbm>>
      %dma_start3A_47 = arith.constant 0 : i32
      %dma_start3A_48 = tpu.memref_slice %dma_start3A_46[%mul3A_2, %dma_start3A_47] : memref<2568x128xi32, #tpu.memory_space<hbm>> -> memref<8x128xi32, #tpu.memory_space<hbm>>
      %dma_start3A_49 = arith.constant 0 : i32
      %dma_start3A_50 = arith.constant 0 : i32
      %dma_start3A_51 = tpu.memref_slice %arg6[%run_scoped3A_3, %dma_start3A_49, %dma_start3A_50] : memref<2x8x128xi32, #tpu.memory_space<vmem>> -> memref<1x8x128xi32, #tpu.memory_space<vmem>>
      %dma_start3A_52 = tpu.memref_squeeze %dma_start3A_51 : memref<1x8x128xi32, #tpu.memory_space<vmem>> -> memref<8x128xi32, #tpu.memory_space<vmem>>
      %dma_start3A_53 = arith.constant 0 : i32
      %dma_start3A_54 = arith.constant 0 : i32
      %dma_start3A_55 = tpu.memref_slice %arg3[%run_scoped3A, %dma_start3A_53, %dma_start3A_54] : memref<2x2568x128xi32, #tpu.memory_space<hbm>> -> memref<1x2568x128xi32, #tpu.memory_space<hbm>>
      %dma_start3A_56 = tpu.memref_squeeze %dma_start3A_55 : memref<1x2568x128xi32, #tpu.memory_space<hbm>> -> memref<2568x128xi32, #tpu.memory_space<hbm>>
      %dma_start3A_57 = arith.constant 0 : i32
      %dma_start3A_58 = tpu.memref_slice %dma_start3A_56[%mul3A_2, %dma_start3A_57] : memref<2568x128xi32, #tpu.memory_space<hbm>> -> memref<8x128xi32, #tpu.memory_space<hbm>>
      tpu.enqueue_dma source(%dma_start3A_58 : memref<8x128xi32, #tpu.memory_space<hbm>>) target(%dma_start3A_52 : memref<8x128xi32, #tpu.memory_space<vmem>>) target_semaphore(%run_scoped3A_38 : memref<!tpu.dma_semaphore, #tpu.memory_space<semaphore_mem>>)
      %dma_wait3A_59 = arith.constant 0 : i32
      %dma_wait3A_60 = arith.constant 0 : i32
      %dma_wait3A_61 = tpu.memref_slice %arg6[%run_scoped3A_3, %dma_wait3A_59, %dma_wait3A_60] : memref<2x8x128xi32, #tpu.memory_space<vmem>> -> memref<1x8x128xi32, #tpu.memory_space<vmem>>
      %dma_wait3A_62 = tpu.memref_squeeze %dma_wait3A_61 : memref<1x8x128xi32, #tpu.memory_space<vmem>> -> memref<8x128xi32, #tpu.memory_space<vmem>>
      %dma_wait3A_63 = arith.constant 0 : i32
      %dma_wait3A_64 = arith.constant 0 : i32
      %dma_wait3A_65 = tpu.memref_slice %arg3[%run_scoped3A, %dma_wait3A_63, %dma_wait3A_64] : memref<2x2568x128xi32, #tpu.memory_space<hbm>> -> memref<1x2568x128xi32, #tpu.memory_space<hbm>>
      %dma_wait3A_66 = tpu.memref_squeeze %dma_wait3A_65 : memref<1x2568x128xi32, #tpu.memory_space<hbm>> -> memref<2568x128xi32, #tpu.memory_space<hbm>>
      %dma_wait3A_67 = arith.constant 0 : i32
      %dma_wait3A_68 = tpu.memref_slice %dma_wait3A_66[%mul3A_2, %dma_wait3A_67] : memref<2568x128xi32, #tpu.memory_space<hbm>> -> memref<8x128xi32, #tpu.memory_space<hbm>>
      %dma_wait3A_69 = arith.constant 0 : i32
      %dma_wait3A_70 = arith.constant 0 : i32
      %dma_wait3A_71 = tpu.memref_slice %arg6[%run_scoped3A_3, %dma_wait3A_69, %dma_wait3A_70] : memref<2x8x128xi32, #tpu.memory_space<vmem>> -> memref<1x8x128xi32, #tpu.memory_space<vmem>>
      %dma_wait3A_72 = tpu.memref_squeeze %dma_wait3A_71 : memref<1x8x128xi32, #tpu.memory_space<vmem>> -> memref<8x128xi32, #tpu.memory_space<vmem>>
      %dma_wait3A_73 = arith.constant 0 : i32
      %dma_wait3A_74 = arith.constant 0 : i32
      %dma_wait3A_75 = tpu.memref_slice %arg3[%run_scoped3A, %dma_wait3A_73, %dma_wait3A_74] : memref<2x2568x128xi32, #tpu.memory_space<hbm>> -> memref<1x2568x128xi32, #tpu.memory_space<hbm>>
      %dma_wait3A_76 = tpu.memref_squeeze %dma_wait3A_75 : memref<1x2568x128xi32, #tpu.memory_space<hbm>> -> memref<2568x128xi32, #tpu.memory_space<hbm>>
      %dma_wait3A_77 = arith.constant 0 : i32
      %dma_wait3A_78 = tpu.memref_slice %dma_wait3A_76[%mul3A_2, %dma_wait3A_77] : memref<2568x128xi32, #tpu.memory_space<hbm>> -> memref<8x128xi32, #tpu.memory_space<hbm>>
      tpu.wait_dma2 semaphore(%run_scoped3A_38 : memref<!tpu.dma_semaphore, #tpu.memory_space<semaphore_mem>>) src(%dma_wait3A_78 : memref<8x128xi32, #tpu.memory_space<hbm>>) dst(%dma_wait3A_72 : memref<8x128xi32, #tpu.memory_space<vmem>>)
      tpu.yield
    }) : () -> ()
    %run_scoped3A_4 = arith.constant 1 : i32
    %run_scoped3A_5 = arith.constant 0 : i32
    "tpu.region"() ({
      %run_scoped3A_38 = tpu.sem_alloc : memref<!tpu.dma_semaphore, #tpu.memory_space<semaphore_mem>>
      %dma_start3A_39 = arith.constant 0 : i32
      %dma_start3A_40 = arith.constant 0 : i32
      %dma_start3A_41 = tpu.memref_slice %arg7[%run_scoped3A_5, %dma_start3A_39, %dma_start3A_40] : memref<2x8x128xi32, #tpu.memory_space<vmem>> -> memref<1x8x128xi32, #tpu.memory_space<vmem>>
      %dma_start3A_42 = tpu.memref_squeeze %dma_start3A_41 : memref<1x8x128xi32, #tpu.memory_space<vmem>> -> memref<8x128xi32, #tpu.memory_space<vmem>>
      %dma_start3A_43 = arith.constant 0 : i32
      %dma_start3A_44 = arith.constant 0 : i32
      %dma_start3A_45 = tpu.memref_slice %arg3[%run_scoped3A_4, %dma_start3A_43, %dma_start3A_44] : memref<2x2568x128xi32, #tpu.memory_space<hbm>> -> memref<1x2568x128xi32, #tpu.memory_space<hbm>>
      %dma_start3A_46 = tpu.memref_squeeze %dma_start3A_45 : memref<1x2568x128xi32, #tpu.memory_space<hbm>> -> memref<2568x128xi32, #tpu.memory_space<hbm>>
      %dma_start3A_47 = arith.constant 0 : i32
      %dma_start3A_48 = tpu.memref_slice %dma_start3A_46[%mul3A_2, %dma_start3A_47] : memref<2568x128xi32, #tpu.memory_space<hbm>> -> memref<8x128xi32, #tpu.memory_space<hbm>>
      %dma_start3A_49 = arith.constant 0 : i32
      %dma_start3A_50 = arith.constant 0 : i32
      %dma_start3A_51 = tpu.memref_slice %arg7[%run_scoped3A_5, %dma_start3A_49, %dma_start3A_50] : memref<2x8x128xi32, #tpu.memory_space<vmem>> -> memref<1x8x128xi32, #tpu.memory_space<vmem>>
      %dma_start3A_52 = tpu.memref_squeeze %dma_start3A_51 : memref<1x8x128xi32, #tpu.memory_space<vmem>> -> memref<8x128xi32, #tpu.memory_space<vmem>>
      %dma_start3A_53 = arith.constant 0 : i32
      %dma_start3A_54 = arith.constant 0 : i32
      %dma_start3A_55 = tpu.memref_slice %arg3[%run_scoped3A_4, %dma_start3A_53, %dma_start3A_54] : memref<2x2568x128xi32, #tpu.memory_space<hbm>> -> memref<1x2568x128xi32, #tpu.memory_space<hbm>>
      %dma_start3A_56 = tpu.memref_squeeze %dma_start3A_55 : memref<1x2568x128xi32, #tpu.memory_space<hbm>> -> memref<2568x128xi32, #tpu.memory_space<hbm>>
      %dma_start3A_57 = arith.constant 0 : i32
      %dma_start3A_58 = tpu.memref_slice %dma_start3A_56[%mul3A_2, %dma_start3A_57] : memref<2568x128xi32, #tpu.memory_space<hbm>> -> memref<8x128xi32, #tpu.memory_space<hbm>>
      tpu.enqueue_dma source(%dma_start3A_58 : memref<8x128xi32, #tpu.memory_space<hbm>>) target(%dma_start3A_52 : memref<8x128xi32, #tpu.memory_space<vmem>>) target_semaphore(%run_scoped3A_38 : memref<!tpu.dma_semaphore, #tpu.memory_space<semaphore_mem>>)
      %dma_wait3A_59 = arith.constant 0 : i32
      %dma_wait3A_60 = arith.constant 0 : i32
      %dma_wait3A_61 = tpu.memref_slice %arg7[%run_scoped3A_5, %dma_wait3A_59, %dma_wait3A_60] : memref<2x8x128xi32, #tpu.memory_space<vmem>> -> memref<1x8x128xi32, #tpu.memory_space<vmem>>
      %dma_wait3A_62 = tpu.memref_squeeze %dma_wait3A_61 : memref<1x8x128xi32, #tpu.memory_space<vmem>> -> memref<8x128xi32, #tpu.memory_space<vmem>>
      %dma_wait3A_63 = arith.constant 0 : i32
      %dma_wait3A_64 = arith.constant 0 : i32
      %dma_wait3A_65 = tpu.memref_slice %arg3[%run_scoped3A_4, %dma_wait3A_63, %dma_wait3A_64] : memref<2x2568x128xi32, #tpu.memory_space<hbm>> -> memref<1x2568x128xi32, #tpu.memory_space<hbm>>
      %dma_wait3A_66 = tpu.memref_squeeze %dma_wait3A_65 : memref<1x2568x128xi32, #tpu.memory_space<hbm>> -> memref<2568x128xi32, #tpu.memory_space<hbm>>
      %dma_wait3A_67 = arith.constant 0 : i32
      %dma_wait3A_68 = tpu.memref_slice %dma_wait3A_66[%mul3A_2, %dma_wait3A_67] : memref<2568x128xi32, #tpu.memory_space<hbm>> -> memref<8x128xi32, #tpu.memory_space<hbm>>
      %dma_wait3A_69 = arith.constant 0 : i32
      %dma_wait3A_70 = arith.constant 0 : i32
      %dma_wait3A_71 = tpu.memref_slice %arg7[%run_scoped3A_5, %dma_wait3A_69, %dma_wait3A_70] : memref<2x8x128xi32, #tpu.memory_space<vmem>> -> memref<1x8x128xi32, #tpu.memory_space<vmem>>
      %dma_wait3A_72 = tpu.memref_squeeze %dma_wait3A_71 : memref<1x8x128xi32, #tpu.memory_space<vmem>> -> memref<8x128xi32, #tpu.memory_space<vmem>>
      %dma_wait3A_73 = arith.constant 0 : i32
      %dma_wait3A_74 = arith.constant 0 : i32
      %dma_wait3A_75 = tpu.memref_slice %arg3[%run_scoped3A_4, %dma_wait3A_73, %dma_wait3A_74] : memref<2x2568x128xi32, #tpu.memory_space<hbm>> -> memref<1x2568x128xi32, #tpu.memory_space<hbm>>
      %dma_wait3A_76 = tpu.memref_squeeze %dma_wait3A_75 : memref<1x2568x128xi32, #tpu.memory_space<hbm>> -> memref<2568x128xi32, #tpu.memory_space<hbm>>
      %dma_wait3A_77 = arith.constant 0 : i32
      %dma_wait3A_78 = tpu.memref_slice %dma_wait3A_76[%mul3A_2, %dma_wait3A_77] : memref<2568x128xi32, #tpu.memory_space<hbm>> -> memref<8x128xi32, #tpu.memory_space<hbm>>
      tpu.wait_dma2 semaphore(%run_scoped3A_38 : memref<!tpu.dma_semaphore, #tpu.memory_space<semaphore_mem>>) src(%dma_wait3A_78 : memref<8x128xi32, #tpu.memory_space<hbm>>) dst(%dma_wait3A_72 : memref<8x128xi32, #tpu.memory_space<vmem>>)
      tpu.yield
    }) : () -> ()
    %dma_start3A = arith.constant 0 : i32
    %dma_start3A_6 = arith.constant 0 : i32
    %dma_start3A_7 = arith.constant 0 : i32
    %dma_start3A_8 = tpu.memref_slice %arg6[%dma_start3A, %dma_start3A_6, %dma_start3A_7] : memref<2x8x128xi32, #tpu.memory_space<vmem>> -> memref<1x1x128xi32, #tpu.memory_space<vmem>>
    %dma_start3A_9 = tpu.memref_squeeze %dma_start3A_8 : memref<1x1x128xi32, #tpu.memory_space<vmem>> -> memref<128xi32, #tpu.memory_space<vmem>>
    %dma_start3A_10 = arith.constant 0 : i32
    %dma_start3A_11 = arith.constant 0 : i32
    %dma_start3A_12 = tpu.memref_slice %arg2[%arg0, %dma_start3A_10, %dma_start3A_11] : memref<2x10240x128xf32, #tpu.memory_space<hbm>> -> memref<1x10240x128xf32, #tpu.memory_space<hbm>>
    %dma_start3A_13 = tpu.memref_squeeze %dma_start3A_12 : memref<1x10240x128xf32, #tpu.memory_space<hbm>> -> memref<10240x128xf32, #tpu.memory_space<hbm>>
    %dma_start3A_14 = arith.constant 0 : i32
    %dma_start3A_15 = arith.constant 0 : i32
    %dma_start3A_16 = tpu.memref_slice %dma_start3A_13[%dma_start3A_14, %dma_start3A_15] : memref<10240x128xf32, #tpu.memory_space<hbm>> -> memref<10240x128xf32, #tpu.memory_space<hbm>>
    tpu.enqueue_indirect_dma source(%dma_start3A_16 : memref<10240x128xf32, #tpu.memory_space<hbm>>) target(%arg8 : memref<128x128xf32, #tpu.memory_space<vmem>>) offsets(%dma_start3A_9 : memref<128xi32, #tpu.memory_space<vmem>>) semaphore(%arg11 : memref<!tpu.dma_semaphore, #tpu.memory_space<semaphore_mem>>)
    %scan3A = arith.constant 0 : i32
    %scan3A_17 = arith.constant 0 : i32
    %scan3A_18 = arith.constant 1 : i32
    %scan3A_19 = arith.constant 0 : i32
    %scan3A_20 = arith.constant 20 : i32
    %scan3A_21 = arith.addi %scan3A_19, %scan3A_20 : i32
    %scan3A_22 = arith.constant 1 : i32
    scf.for %scan3A_38 = %scan3A_19 to %scan3A_21 step %scan3A_22  : i32 {
      %and3A = arith.constant 1 : i32
      %and3A_39 = arith.andi %scan3A_38, %and3A : i32
      %sub3A = arith.constant 1 : i32
      %sub3A_40 = arith.subi %sub3A, %and3A_39 : i32
      %add3A = arith.constant 1 : i32
      %add3A_41 = arith.addi %scan3A_38, %add3A : i32
      %mul3A_42 = arith.constant 8 : i32
      %mul3A_43 = arith.muli %add3A_41, %mul3A_42 : i32
      %add3A_44 = arith.addi %mul3A_2, %mul3A_43 : i32
      %dma_start3A_45 = arith.constant 0 : i32
      %dma_start3A_46 = arith.constant 0 : i32
      %dma_start3A_47 = tpu.memref_slice %arg6[%sub3A_40, %dma_start3A_45, %dma_start3A_46] : memref<2x8x128xi32, #tpu.memory_space<vmem>> -> memref<1x8x128xi32, #tpu.memory_space<vmem>>
      %dma_start3A_48 = tpu.memref_squeeze %dma_start3A_47 : memref<1x8x128xi32, #tpu.memory_space<vmem>> -> memref<8x128xi32, #tpu.memory_space<vmem>>
      %dma_start3A_49 = arith.constant 0 : i32
      %dma_start3A_50 = arith.constant 0 : i32
      %dma_start3A_51 = tpu.memref_slice %arg3[%scan3A_17, %dma_start3A_49, %dma_start3A_50] : memref<2x2568x128xi32, #tpu.memory_space<hbm>> -> memref<1x2568x128xi32, #tpu.memory_space<hbm>>
      %dma_start3A_52 = tpu.memref_squeeze %dma_start3A_51 : memref<1x2568x128xi32, #tpu.memory_space<hbm>> -> memref<2568x128xi32, #tpu.memory_space<hbm>>
      %dma_start3A_53 = arith.constant 0 : i32
      %dma_start3A_54 = tpu.memref_slice %dma_start3A_52[%add3A_44, %dma_start3A_53] : memref<2568x128xi32, #tpu.memory_space<hbm>> -> memref<8x128xi32, #tpu.memory_space<hbm>>
      %dma_start3A_55 = arith.constant 0 : i32
      %dma_start3A_56 = arith.constant 0 : i32
      %dma_start3A_57 = tpu.memref_slice %arg6[%sub3A_40, %dma_start3A_55, %dma_start3A_56] : memref<2x8x128xi32, #tpu.memory_space<vmem>> -> memref<1x8x128xi32, #tpu.memory_space<vmem>>
      %dma_start3A_58 = tpu.memref_squeeze %dma_start3A_57 : memref<1x8x128xi32, #tpu.memory_space<vmem>> -> memref<8x128xi32, #tpu.memory_space<vmem>>
      %dma_start3A_59 = arith.constant 0 : i32
      %dma_start3A_60 = arith.constant 0 : i32
      %dma_start3A_61 = tpu.memref_slice %arg3[%scan3A_17, %dma_start3A_59, %dma_start3A_60] : memref<2x2568x128xi32, #tpu.memory_space<hbm>> -> memref<1x2568x128xi32, #tpu.memory_space<hbm>>
      %dma_start3A_62 = tpu.memref_squeeze %dma_start3A_61 : memref<1x2568x128xi32, #tpu.memory_space<hbm>> -> memref<2568x128xi32, #tpu.memory_space<hbm>>
      %dma_start3A_63 = arith.constant 0 : i32
      %dma_start3A_64 = tpu.memref_slice %dma_start3A_62[%add3A_44, %dma_start3A_63] : memref<2568x128xi32, #tpu.memory_space<hbm>> -> memref<8x128xi32, #tpu.memory_space<hbm>>
      tpu.enqueue_dma source(%dma_start3A_64 : memref<8x128xi32, #tpu.memory_space<hbm>>) target(%dma_start3A_58 : memref<8x128xi32, #tpu.memory_space<vmem>>) target_semaphore(%arg13 : memref<!tpu.dma_semaphore, #tpu.memory_space<semaphore_mem>>)
      %dma_start3A_65 = arith.constant 0 : i32
      %dma_start3A_66 = arith.constant 0 : i32
      %dma_start3A_67 = tpu.memref_slice %arg7[%sub3A_40, %dma_start3A_65, %dma_start3A_66] : memref<2x8x128xi32, #tpu.memory_space<vmem>> -> memref<1x8x128xi32, #tpu.memory_space<vmem>>
      %dma_start3A_68 = tpu.memref_squeeze %dma_start3A_67 : memref<1x8x128xi32, #tpu.memory_space<vmem>> -> memref<8x128xi32, #tpu.memory_space<vmem>>
      %dma_start3A_69 = arith.constant 0 : i32
      %dma_start3A_70 = arith.constant 0 : i32
      %dma_start3A_71 = tpu.memref_slice %arg3[%scan3A_18, %dma_start3A_69, %dma_start3A_70] : memref<2x2568x128xi32, #tpu.memory_space<hbm>> -> memref<1x2568x128xi32, #tpu.memory_space<hbm>>
      %dma_start3A_72 = tpu.memref_squeeze %dma_start3A_71 : memref<1x2568x128xi32, #tpu.memory_space<hbm>> -> memref<2568x128xi32, #tpu.memory_space<hbm>>
      %dma_start3A_73 = arith.constant 0 : i32
      %dma_start3A_74 = tpu.memref_slice %dma_start3A_72[%add3A_44, %dma_start3A_73] : memref<2568x128xi32, #tpu.memory_space<hbm>> -> memref<8x128xi32, #tpu.memory_space<hbm>>
      %dma_start3A_75 = arith.constant 0 : i32
      %dma_start3A_76 = arith.constant 0 : i32
      %dma_start3A_77 = tpu.memref_slice %arg7[%sub3A_40, %dma_start3A_75, %dma_start3A_76] : memref<2x8x128xi32, #tpu.memory_space<vmem>> -> memref<1x8x128xi32, #tpu.memory_space<vmem>>
      %dma_start3A_78 = tpu.memref_squeeze %dma_start3A_77 : memref<1x8x128xi32, #tpu.memory_space<vmem>> -> memref<8x128xi32, #tpu.memory_space<vmem>>
      %dma_start3A_79 = arith.constant 0 : i32
      %dma_start3A_80 = arith.constant 0 : i32
      %dma_start3A_81 = tpu.memref_slice %arg3[%scan3A_18, %dma_start3A_79, %dma_start3A_80] : memref<2x2568x128xi32, #tpu.memory_space<hbm>> -> memref<1x2568x128xi32, #tpu.memory_space<hbm>>
      %dma_start3A_82 = tpu.memref_squeeze %dma_start3A_81 : memref<1x2568x128xi32, #tpu.memory_space<hbm>> -> memref<2568x128xi32, #tpu.memory_space<hbm>>
      %dma_start3A_83 = arith.constant 0 : i32
      %dma_start3A_84 = tpu.memref_slice %dma_start3A_82[%add3A_44, %dma_start3A_83] : memref<2568x128xi32, #tpu.memory_space<hbm>> -> memref<8x128xi32, #tpu.memory_space<hbm>>
      tpu.enqueue_dma source(%dma_start3A_84 : memref<8x128xi32, #tpu.memory_space<hbm>>) target(%dma_start3A_78 : memref<8x128xi32, #tpu.memory_space<vmem>>) target_semaphore(%arg13 : memref<!tpu.dma_semaphore, #tpu.memory_space<semaphore_mem>>)
      %dma_start3A_85 = arith.constant 1 : i32
      %dma_start3A_86 = arith.constant 0 : i32
      %dma_start3A_87 = tpu.memref_slice %arg6[%and3A_39, %dma_start3A_85, %dma_start3A_86] : memref<2x8x128xi32, #tpu.memory_space<vmem>> -> memref<1x1x128xi32, #tpu.memory_space<vmem>>
      %dma_start3A_88 = tpu.memref_squeeze %dma_start3A_87 : memref<1x1x128xi32, #tpu.memory_space<vmem>> -> memref<128xi32, #tpu.memory_space<vmem>>
      %dma_start3A_89 = arith.constant 0 : i32
      %dma_start3A_90 = arith.constant 0 : i32
      %dma_start3A_91 = tpu.memref_slice %arg2[%arg0, %dma_start3A_89, %dma_start3A_90] : memref<2x10240x128xf32, #tpu.memory_space<hbm>> -> memref<1x10240x128xf32, #tpu.memory_space<hbm>>
      %dma_start3A_92 = tpu.memref_squeeze %dma_start3A_91 : memref<1x10240x128xf32, #tpu.memory_space<hbm>> -> memref<10240x128xf32, #tpu.memory_space<hbm>>
      %dma_start3A_93 = arith.constant 0 : i32
      %dma_start3A_94 = arith.constant 0 : i32
      %dma_start3A_95 = tpu.memref_slice %dma_start3A_92[%dma_start3A_93, %dma_start3A_94] : memref<10240x128xf32, #tpu.memory_space<hbm>> -> memref<10240x128xf32, #tpu.memory_space<hbm>>
      tpu.enqueue_indirect_dma source(%dma_start3A_95 : memref<10240x128xf32, #tpu.memory_space<hbm>>) target(%arg9 : memref<128x128xf32, #tpu.memory_space<vmem>>) offsets(%dma_start3A_88 : memref<128xi32, #tpu.memory_space<vmem>>) semaphore(%arg12 : memref<!tpu.dma_semaphore, #tpu.memory_space<semaphore_mem>>)
      %dma_wait3A_96 = arith.constant 0 : i32
      %dma_wait3A_97 = arith.constant 0 : i32
      %dma_wait3A_98 = tpu.memref_slice %arg2[%arg0, %dma_wait3A_96, %dma_wait3A_97] : memref<2x10240x128xf32, #tpu.memory_space<hbm>> -> memref<1x10240x128xf32, #tpu.memory_space<hbm>>
      %dma_wait3A_99 = tpu.memref_squeeze %dma_wait3A_98 : memref<1x10240x128xf32, #tpu.memory_space<hbm>> -> memref<10240x128xf32, #tpu.memory_space<hbm>>
      %dma_wait3A_100 = arith.constant 0 : i32
      %dma_wait3A_101 = arith.constant 0 : i32
      %dma_wait3A_102 = tpu.memref_slice %dma_wait3A_99[%dma_wait3A_100, %dma_wait3A_101] : memref<10240x128xf32, #tpu.memory_space<hbm>> -> memref<128x128xf32, #tpu.memory_space<hbm>>
      %dma_wait3A_103 = arith.constant 0 : i32
      %dma_wait3A_104 = arith.constant 0 : i32
      %dma_wait3A_105 = tpu.memref_slice %arg2[%arg0, %dma_wait3A_103, %dma_wait3A_104] : memref<2x10240x128xf32, #tpu.memory_space<hbm>> -> memref<1x10240x128xf32, #tpu.memory_space<hbm>>
      %dma_wait3A_106 = tpu.memref_squeeze %dma_wait3A_105 : memref<1x10240x128xf32, #tpu.memory_space<hbm>> -> memref<10240x128xf32, #tpu.memory_space<hbm>>
      %dma_wait3A_107 = arith.constant 0 : i32
      %dma_wait3A_108 = arith.constant 0 : i32
      %dma_wait3A_109 = tpu.memref_slice %dma_wait3A_106[%dma_wait3A_107, %dma_wait3A_108] : memref<10240x128xf32, #tpu.memory_space<hbm>> -> memref<128x128xf32, #tpu.memory_space<hbm>>
      tpu.wait_dma2 semaphore(%arg11 : memref<!tpu.dma_semaphore, #tpu.memory_space<semaphore_mem>>) src(%dma_wait3A_109 : memref<128x128xf32, #tpu.memory_space<hbm>>) dst(%arg8 : memref<128x128xf32, #tpu.memory_space<vmem>>)
      %run_scoped3A_110 = arith.constant 0 : i32
      "tpu.region"() ({
        %run_scoped3A_337 = tpu.sem_alloc : memref<!tpu.dma_semaphore, #tpu.memory_space<semaphore_mem>>
        %dma_start3A_338 = arith.constant 0 : i32
        %dma_start3A_339 = tpu.memref_slice %arg7[%and3A_39, %run_scoped3A_110, %dma_start3A_338] : memref<2x8x128xi32, #tpu.memory_space<vmem>> -> memref<1x1x128xi32, #tpu.memory_space<vmem>>
        %dma_start3A_340 = tpu.memref_squeeze %dma_start3A_339 : memref<1x1x128xi32, #tpu.memory_space<vmem>> -> memref<128xi32, #tpu.memory_space<vmem>>
        %dma_start3A_341 = arith.constant 0 : i32
        %dma_start3A_342 = arith.constant 0 : i32
        %dma_start3A_343 = tpu.memref_slice %arg10[%dma_start3A_341, %dma_start3A_342] : memref<10240x128xf32, #tpu.memory_space<vmem_shared>> -> memref<10240x128xf32, #tpu.memory_space<vmem_shared>>
        tpu.enqueue_indirect_dma source(%arg8 : memref<128x128xf32, #tpu.memory_space<vmem>>) target(%dma_start3A_343 : memref<10240x128xf32, #tpu.memory_space<vmem_shared>>) offsets(%dma_start3A_340 : memref<128xi32, #tpu.memory_space<vmem>>) semaphore(%run_scoped3A_337 : memref<!tpu.dma_semaphore, #tpu.memory_space<semaphore_mem>>) {add = true}
        %dma_wait3A_344 = arith.constant 0 : i32
        %dma_wait3A_345 = tpu.memref_slice %arg7[%and3A_39, %run_scoped3A_110, %dma_wait3A_344] : memref<2x8x128xi32, #tpu.memory_space<vmem>> -> memref<1x1x128xi32, #tpu.memory_space<vmem>>
        %dma_wait3A_346 = tpu.memref_squeeze %dma_wait3A_345 : memref<1x1x128xi32, #tpu.memory_space<vmem>> -> memref<128xi32, #tpu.memory_space<vmem>>
        %dma_wait3A_347 = arith.constant 0 : i32
        %dma_wait3A_348 = arith.constant 0 : i32
        %dma_wait3A_349 = tpu.memref_slice %arg10[%dma_wait3A_347, %dma_wait3A_348] : memref<10240x128xf32, #tpu.memory_space<vmem_shared>> -> memref<10240x128xf32, #tpu.memory_space<vmem_shared>>
        tpu.wait_indirect_dma semaphore(%run_scoped3A_337 : memref<!tpu.dma_semaphore, #tpu.memory_space<semaphore_mem>>) src(%arg8 : memref<128x128xf32, #tpu.memory_space<vmem>>) dst(%dma_wait3A_349 : memref<10240x128xf32, #tpu.memory_space<vmem_shared>>)
        tpu.yield
      }) : () -> ()
      %dma_start3A_111 = arith.constant 2 : i32
      %dma_start3A_112 = arith.constant 0 : i32
      %dma_start3A_113 = tpu.memref_slice %arg6[%and3A_39, %dma_start3A_111, %dma_start3A_112] : memref<2x8x128xi32, #tpu.memory_space<vmem>> -> memref<1x1x128xi32, #tpu.memory_space<vmem>>
      %dma_start3A_114 = tpu.memref_squeeze %dma_start3A_113 : memref<1x1x128xi32, #tpu.memory_space<vmem>> -> memref<128xi32, #tpu.memory_space<vmem>>
      %dma_start3A_115 = arith.constant 0 : i32
      %dma_start3A_116 = arith.constant 0 : i32
      %dma_start3A_117 = tpu.memref_slice %arg2[%arg0, %dma_start3A_115, %dma_start3A_116] : memref<2x10240x128xf32, #tpu.memory_space<hbm>> -> memref<1x10240x128xf32, #tpu.memory_space<hbm>>
      %dma_start3A_118 = tpu.memref_squeeze %dma_start3A_117 : memref<1x10240x128xf32, #tpu.memory_space<hbm>> -> memref<10240x128xf32, #tpu.memory_space<hbm>>
      %dma_start3A_119 = arith.constant 0 : i32
      %dma_start3A_120 = arith.constant 0 : i32
      %dma_start3A_121 = tpu.memref_slice %dma_start3A_118[%dma_start3A_119, %dma_start3A_120] : memref<10240x128xf32, #tpu.memory_space<hbm>> -> memref<10240x128xf32, #tpu.memory_space<hbm>>
      tpu.enqueue_indirect_dma source(%dma_start3A_121 : memref<10240x128xf32, #tpu.memory_space<hbm>>) target(%arg8 : memref<128x128xf32, #tpu.memory_space<vmem>>) offsets(%dma_start3A_114 : memref<128xi32, #tpu.memory_space<vmem>>) semaphore(%arg11 : memref<!tpu.dma_semaphore, #tpu.memory_space<semaphore_mem>>)
      %dma_wait3A_122 = arith.constant 0 : i32
      %dma_wait3A_123 = arith.constant 0 : i32
      %dma_wait3A_124 = tpu.memref_slice %arg2[%arg0, %dma_wait3A_122, %dma_wait3A_123] : memref<2x10240x128xf32, #tpu.memory_space<hbm>> -> memref<1x10240x128xf32, #tpu.memory_space<hbm>>
      %dma_wait3A_125 = tpu.memref_squeeze %dma_wait3A_124 : memref<1x10240x128xf32, #tpu.memory_space<hbm>> -> memref<10240x128xf32, #tpu.memory_space<hbm>>
      %dma_wait3A_126 = arith.constant 0 : i32
      %dma_wait3A_127 = arith.constant 0 : i32
      %dma_wait3A_128 = tpu.memref_slice %dma_wait3A_125[%dma_wait3A_126, %dma_wait3A_127] : memref<10240x128xf32, #tpu.memory_space<hbm>> -> memref<128x128xf32, #tpu.memory_space<hbm>>
      %dma_wait3A_129 = arith.constant 0 : i32
      %dma_wait3A_130 = arith.constant 0 : i32
      %dma_wait3A_131 = tpu.memref_slice %arg2[%arg0, %dma_wait3A_129, %dma_wait3A_130] : memref<2x10240x128xf32, #tpu.memory_space<hbm>> -> memref<1x10240x128xf32, #tpu.memory_space<hbm>>
      %dma_wait3A_132 = tpu.memref_squeeze %dma_wait3A_131 : memref<1x10240x128xf32, #tpu.memory_space<hbm>> -> memref<10240x128xf32, #tpu.memory_space<hbm>>
      %dma_wait3A_133 = arith.constant 0 : i32
      %dma_wait3A_134 = arith.constant 0 : i32
      %dma_wait3A_135 = tpu.memref_slice %dma_wait3A_132[%dma_wait3A_133, %dma_wait3A_134] : memref<10240x128xf32, #tpu.memory_space<hbm>> -> memref<128x128xf32, #tpu.memory_space<hbm>>
      tpu.wait_dma2 semaphore(%arg12 : memref<!tpu.dma_semaphore, #tpu.memory_space<semaphore_mem>>) src(%dma_wait3A_135 : memref<128x128xf32, #tpu.memory_space<hbm>>) dst(%arg9 : memref<128x128xf32, #tpu.memory_space<vmem>>)
      %run_scoped3A_136 = arith.constant 1 : i32
      "tpu.region"() ({
        %run_scoped3A_337 = tpu.sem_alloc : memref<!tpu.dma_semaphore, #tpu.memory_space<semaphore_mem>>
        %dma_start3A_338 = arith.constant 0 : i32
        %dma_start3A_339 = tpu.memref_slice %arg7[%and3A_39, %run_scoped3A_136, %dma_start3A_338] : memref<2x8x128xi32, #tpu.memory_space<vmem>> -> memref<1x1x128xi32, #tpu.memory_space<vmem>>
        %dma_start3A_340 = tpu.memref_squeeze %dma_start3A_339 : memref<1x1x128xi32, #tpu.memory_space<vmem>> -> memref<128xi32, #tpu.memory_space<vmem>>
        %dma_start3A_341 = arith.constant 0 : i32
        %dma_start3A_342 = arith.constant 0 : i32
        %dma_start3A_343 = tpu.memref_slice %arg10[%dma_start3A_341, %dma_start3A_342] : memref<10240x128xf32, #tpu.memory_space<vmem_shared>> -> memref<10240x128xf32, #tpu.memory_space<vmem_shared>>
        tpu.enqueue_indirect_dma source(%arg9 : memref<128x128xf32, #tpu.memory_space<vmem>>) target(%dma_start3A_343 : memref<10240x128xf32, #tpu.memory_space<vmem_shared>>) offsets(%dma_start3A_340 : memref<128xi32, #tpu.memory_space<vmem>>) semaphore(%run_scoped3A_337 : memref<!tpu.dma_semaphore, #tpu.memory_space<semaphore_mem>>) {add = true}
        %dma_wait3A_344 = arith.constant 0 : i32
        %dma_wait3A_345 = tpu.memref_slice %arg7[%and3A_39, %run_scoped3A_136, %dma_wait3A_344] : memref<2x8x128xi32, #tpu.memory_space<vmem>> -> memref<1x1x128xi32, #tpu.memory_space<vmem>>
        %dma_wait3A_346 = tpu.memref_squeeze %dma_wait3A_345 : memref<1x1x128xi32, #tpu.memory_space<vmem>> -> memref<128xi32, #tpu.memory_space<vmem>>
        %dma_wait3A_347 = arith.constant 0 : i32
        %dma_wait3A_348 = arith.constant 0 : i32
        %dma_wait3A_349 = tpu.memref_slice %arg10[%dma_wait3A_347, %dma_wait3A_348] : memref<10240x128xf32, #tpu.memory_space<vmem_shared>> -> memref<10240x128xf32, #tpu.memory_space<vmem_shared>>
        tpu.wait_indirect_dma semaphore(%run_scoped3A_337 : memref<!tpu.dma_semaphore, #tpu.memory_space<semaphore_mem>>) src(%arg9 : memref<128x128xf32, #tpu.memory_space<vmem>>) dst(%dma_wait3A_349 : memref<10240x128xf32, #tpu.memory_space<vmem_shared>>)
        tpu.yield
      }) : () -> ()
      %dma_start3A_137 = arith.constant 3 : i32
      %dma_start3A_138 = arith.constant 0 : i32
      %dma_start3A_139 = tpu.memref_slice %arg6[%and3A_39, %dma_start3A_137, %dma_start3A_138] : memref<2x8x128xi32, #tpu.memory_space<vmem>> -> memref<1x1x128xi32, #tpu.memory_space<vmem>>
      %dma_start3A_140 = tpu.memref_squeeze %dma_start3A_139 : memref<1x1x128xi32, #tpu.memory_space<vmem>> -> memref<128xi32, #tpu.memory_space<vmem>>
      %dma_start3A_141 = arith.constant 0 : i32
      %dma_start3A_142 = arith.constant 0 : i32
      %dma_start3A_143 = tpu.memref_slice %arg2[%arg0, %dma_start3A_141, %dma_start3A_142] : memref<2x10240x128xf32, #tpu.memory_space<hbm>> -> memref<1x10240x128xf32, #tpu.memory_space<hbm>>
      %dma_start3A_144 = tpu.memref_squeeze %dma_start3A_143 : memref<1x10240x128xf32, #tpu.memory_space<hbm>> -> memref<10240x128xf32, #tpu.memory_space<hbm>>
      %dma_start3A_145 = arith.constant 0 : i32
      %dma_start3A_146 = arith.constant 0 : i32
      %dma_start3A_147 = tpu.memref_slice %dma_start3A_144[%dma_start3A_145, %dma_start3A_146] : memref<10240x128xf32, #tpu.memory_space<hbm>> -> memref<10240x128xf32, #tpu.memory_space<hbm>>
      tpu.enqueue_indirect_dma source(%dma_start3A_147 : memref<10240x128xf32, #tpu.memory_space<hbm>>) target(%arg9 : memref<128x128xf32, #tpu.memory_space<vmem>>) offsets(%dma_start3A_140 : memref<128xi32, #tpu.memory_space<vmem>>) semaphore(%arg12 : memref<!tpu.dma_semaphore, #tpu.memory_space<semaphore_mem>>)
      %dma_wait3A_148 = arith.constant 0 : i32
      %dma_wait3A_149 = arith.constant 0 : i32
      %dma_wait3A_150 = tpu.memref_slice %arg2[%arg0, %dma_wait3A_148, %dma_wait3A_149] : memref<2x10240x128xf32, #tpu.memory_space<hbm>> -> memref<1x10240x128xf32, #tpu.memory_space<hbm>>
      %dma_wait3A_151 = tpu.memref_squeeze %dma_wait3A_150 : memref<1x10240x128xf32, #tpu.memory_space<hbm>> -> memref<10240x128xf32, #tpu.memory_space<hbm>>
      %dma_wait3A_152 = arith.constant 0 : i32
      %dma_wait3A_153 = arith.constant 0 : i32
      %dma_wait3A_154 = tpu.memref_slice %dma_wait3A_151[%dma_wait3A_152, %dma_wait3A_153] : memref<10240x128xf32, #tpu.memory_space<hbm>> -> memref<128x128xf32, #tpu.memory_space<hbm>>
      %dma_wait3A_155 = arith.constant 0 : i32
      %dma_wait3A_156 = arith.constant 0 : i32
      %dma_wait3A_157 = tpu.memref_slice %arg2[%arg0, %dma_wait3A_155, %dma_wait3A_156] : memref<2x10240x128xf32, #tpu.memory_space<hbm>> -> memref<1x10240x128xf32, #tpu.memory_space<hbm>>
      %dma_wait3A_158 = tpu.memref_squeeze %dma_wait3A_157 : memref<1x10240x128xf32, #tpu.memory_space<hbm>> -> memref<10240x128xf32, #tpu.memory_space<hbm>>
      %dma_wait3A_159 = arith.constant 0 : i32
      %dma_wait3A_160 = arith.constant 0 : i32
      %dma_wait3A_161 = tpu.memref_slice %dma_wait3A_158[%dma_wait3A_159, %dma_wait3A_160] : memref<10240x128xf32, #tpu.memory_space<hbm>> -> memref<128x128xf32, #tpu.memory_space<hbm>>
      tpu.wait_dma2 semaphore(%arg11 : memref<!tpu.dma_semaphore, #tpu.memory_space<semaphore_mem>>) src(%dma_wait3A_161 : memref<128x128xf32, #tpu.memory_space<hbm>>) dst(%arg8 : memref<128x128xf32, #tpu.memory_space<vmem>>)
      %run_scoped3A_162 = arith.constant 2 : i32
      "tpu.region"() ({
        %run_scoped3A_337 = tpu.sem_alloc : memref<!tpu.dma_semaphore, #tpu.memory_space<semaphore_mem>>
        %dma_start3A_338 = arith.constant 0 : i32
        %dma_start3A_339 = tpu.memref_slice %arg7[%and3A_39, %run_scoped3A_162, %dma_start3A_338] : memref<2x8x128xi32, #tpu.memory_space<vmem>> -> memref<1x1x128xi32, #tpu.memory_space<vmem>>
        %dma_start3A_340 = tpu.memref_squeeze %dma_start3A_339 : memref<1x1x128xi32, #tpu.memory_space<vmem>> -> memref<128xi32, #tpu.memory_space<vmem>>
        %dma_start3A_341 = arith.constant 0 : i32
        %dma_start3A_342 = arith.constant 0 : i32
        %dma_start3A_343 = tpu.memref_slice %arg10[%dma_start3A_341, %dma_start3A_342] : memref<10240x128xf32, #tpu.memory_space<vmem_shared>> -> memref<10240x128xf32, #tpu.memory_space<vmem_shared>>
        tpu.enqueue_indirect_dma source(%arg8 : memref<128x128xf32, #tpu.memory_space<vmem>>) target(%dma_start3A_343 : memref<10240x128xf32, #tpu.memory_space<vmem_shared>>) offsets(%dma_start3A_340 : memref<128xi32, #tpu.memory_space<vmem>>) semaphore(%run_scoped3A_337 : memref<!tpu.dma_semaphore, #tpu.memory_space<semaphore_mem>>) {add = true}
        %dma_wait3A_344 = arith.constant 0 : i32
        %dma_wait3A_345 = tpu.memref_slice %arg7[%and3A_39, %run_scoped3A_162, %dma_wait3A_344] : memref<2x8x128xi32, #tpu.memory_space<vmem>> -> memref<1x1x128xi32, #tpu.memory_space<vmem>>
        %dma_wait3A_346 = tpu.memref_squeeze %dma_wait3A_345 : memref<1x1x128xi32, #tpu.memory_space<vmem>> -> memref<128xi32, #tpu.memory_space<vmem>>
        %dma_wait3A_347 = arith.constant 0 : i32
        %dma_wait3A_348 = arith.constant 0 : i32
        %dma_wait3A_349 = tpu.memref_slice %arg10[%dma_wait3A_347, %dma_wait3A_348] : memref<10240x128xf32, #tpu.memory_space<vmem_shared>> -> memref<10240x128xf32, #tpu.memory_space<vmem_shared>>
        tpu.wait_indirect_dma semaphore(%run_scoped3A_337 : memref<!tpu.dma_semaphore, #tpu.memory_space<semaphore_mem>>) src(%arg8 : memref<128x128xf32, #tpu.memory_space<vmem>>) dst(%dma_wait3A_349 : memref<10240x128xf32, #tpu.memory_space<vmem_shared>>)
        tpu.yield
      }) : () -> ()
      %dma_start3A_163 = arith.constant 4 : i32
      %dma_start3A_164 = arith.constant 0 : i32
      %dma_start3A_165 = tpu.memref_slice %arg6[%and3A_39, %dma_start3A_163, %dma_start3A_164] : memref<2x8x128xi32, #tpu.memory_space<vmem>> -> memref<1x1x128xi32, #tpu.memory_space<vmem>>
      %dma_start3A_166 = tpu.memref_squeeze %dma_start3A_165 : memref<1x1x128xi32, #tpu.memory_space<vmem>> -> memref<128xi32, #tpu.memory_space<vmem>>
      %dma_start3A_167 = arith.constant 0 : i32
      %dma_start3A_168 = arith.constant 0 : i32
      %dma_start3A_169 = tpu.memref_slice %arg2[%arg0, %dma_start3A_167, %dma_start3A_168] : memref<2x10240x128xf32, #tpu.memory_space<hbm>> -> memref<1x10240x128xf32, #tpu.memory_space<hbm>>
      %dma_start3A_170 = tpu.memref_squeeze %dma_start3A_169 : memref<1x10240x128xf32, #tpu.memory_space<hbm>> -> memref<10240x128xf32, #tpu.memory_space<hbm>>
      %dma_start3A_171 = arith.constant 0 : i32
      %dma_start3A_172 = arith.constant 0 : i32
      %dma_start3A_173 = tpu.memref_slice %dma_start3A_170[%dma_start3A_171, %dma_start3A_172] : memref<10240x128xf32, #tpu.memory_space<hbm>> -> memref<10240x128xf32, #tpu.memory_space<hbm>>
      tpu.enqueue_indirect_dma source(%dma_start3A_173 : memref<10240x128xf32, #tpu.memory_space<hbm>>) target(%arg8 : memref<128x128xf32, #tpu.memory_space<vmem>>) offsets(%dma_start3A_166 : memref<128xi32, #tpu.memory_space<vmem>>) semaphore(%arg11 : memref<!tpu.dma_semaphore, #tpu.memory_space<semaphore_mem>>)
      %dma_wait3A_174 = arith.constant 0 : i32
      %dma_wait3A_175 = arith.constant 0 : i32
      %dma_wait3A_176 = tpu.memref_slice %arg2[%arg0, %dma_wait3A_174, %dma_wait3A_175] : memref<2x10240x128xf32, #tpu.memory_space<hbm>> -> memref<1x10240x128xf32, #tpu.memory_space<hbm>>
      %dma_wait3A_177 = tpu.memref_squeeze %dma_wait3A_176 : memref<1x10240x128xf32, #tpu.memory_space<hbm>> -> memref<10240x128xf32, #tpu.memory_space<hbm>>
      %dma_wait3A_178 = arith.constant 0 : i32
      %dma_wait3A_179 = arith.constant 0 : i32
      %dma_wait3A_180 = tpu.memref_slice %dma_wait3A_177[%dma_wait3A_178, %dma_wait3A_179] : memref<10240x128xf32, #tpu.memory_space<hbm>> -> memref<128x128xf32, #tpu.memory_space<hbm>>
      %dma_wait3A_181 = arith.constant 0 : i32
      %dma_wait3A_182 = arith.constant 0 : i32
      %dma_wait3A_183 = tpu.memref_slice %arg2[%arg0, %dma_wait3A_181, %dma_wait3A_182] : memref<2x10240x128xf32, #tpu.memory_space<hbm>> -> memref<1x10240x128xf32, #tpu.memory_space<hbm>>
      %dma_wait3A_184 = tpu.memref_squeeze %dma_wait3A_183 : memref<1x10240x128xf32, #tpu.memory_space<hbm>> -> memref<10240x128xf32, #tpu.memory_space<hbm>>
      %dma_wait3A_185 = arith.constant 0 : i32
      %dma_wait3A_186 = arith.constant 0 : i32
      %dma_wait3A_187 = tpu.memref_slice %dma_wait3A_184[%dma_wait3A_185, %dma_wait3A_186] : memref<10240x128xf32, #tpu.memory_space<hbm>> -> memref<128x128xf32, #tpu.memory_space<hbm>>
      tpu.wait_dma2 semaphore(%arg12 : memref<!tpu.dma_semaphore, #tpu.memory_space<semaphore_mem>>) src(%dma_wait3A_187 : memref<128x128xf32, #tpu.memory_space<hbm>>) dst(%arg9 : memref<128x128xf32, #tpu.memory_space<vmem>>)
      %run_scoped3A_188 = arith.constant 3 : i32
      "tpu.region"() ({
        %run_scoped3A_337 = tpu.sem_alloc : memref<!tpu.dma_semaphore, #tpu.memory_space<semaphore_mem>>
        %dma_start3A_338 = arith.constant 0 : i32
        %dma_start3A_339 = tpu.memref_slice %arg7[%and3A_39, %run_scoped3A_188, %dma_start3A_338] : memref<2x8x128xi32, #tpu.memory_space<vmem>> -> memref<1x1x128xi32, #tpu.memory_space<vmem>>
        %dma_start3A_340 = tpu.memref_squeeze %dma_start3A_339 : memref<1x1x128xi32, #tpu.memory_space<vmem>> -> memref<128xi32, #tpu.memory_space<vmem>>
        %dma_start3A_341 = arith.constant 0 : i32
        %dma_start3A_342 = arith.constant 0 : i32
        %dma_start3A_343 = tpu.memref_slice %arg10[%dma_start3A_341, %dma_start3A_342] : memref<10240x128xf32, #tpu.memory_space<vmem_shared>> -> memref<10240x128xf32, #tpu.memory_space<vmem_shared>>
        tpu.enqueue_indirect_dma source(%arg9 : memref<128x128xf32, #tpu.memory_space<vmem>>) target(%dma_start3A_343 : memref<10240x128xf32, #tpu.memory_space<vmem_shared>>) offsets(%dma_start3A_340 : memref<128xi32, #tpu.memory_space<vmem>>) semaphore(%run_scoped3A_337 : memref<!tpu.dma_semaphore, #tpu.memory_space<semaphore_mem>>) {add = true}
        %dma_wait3A_344 = arith.constant 0 : i32
        %dma_wait3A_345 = tpu.memref_slice %arg7[%and3A_39, %run_scoped3A_188, %dma_wait3A_344] : memref<2x8x128xi32, #tpu.memory_space<vmem>> -> memref<1x1x128xi32, #tpu.memory_space<vmem>>
        %dma_wait3A_346 = tpu.memref_squeeze %dma_wait3A_345 : memref<1x1x128xi32, #tpu.memory_space<vmem>> -> memref<128xi32, #tpu.memory_space<vmem>>
        %dma_wait3A_347 = arith.constant 0 : i32
        %dma_wait3A_348 = arith.constant 0 : i32
        %dma_wait3A_349 = tpu.memref_slice %arg10[%dma_wait3A_347, %dma_wait3A_348] : memref<10240x128xf32, #tpu.memory_space<vmem_shared>> -> memref<10240x128xf32, #tpu.memory_space<vmem_shared>>
        tpu.wait_indirect_dma semaphore(%run_scoped3A_337 : memref<!tpu.dma_semaphore, #tpu.memory_space<semaphore_mem>>) src(%arg9 : memref<128x128xf32, #tpu.memory_space<vmem>>) dst(%dma_wait3A_349 : memref<10240x128xf32, #tpu.memory_space<vmem_shared>>)
        tpu.yield
      }) : () -> ()
      %dma_start3A_189 = arith.constant 5 : i32
      %dma_start3A_190 = arith.constant 0 : i32
      %dma_start3A_191 = tpu.memref_slice %arg6[%and3A_39, %dma_start3A_189, %dma_start3A_190] : memref<2x8x128xi32, #tpu.memory_space<vmem>> -> memref<1x1x128xi32, #tpu.memory_space<vmem>>
      %dma_start3A_192 = tpu.memref_squeeze %dma_start3A_191 : memref<1x1x128xi32, #tpu.memory_space<vmem>> -> memref<128xi32, #tpu.memory_space<vmem>>
      %dma_start3A_193 = arith.constant 0 : i32
      %dma_start3A_194 = arith.constant 0 : i32
      %dma_start3A_195 = tpu.memref_slice %arg2[%arg0, %dma_start3A_193, %dma_start3A_194] : memref<2x10240x128xf32, #tpu.memory_space<hbm>> -> memref<1x10240x128xf32, #tpu.memory_space<hbm>>
      %dma_start3A_196 = tpu.memref_squeeze %dma_start3A_195 : memref<1x10240x128xf32, #tpu.memory_space<hbm>> -> memref<10240x128xf32, #tpu.memory_space<hbm>>
      %dma_start3A_197 = arith.constant 0 : i32
      %dma_start3A_198 = arith.constant 0 : i32
      %dma_start3A_199 = tpu.memref_slice %dma_start3A_196[%dma_start3A_197, %dma_start3A_198] : memref<10240x128xf32, #tpu.memory_space<hbm>> -> memref<10240x128xf32, #tpu.memory_space<hbm>>
      tpu.enqueue_indirect_dma source(%dma_start3A_199 : memref<10240x128xf32, #tpu.memory_space<hbm>>) target(%arg9 : memref<128x128xf32, #tpu.memory_space<vmem>>) offsets(%dma_start3A_192 : memref<128xi32, #tpu.memory_space<vmem>>) semaphore(%arg12 : memref<!tpu.dma_semaphore, #tpu.memory_space<semaphore_mem>>)
      %dma_wait3A_200 = arith.constant 0 : i32
      %dma_wait3A_201 = arith.constant 0 : i32
      %dma_wait3A_202 = tpu.memref_slice %arg2[%arg0, %dma_wait3A_200, %dma_wait3A_201] : memref<2x10240x128xf32, #tpu.memory_space<hbm>> -> memref<1x10240x128xf32, #tpu.memory_space<hbm>>
      %dma_wait3A_203 = tpu.memref_squeeze %dma_wait3A_202 : memref<1x10240x128xf32, #tpu.memory_space<hbm>> -> memref<10240x128xf32, #tpu.memory_space<hbm>>
      %dma_wait3A_204 = arith.constant 0 : i32
      %dma_wait3A_205 = arith.constant 0 : i32
      %dma_wait3A_206 = tpu.memref_slice %dma_wait3A_203[%dma_wait3A_204, %dma_wait3A_205] : memref<10240x128xf32, #tpu.memory_space<hbm>> -> memref<128x128xf32, #tpu.memory_space<hbm>>
      %dma_wait3A_207 = arith.constant 0 : i32
      %dma_wait3A_208 = arith.constant 0 : i32
      %dma_wait3A_209 = tpu.memref_slice %arg2[%arg0, %dma_wait3A_207, %dma_wait3A_208] : memref<2x10240x128xf32, #tpu.memory_space<hbm>> -> memref<1x10240x128xf32, #tpu.memory_space<hbm>>
      %dma_wait3A_210 = tpu.memref_squeeze %dma_wait3A_209 : memref<1x10240x128xf32, #tpu.memory_space<hbm>> -> memref<10240x128xf32, #tpu.memory_space<hbm>>
      %dma_wait3A_211 = arith.constant 0 : i32
      %dma_wait3A_212 = arith.constant 0 : i32
      %dma_wait3A_213 = tpu.memref_slice %dma_wait3A_210[%dma_wait3A_211, %dma_wait3A_212] : memref<10240x128xf32, #tpu.memory_space<hbm>> -> memref<128x128xf32, #tpu.memory_space<hbm>>
      tpu.wait_dma2 semaphore(%arg11 : memref<!tpu.dma_semaphore, #tpu.memory_space<semaphore_mem>>) src(%dma_wait3A_213 : memref<128x128xf32, #tpu.memory_space<hbm>>) dst(%arg8 : memref<128x128xf32, #tpu.memory_space<vmem>>)
      %run_scoped3A_214 = arith.constant 4 : i32
      "tpu.region"() ({
        %run_scoped3A_337 = tpu.sem_alloc : memref<!tpu.dma_semaphore, #tpu.memory_space<semaphore_mem>>
        %dma_start3A_338 = arith.constant 0 : i32
        %dma_start3A_339 = tpu.memref_slice %arg7[%and3A_39, %run_scoped3A_214, %dma_start3A_338] : memref<2x8x128xi32, #tpu.memory_space<vmem>> -> memref<1x1x128xi32, #tpu.memory_space<vmem>>
        %dma_start3A_340 = tpu.memref_squeeze %dma_start3A_339 : memref<1x1x128xi32, #tpu.memory_space<vmem>> -> memref<128xi32, #tpu.memory_space<vmem>>
        %dma_start3A_341 = arith.constant 0 : i32
        %dma_start3A_342 = arith.constant 0 : i32
        %dma_start3A_343 = tpu.memref_slice %arg10[%dma_start3A_341, %dma_start3A_342] : memref<10240x128xf32, #tpu.memory_space<vmem_shared>> -> memref<10240x128xf32, #tpu.memory_space<vmem_shared>>
        tpu.enqueue_indirect_dma source(%arg8 : memref<128x128xf32, #tpu.memory_space<vmem>>) target(%dma_start3A_343 : memref<10240x128xf32, #tpu.memory_space<vmem_shared>>) offsets(%dma_start3A_340 : memref<128xi32, #tpu.memory_space<vmem>>) semaphore(%run_scoped3A_337 : memref<!tpu.dma_semaphore, #tpu.memory_space<semaphore_mem>>) {add = true}
        %dma_wait3A_344 = arith.constant 0 : i32
        %dma_wait3A_345 = tpu.memref_slice %arg7[%and3A_39, %run_scoped3A_214, %dma_wait3A_344] : memref<2x8x128xi32, #tpu.memory_space<vmem>> -> memref<1x1x128xi32, #tpu.memory_space<vmem>>
        %dma_wait3A_346 = tpu.memref_squeeze %dma_wait3A_345 : memref<1x1x128xi32, #tpu.memory_space<vmem>> -> memref<128xi32, #tpu.memory_space<vmem>>
        %dma_wait3A_347 = arith.constant 0 : i32
        %dma_wait3A_348 = arith.constant 0 : i32
        %dma_wait3A_349 = tpu.memref_slice %arg10[%dma_wait3A_347, %dma_wait3A_348] : memref<10240x128xf32, #tpu.memory_space<vmem_shared>> -> memref<10240x128xf32, #tpu.memory_space<vmem_shared>>
        tpu.wait_indirect_dma semaphore(%run_scoped3A_337 : memref<!tpu.dma_semaphore, #tpu.memory_space<semaphore_mem>>) src(%arg8 : memref<128x128xf32, #tpu.memory_space<vmem>>) dst(%dma_wait3A_349 : memref<10240x128xf32, #tpu.memory_space<vmem_shared>>)
        tpu.yield
      }) : () -> ()
      %dma_start3A_215 = arith.constant 6 : i32
      %dma_start3A_216 = arith.constant 0 : i32
      %dma_start3A_217 = tpu.memref_slice %arg6[%and3A_39, %dma_start3A_215, %dma_start3A_216] : memref<2x8x128xi32, #tpu.memory_space<vmem>> -> memref<1x1x128xi32, #tpu.memory_space<vmem>>
      %dma_start3A_218 = tpu.memref_squeeze %dma_start3A_217 : memref<1x1x128xi32, #tpu.memory_space<vmem>> -> memref<128xi32, #tpu.memory_space<vmem>>
      %dma_start3A_219 = arith.constant 0 : i32
      %dma_start3A_220 = arith.constant 0 : i32
      %dma_start3A_221 = tpu.memref_slice %arg2[%arg0, %dma_start3A_219, %dma_start3A_220] : memref<2x10240x128xf32, #tpu.memory_space<hbm>> -> memref<1x10240x128xf32, #tpu.memory_space<hbm>>
      %dma_start3A_222 = tpu.memref_squeeze %dma_start3A_221 : memref<1x10240x128xf32, #tpu.memory_space<hbm>> -> memref<10240x128xf32, #tpu.memory_space<hbm>>
      %dma_start3A_223 = arith.constant 0 : i32
      %dma_start3A_224 = arith.constant 0 : i32
      %dma_start3A_225 = tpu.memref_slice %dma_start3A_222[%dma_start3A_223, %dma_start3A_224] : memref<10240x128xf32, #tpu.memory_space<hbm>> -> memref<10240x128xf32, #tpu.memory_space<hbm>>
      tpu.enqueue_indirect_dma source(%dma_start3A_225 : memref<10240x128xf32, #tpu.memory_space<hbm>>) target(%arg8 : memref<128x128xf32, #tpu.memory_space<vmem>>) offsets(%dma_start3A_218 : memref<128xi32, #tpu.memory_space<vmem>>) semaphore(%arg11 : memref<!tpu.dma_semaphore, #tpu.memory_space<semaphore_mem>>)
      %dma_wait3A_226 = arith.constant 0 : i32
      %dma_wait3A_227 = arith.constant 0 : i32
      %dma_wait3A_228 = tpu.memref_slice %arg2[%arg0, %dma_wait3A_226, %dma_wait3A_227] : memref<2x10240x128xf32, #tpu.memory_space<hbm>> -> memref<1x10240x128xf32, #tpu.memory_space<hbm>>
      %dma_wait3A_229 = tpu.memref_squeeze %dma_wait3A_228 : memref<1x10240x128xf32, #tpu.memory_space<hbm>> -> memref<10240x128xf32, #tpu.memory_space<hbm>>
      %dma_wait3A_230 = arith.constant 0 : i32
      %dma_wait3A_231 = arith.constant 0 : i32
      %dma_wait3A_232 = tpu.memref_slice %dma_wait3A_229[%dma_wait3A_230, %dma_wait3A_231] : memref<10240x128xf32, #tpu.memory_space<hbm>> -> memref<128x128xf32, #tpu.memory_space<hbm>>
      %dma_wait3A_233 = arith.constant 0 : i32
      %dma_wait3A_234 = arith.constant 0 : i32
      %dma_wait3A_235 = tpu.memref_slice %arg2[%arg0, %dma_wait3A_233, %dma_wait3A_234] : memref<2x10240x128xf32, #tpu.memory_space<hbm>> -> memref<1x10240x128xf32, #tpu.memory_space<hbm>>
      %dma_wait3A_236 = tpu.memref_squeeze %dma_wait3A_235 : memref<1x10240x128xf32, #tpu.memory_space<hbm>> -> memref<10240x128xf32, #tpu.memory_space<hbm>>
      %dma_wait3A_237 = arith.constant 0 : i32
      %dma_wait3A_238 = arith.constant 0 : i32
      %dma_wait3A_239 = tpu.memref_slice %dma_wait3A_236[%dma_wait3A_237, %dma_wait3A_238] : memref<10240x128xf32, #tpu.memory_space<hbm>> -> memref<128x128xf32, #tpu.memory_space<hbm>>
      tpu.wait_dma2 semaphore(%arg12 : memref<!tpu.dma_semaphore, #tpu.memory_space<semaphore_mem>>) src(%dma_wait3A_239 : memref<128x128xf32, #tpu.memory_space<hbm>>) dst(%arg9 : memref<128x128xf32, #tpu.memory_space<vmem>>)
      %run_scoped3A_240 = arith.constant 5 : i32
      "tpu.region"() ({
        %run_scoped3A_337 = tpu.sem_alloc : memref<!tpu.dma_semaphore, #tpu.memory_space<semaphore_mem>>
        %dma_start3A_338 = arith.constant 0 : i32
        %dma_start3A_339 = tpu.memref_slice %arg7[%and3A_39, %run_scoped3A_240, %dma_start3A_338] : memref<2x8x128xi32, #tpu.memory_space<vmem>> -> memref<1x1x128xi32, #tpu.memory_space<vmem>>
        %dma_start3A_340 = tpu.memref_squeeze %dma_start3A_339 : memref<1x1x128xi32, #tpu.memory_space<vmem>> -> memref<128xi32, #tpu.memory_space<vmem>>
        %dma_start3A_341 = arith.constant 0 : i32
        %dma_start3A_342 = arith.constant 0 : i32
        %dma_start3A_343 = tpu.memref_slice %arg10[%dma_start3A_341, %dma_start3A_342] : memref<10240x128xf32, #tpu.memory_space<vmem_shared>> -> memref<10240x128xf32, #tpu.memory_space<vmem_shared>>
        tpu.enqueue_indirect_dma source(%arg9 : memref<128x128xf32, #tpu.memory_space<vmem>>) target(%dma_start3A_343 : memref<10240x128xf32, #tpu.memory_space<vmem_shared>>) offsets(%dma_start3A_340 : memref<128xi32, #tpu.memory_space<vmem>>) semaphore(%run_scoped3A_337 : memref<!tpu.dma_semaphore, #tpu.memory_space<semaphore_mem>>) {add = true}
        %dma_wait3A_344 = arith.constant 0 : i32
        %dma_wait3A_345 = tpu.memref_slice %arg7[%and3A_39, %run_scoped3A_240, %dma_wait3A_344] : memref<2x8x128xi32, #tpu.memory_space<vmem>> -> memref<1x1x128xi32, #tpu.memory_space<vmem>>
        %dma_wait3A_346 = tpu.memref_squeeze %dma_wait3A_345 : memref<1x1x128xi32, #tpu.memory_space<vmem>> -> memref<128xi32, #tpu.memory_space<vmem>>
        %dma_wait3A_347 = arith.constant 0 : i32
        %dma_wait3A_348 = arith.constant 0 : i32
        %dma_wait3A_349 = tpu.memref_slice %arg10[%dma_wait3A_347, %dma_wait3A_348] : memref<10240x128xf32, #tpu.memory_space<vmem_shared>> -> memref<10240x128xf32, #tpu.memory_space<vmem_shared>>
        tpu.wait_indirect_dma semaphore(%run_scoped3A_337 : memref<!tpu.dma_semaphore, #tpu.memory_space<semaphore_mem>>) src(%arg9 : memref<128x128xf32, #tpu.memory_space<vmem>>) dst(%dma_wait3A_349 : memref<10240x128xf32, #tpu.memory_space<vmem_shared>>)
        tpu.yield
      }) : () -> ()
      %dma_start3A_241 = arith.constant 7 : i32
      %dma_start3A_242 = arith.constant 0 : i32
      %dma_start3A_243 = tpu.memref_slice %arg6[%and3A_39, %dma_start3A_241, %dma_start3A_242] : memref<2x8x128xi32, #tpu.memory_space<vmem>> -> memref<1x1x128xi32, #tpu.memory_space<vmem>>
      %dma_start3A_244 = tpu.memref_squeeze %dma_start3A_243 : memref<1x1x128xi32, #tpu.memory_space<vmem>> -> memref<128xi32, #tpu.memory_space<vmem>>
      %dma_start3A_245 = arith.constant 0 : i32
      %dma_start3A_246 = arith.constant 0 : i32
      %dma_start3A_247 = tpu.memref_slice %arg2[%arg0, %dma_start3A_245, %dma_start3A_246] : memref<2x10240x128xf32, #tpu.memory_space<hbm>> -> memref<1x10240x128xf32, #tpu.memory_space<hbm>>
      %dma_start3A_248 = tpu.memref_squeeze %dma_start3A_247 : memref<1x10240x128xf32, #tpu.memory_space<hbm>> -> memref<10240x128xf32, #tpu.memory_space<hbm>>
      %dma_start3A_249 = arith.constant 0 : i32
      %dma_start3A_250 = arith.constant 0 : i32
      %dma_start3A_251 = tpu.memref_slice %dma_start3A_248[%dma_start3A_249, %dma_start3A_250] : memref<10240x128xf32, #tpu.memory_space<hbm>> -> memref<10240x128xf32, #tpu.memory_space<hbm>>
      tpu.enqueue_indirect_dma source(%dma_start3A_251 : memref<10240x128xf32, #tpu.memory_space<hbm>>) target(%arg9 : memref<128x128xf32, #tpu.memory_space<vmem>>) offsets(%dma_start3A_244 : memref<128xi32, #tpu.memory_space<vmem>>) semaphore(%arg12 : memref<!tpu.dma_semaphore, #tpu.memory_space<semaphore_mem>>)
      %dma_wait3A_252 = arith.constant 0 : i32
      %dma_wait3A_253 = arith.constant 0 : i32
      %dma_wait3A_254 = tpu.memref_slice %arg2[%arg0, %dma_wait3A_252, %dma_wait3A_253] : memref<2x10240x128xf32, #tpu.memory_space<hbm>> -> memref<1x10240x128xf32, #tpu.memory_space<hbm>>
      %dma_wait3A_255 = tpu.memref_squeeze %dma_wait3A_254 : memref<1x10240x128xf32, #tpu.memory_space<hbm>> -> memref<10240x128xf32, #tpu.memory_space<hbm>>
      %dma_wait3A_256 = arith.constant 0 : i32
      %dma_wait3A_257 = arith.constant 0 : i32
      %dma_wait3A_258 = tpu.memref_slice %dma_wait3A_255[%dma_wait3A_256, %dma_wait3A_257] : memref<10240x128xf32, #tpu.memory_space<hbm>> -> memref<128x128xf32, #tpu.memory_space<hbm>>
      %dma_wait3A_259 = arith.constant 0 : i32
      %dma_wait3A_260 = arith.constant 0 : i32
      %dma_wait3A_261 = tpu.memref_slice %arg2[%arg0, %dma_wait3A_259, %dma_wait3A_260] : memref<2x10240x128xf32, #tpu.memory_space<hbm>> -> memref<1x10240x128xf32, #tpu.memory_space<hbm>>
      %dma_wait3A_262 = tpu.memref_squeeze %dma_wait3A_261 : memref<1x10240x128xf32, #tpu.memory_space<hbm>> -> memref<10240x128xf32, #tpu.memory_space<hbm>>
      %dma_wait3A_263 = arith.constant 0 : i32
      %dma_wait3A_264 = arith.constant 0 : i32
      %dma_wait3A_265 = tpu.memref_slice %dma_wait3A_262[%dma_wait3A_263, %dma_wait3A_264] : memref<10240x128xf32, #tpu.memory_space<hbm>> -> memref<128x128xf32, #tpu.memory_space<hbm>>
      tpu.wait_dma2 semaphore(%arg11 : memref<!tpu.dma_semaphore, #tpu.memory_space<semaphore_mem>>) src(%dma_wait3A_265 : memref<128x128xf32, #tpu.memory_space<hbm>>) dst(%arg8 : memref<128x128xf32, #tpu.memory_space<vmem>>)
      %run_scoped3A_266 = arith.constant 6 : i32
      "tpu.region"() ({
        %run_scoped3A_337 = tpu.sem_alloc : memref<!tpu.dma_semaphore, #tpu.memory_space<semaphore_mem>>
        %dma_start3A_338 = arith.constant 0 : i32
        %dma_start3A_339 = tpu.memref_slice %arg7[%and3A_39, %run_scoped3A_266, %dma_start3A_338] : memref<2x8x128xi32, #tpu.memory_space<vmem>> -> memref<1x1x128xi32, #tpu.memory_space<vmem>>
        %dma_start3A_340 = tpu.memref_squeeze %dma_start3A_339 : memref<1x1x128xi32, #tpu.memory_space<vmem>> -> memref<128xi32, #tpu.memory_space<vmem>>
        %dma_start3A_341 = arith.constant 0 : i32
        %dma_start3A_342 = arith.constant 0 : i32
        %dma_start3A_343 = tpu.memref_slice %arg10[%dma_start3A_341, %dma_start3A_342] : memref<10240x128xf32, #tpu.memory_space<vmem_shared>> -> memref<10240x128xf32, #tpu.memory_space<vmem_shared>>
        tpu.enqueue_indirect_dma source(%arg8 : memref<128x128xf32, #tpu.memory_space<vmem>>) target(%dma_start3A_343 : memref<10240x128xf32, #tpu.memory_space<vmem_shared>>) offsets(%dma_start3A_340 : memref<128xi32, #tpu.memory_space<vmem>>) semaphore(%run_scoped3A_337 : memref<!tpu.dma_semaphore, #tpu.memory_space<semaphore_mem>>) {add = true}
        %dma_wait3A_344 = arith.constant 0 : i32
        %dma_wait3A_345 = tpu.memref_slice %arg7[%and3A_39, %run_scoped3A_266, %dma_wait3A_344] : memref<2x8x128xi32, #tpu.memory_space<vmem>> -> memref<1x1x128xi32, #tpu.memory_space<vmem>>
        %dma_wait3A_346 = tpu.memref_squeeze %dma_wait3A_345 : memref<1x1x128xi32, #tpu.memory_space<vmem>> -> memref<128xi32, #tpu.memory_space<vmem>>
        %dma_wait3A_347 = arith.constant 0 : i32
        %dma_wait3A_348 = arith.constant 0 : i32
        %dma_wait3A_349 = tpu.memref_slice %arg10[%dma_wait3A_347, %dma_wait3A_348] : memref<10240x128xf32, #tpu.memory_space<vmem_shared>> -> memref<10240x128xf32, #tpu.memory_space<vmem_shared>>
        tpu.wait_indirect_dma semaphore(%run_scoped3A_337 : memref<!tpu.dma_semaphore, #tpu.memory_space<semaphore_mem>>) src(%arg8 : memref<128x128xf32, #tpu.memory_space<vmem>>) dst(%dma_wait3A_349 : memref<10240x128xf32, #tpu.memory_space<vmem_shared>>)
        tpu.yield
      }) : () -> ()
      %dma_wait3A_267 = arith.constant 0 : i32
      %dma_wait3A_268 = arith.constant 0 : i32
      %dma_wait3A_269 = tpu.memref_slice %arg6[%and3A_39, %dma_wait3A_267, %dma_wait3A_268] : memref<2x8x128xi32, #tpu.memory_space<vmem>> -> memref<1x8x128xi32, #tpu.memory_space<vmem>>
      %dma_wait3A_270 = tpu.memref_squeeze %dma_wait3A_269 : memref<1x8x128xi32, #tpu.memory_space<vmem>> -> memref<8x128xi32, #tpu.memory_space<vmem>>
      %dma_wait3A_271 = arith.constant 0 : i32
      %dma_wait3A_272 = arith.constant 0 : i32
      %dma_wait3A_273 = tpu.memref_slice %arg3[%scan3A_17, %dma_wait3A_271, %dma_wait3A_272] : memref<2x2568x128xi32, #tpu.memory_space<hbm>> -> memref<1x2568x128xi32, #tpu.memory_space<hbm>>
      %dma_wait3A_274 = tpu.memref_squeeze %dma_wait3A_273 : memref<1x2568x128xi32, #tpu.memory_space<hbm>> -> memref<2568x128xi32, #tpu.memory_space<hbm>>
      %dma_wait3A_275 = arith.constant 0 : i32
      %dma_wait3A_276 = arith.constant 0 : i32
      %dma_wait3A_277 = tpu.memref_slice %dma_wait3A_274[%dma_wait3A_275, %dma_wait3A_276] : memref<2568x128xi32, #tpu.memory_space<hbm>> -> memref<8x128xi32, #tpu.memory_space<hbm>>
      %dma_wait3A_278 = arith.constant 0 : i32
      %dma_wait3A_279 = arith.constant 0 : i32
      %dma_wait3A_280 = tpu.memref_slice %arg6[%and3A_39, %dma_wait3A_278, %dma_wait3A_279] : memref<2x8x128xi32, #tpu.memory_space<vmem>> -> memref<1x8x128xi32, #tpu.memory_space<vmem>>
      %dma_wait3A_281 = tpu.memref_squeeze %dma_wait3A_280 : memref<1x8x128xi32, #tpu.memory_space<vmem>> -> memref<8x128xi32, #tpu.memory_space<vmem>>
      %dma_wait3A_282 = arith.constant 0 : i32
      %dma_wait3A_283 = arith.constant 0 : i32
      %dma_wait3A_284 = tpu.memref_slice %arg3[%scan3A_17, %dma_wait3A_282, %dma_wait3A_283] : memref<2x2568x128xi32, #tpu.memory_space<hbm>> -> memref<1x2568x128xi32, #tpu.memory_space<hbm>>
      %dma_wait3A_285 = tpu.memref_squeeze %dma_wait3A_284 : memref<1x2568x128xi32, #tpu.memory_space<hbm>> -> memref<2568x128xi32, #tpu.memory_space<hbm>>
      %dma_wait3A_286 = arith.constant 0 : i32
      %dma_wait3A_287 = arith.constant 0 : i32
      %dma_wait3A_288 = tpu.memref_slice %dma_wait3A_285[%dma_wait3A_286, %dma_wait3A_287] : memref<2568x128xi32, #tpu.memory_space<hbm>> -> memref<8x128xi32, #tpu.memory_space<hbm>>
      tpu.wait_dma2 semaphore(%arg13 : memref<!tpu.dma_semaphore, #tpu.memory_space<semaphore_mem>>) src(%dma_wait3A_288 : memref<8x128xi32, #tpu.memory_space<hbm>>) dst(%dma_wait3A_281 : memref<8x128xi32, #tpu.memory_space<vmem>>)
      %dma_wait3A_289 = arith.constant 0 : i32
      %dma_wait3A_290 = arith.constant 0 : i32
      %dma_wait3A_291 = tpu.memref_slice %arg7[%and3A_39, %dma_wait3A_289, %dma_wait3A_290] : memref<2x8x128xi32, #tpu.memory_space<vmem>> -> memref<1x8x128xi32, #tpu.memory_space<vmem>>
      %dma_wait3A_292 = tpu.memref_squeeze %dma_wait3A_291 : memref<1x8x128xi32, #tpu.memory_space<vmem>> -> memref<8x128xi32, #tpu.memory_space<vmem>>
      %dma_wait3A_293 = arith.constant 0 : i32
      %dma_wait3A_294 = arith.constant 0 : i32
      %dma_wait3A_295 = tpu.memref_slice %arg3[%scan3A_18, %dma_wait3A_293, %dma_wait3A_294] : memref<2x2568x128xi32, #tpu.memory_space<hbm>> -> memref<1x2568x128xi32, #tpu.memory_space<hbm>>
      %dma_wait3A_296 = tpu.memref_squeeze %dma_wait3A_295 : memref<1x2568x128xi32, #tpu.memory_space<hbm>> -> memref<2568x128xi32, #tpu.memory_space<hbm>>
      %dma_wait3A_297 = arith.constant 0 : i32
      %dma_wait3A_298 = arith.constant 0 : i32
      %dma_wait3A_299 = tpu.memref_slice %dma_wait3A_296[%dma_wait3A_297, %dma_wait3A_298] : memref<2568x128xi32, #tpu.memory_space<hbm>> -> memref<8x128xi32, #tpu.memory_space<hbm>>
      %dma_wait3A_300 = arith.constant 0 : i32
      %dma_wait3A_301 = arith.constant 0 : i32
      %dma_wait3A_302 = tpu.memref_slice %arg7[%and3A_39, %dma_wait3A_300, %dma_wait3A_301] : memref<2x8x128xi32, #tpu.memory_space<vmem>> -> memref<1x8x128xi32, #tpu.memory_space<vmem>>
      %dma_wait3A_303 = tpu.memref_squeeze %dma_wait3A_302 : memref<1x8x128xi32, #tpu.memory_space<vmem>> -> memref<8x128xi32, #tpu.memory_space<vmem>>
      %dma_wait3A_304 = arith.constant 0 : i32
      %dma_wait3A_305 = arith.constant 0 : i32
      %dma_wait3A_306 = tpu.memref_slice %arg3[%scan3A_18, %dma_wait3A_304, %dma_wait3A_305] : memref<2x2568x128xi32, #tpu.memory_space<hbm>> -> memref<1x2568x128xi32, #tpu.memory_space<hbm>>
      %dma_wait3A_307 = tpu.memref_squeeze %dma_wait3A_306 : memref<1x2568x128xi32, #tpu.memory_space<hbm>> -> memref<2568x128xi32, #tpu.memory_space<hbm>>
      %dma_wait3A_308 = arith.constant 0 : i32
      %dma_wait3A_309 = arith.constant 0 : i32
      %dma_wait3A_310 = tpu.memref_slice %dma_wait3A_307[%dma_wait3A_308, %dma_wait3A_309] : memref<2568x128xi32, #tpu.memory_space<hbm>> -> memref<8x128xi32, #tpu.memory_space<hbm>>
      tpu.wait_dma2 semaphore(%arg13 : memref<!tpu.dma_semaphore, #tpu.memory_space<semaphore_mem>>) src(%dma_wait3A_310 : memref<8x128xi32, #tpu.memory_space<hbm>>) dst(%dma_wait3A_303 : memref<8x128xi32, #tpu.memory_space<vmem>>)
      %dma_start3A_311 = arith.constant 0 : i32
      %dma_start3A_312 = arith.constant 0 : i32
      %dma_start3A_313 = tpu.memref_slice %arg6[%sub3A_40, %dma_start3A_311, %dma_start3A_312] : memref<2x8x128xi32, #tpu.memory_space<vmem>> -> memref<1x1x128xi32, #tpu.memory_space<vmem>>
      %dma_start3A_314 = tpu.memref_squeeze %dma_start3A_313 : memref<1x1x128xi32, #tpu.memory_space<vmem>> -> memref<128xi32, #tpu.memory_space<vmem>>
      %dma_start3A_315 = arith.constant 0 : i32
      %dma_start3A_316 = arith.constant 0 : i32
      %dma_start3A_317 = tpu.memref_slice %arg2[%arg0, %dma_start3A_315, %dma_start3A_316] : memref<2x10240x128xf32, #tpu.memory_space<hbm>> -> memref<1x10240x128xf32, #tpu.memory_space<hbm>>
      %dma_start3A_318 = tpu.memref_squeeze %dma_start3A_317 : memref<1x10240x128xf32, #tpu.memory_space<hbm>> -> memref<10240x128xf32, #tpu.memory_space<hbm>>
      %dma_start3A_319 = arith.constant 0 : i32
      %dma_start3A_320 = arith.constant 0 : i32
      %dma_start3A_321 = tpu.memref_slice %dma_start3A_318[%dma_start3A_319, %dma_start3A_320] : memref<10240x128xf32, #tpu.memory_space<hbm>> -> memref<10240x128xf32, #tpu.memory_space<hbm>>
      tpu.enqueue_indirect_dma source(%dma_start3A_321 : memref<10240x128xf32, #tpu.memory_space<hbm>>) target(%arg8 : memref<128x128xf32, #tpu.memory_space<vmem>>) offsets(%dma_start3A_314 : memref<128xi32, #tpu.memory_space<vmem>>) semaphore(%arg11 : memref<!tpu.dma_semaphore, #tpu.memory_space<semaphore_mem>>)
      %dma_wait3A_322 = arith.constant 0 : i32
      %dma_wait3A_323 = arith.constant 0 : i32
      %dma_wait3A_324 = tpu.memref_slice %arg2[%arg0, %dma_wait3A_322, %dma_wait3A_323] : memref<2x10240x128xf32, #tpu.memory_space<hbm>> -> memref<1x10240x128xf32, #tpu.memory_space<hbm>>
      %dma_wait3A_325 = tpu.memref_squeeze %dma_wait3A_324 : memref<1x10240x128xf32, #tpu.memory_space<hbm>> -> memref<10240x128xf32, #tpu.memory_space<hbm>>
      %dma_wait3A_326 = arith.constant 0 : i32
      %dma_wait3A_327 = arith.constant 0 : i32
      %dma_wait3A_328 = tpu.memref_slice %dma_wait3A_325[%dma_wait3A_326, %dma_wait3A_327] : memref<10240x128xf32, #tpu.memory_space<hbm>> -> memref<128x128xf32, #tpu.memory_space<hbm>>
      %dma_wait3A_329 = arith.constant 0 : i32
      %dma_wait3A_330 = arith.constant 0 : i32
      %dma_wait3A_331 = tpu.memref_slice %arg2[%arg0, %dma_wait3A_329, %dma_wait3A_330] : memref<2x10240x128xf32, #tpu.memory_space<hbm>> -> memref<1x10240x128xf32, #tpu.memory_space<hbm>>
      %dma_wait3A_332 = tpu.memref_squeeze %dma_wait3A_331 : memref<1x10240x128xf32, #tpu.memory_space<hbm>> -> memref<10240x128xf32, #tpu.memory_space<hbm>>
      %dma_wait3A_333 = arith.constant 0 : i32
      %dma_wait3A_334 = arith.constant 0 : i32
      %dma_wait3A_335 = tpu.memref_slice %dma_wait3A_332[%dma_wait3A_333, %dma_wait3A_334] : memref<10240x128xf32, #tpu.memory_space<hbm>> -> memref<128x128xf32, #tpu.memory_space<hbm>>
      tpu.wait_dma2 semaphore(%arg12 : memref<!tpu.dma_semaphore, #tpu.memory_space<semaphore_mem>>) src(%dma_wait3A_335 : memref<128x128xf32, #tpu.memory_space<hbm>>) dst(%arg9 : memref<128x128xf32, #tpu.memory_space<vmem>>)
      %run_scoped3A_336 = arith.constant 7 : i32
      "tpu.region"() ({
        %run_scoped3A_337 = tpu.sem_alloc : memref<!tpu.dma_semaphore, #tpu.memory_space<semaphore_mem>>
        %dma_start3A_338 = arith.constant 0 : i32
        %dma_start3A_339 = tpu.memref_slice %arg7[%and3A_39, %run_scoped3A_336, %dma_start3A_338] : memref<2x8x128xi32, #tpu.memory_space<vmem>> -> memref<1x1x128xi32, #tpu.memory_space<vmem>>
        %dma_start3A_340 = tpu.memref_squeeze %dma_start3A_339 : memref<1x1x128xi32, #tpu.memory_space<vmem>> -> memref<128xi32, #tpu.memory_space<vmem>>
        %dma_start3A_341 = arith.constant 0 : i32
        %dma_start3A_342 = arith.constant 0 : i32
        %dma_start3A_343 = tpu.memref_slice %arg10[%dma_start3A_341, %dma_start3A_342] : memref<10240x128xf32, #tpu.memory_space<vmem_shared>> -> memref<10240x128xf32, #tpu.memory_space<vmem_shared>>
        tpu.enqueue_indirect_dma source(%arg9 : memref<128x128xf32, #tpu.memory_space<vmem>>) target(%dma_start3A_343 : memref<10240x128xf32, #tpu.memory_space<vmem_shared>>) offsets(%dma_start3A_340 : memref<128xi32, #tpu.memory_space<vmem>>) semaphore(%run_scoped3A_337 : memref<!tpu.dma_semaphore, #tpu.memory_space<semaphore_mem>>) {add = true}
        %dma_wait3A_344 = arith.constant 0 : i32
        %dma_wait3A_345 = tpu.memref_slice %arg7[%and3A_39, %run_scoped3A_336, %dma_wait3A_344] : memref<2x8x128xi32, #tpu.memory_space<vmem>> -> memref<1x1x128xi32, #tpu.memory_space<vmem>>
        %dma_wait3A_346 = tpu.memref_squeeze %dma_wait3A_345 : memref<1x1x128xi32, #tpu.memory_space<vmem>> -> memref<128xi32, #tpu.memory_space<vmem>>
        %dma_wait3A_347 = arith.constant 0 : i32
        %dma_wait3A_348 = arith.constant 0 : i32
        %dma_wait3A_349 = tpu.memref_slice %arg10[%dma_wait3A_347, %dma_wait3A_348] : memref<10240x128xf32, #tpu.memory_space<vmem_shared>> -> memref<10240x128xf32, #tpu.memory_space<vmem_shared>>
        tpu.wait_indirect_dma semaphore(%run_scoped3A_337 : memref<!tpu.dma_semaphore, #tpu.memory_space<semaphore_mem>>) src(%arg9 : memref<128x128xf32, #tpu.memory_space<vmem>>) dst(%dma_wait3A_349 : memref<10240x128xf32, #tpu.memory_space<vmem_shared>>)
        tpu.yield
      }) : () -> ()
    }
    %scan3A_23 = arith.constant 20 : i32
    %dma_wait3A = arith.constant 0 : i32
    %dma_wait3A_24 = arith.constant 0 : i32
    %dma_wait3A_25 = tpu.memref_slice %arg2[%arg0, %dma_wait3A, %dma_wait3A_24] : memref<2x10240x128xf32, #tpu.memory_space<hbm>> -> memref<1x10240x128xf32, #tpu.memory_space<hbm>>
    %dma_wait3A_26 = tpu.memref_squeeze %dma_wait3A_25 : memref<1x10240x128xf32, #tpu.memory_space<hbm>> -> memref<10240x128xf32, #tpu.memory_space<hbm>>
    %dma_wait3A_27 = arith.constant 0 : i32
    %dma_wait3A_28 = arith.constant 0 : i32
    %dma_wait3A_29 = tpu.memref_slice %dma_wait3A_26[%dma_wait3A_27, %dma_wait3A_28] : memref<10240x128xf32, #tpu.memory_space<hbm>> -> memref<128x128xf32, #tpu.memory_space<hbm>>
    %dma_wait3A_30 = arith.constant 0 : i32
    %dma_wait3A_31 = arith.constant 0 : i32
    %dma_wait3A_32 = tpu.memref_slice %arg2[%arg0, %dma_wait3A_30, %dma_wait3A_31] : memref<2x10240x128xf32, #tpu.memory_space<hbm>> -> memref<1x10240x128xf32, #tpu.memory_space<hbm>>
    %dma_wait3A_33 = tpu.memref_squeeze %dma_wait3A_32 : memref<1x10240x128xf32, #tpu.memory_space<hbm>> -> memref<10240x128xf32, #tpu.memory_space<hbm>>
    %dma_wait3A_34 = arith.constant 0 : i32
    %dma_wait3A_35 = arith.constant 0 : i32
    %dma_wait3A_36 = tpu.memref_slice %dma_wait3A_33[%dma_wait3A_34, %dma_wait3A_35] : memref<10240x128xf32, #tpu.memory_space<hbm>> -> memref<128x128xf32, #tpu.memory_space<hbm>>
    tpu.wait_dma2 semaphore(%arg11 : memref<!tpu.dma_semaphore, #tpu.memory_space<semaphore_mem>>) src(%dma_wait3A_36 : memref<128x128xf32, #tpu.memory_space<hbm>>) dst(%arg8 : memref<128x128xf32, #tpu.memory_space<vmem>>)
    %barrier3A_37 = arith.constant 0 : index
    tpu.barrier barrier_id(%barrier3A_37)
    "tpu.region"() ({
      %run_scoped3A_38 = tpu.sem_alloc : memref<!tpu.dma_semaphore, #tpu.memory_space<semaphore_mem>>
      %dma_start3A_39 = arith.constant 0 : i32
      %dma_start3A_40 = tpu.memref_slice %arg5[%arg0, %mul3A_0, %dma_start3A_39] : memref<2x10240x128xf32, #tpu.memory_space<hbm>> -> memref<1x640x128xf32, #tpu.memory_space<hbm>>
      %dma_start3A_41 = tpu.memref_squeeze %dma_start3A_40 : memref<1x640x128xf32, #tpu.memory_space<hbm>> -> memref<640x128xf32, #tpu.memory_space<hbm>>
      %dma_start3A_42 = arith.constant 0 : i32
      %dma_start3A_43 = tpu.memref_slice %arg10[%mul3A_0, %dma_start3A_42] : memref<10240x128xf32, #tpu.memory_space<vmem_shared>> -> memref<640x128xf32, #tpu.memory_space<vmem_shared>>
      tpu.enqueue_dma source(%dma_start3A_43 : memref<640x128xf32, #tpu.memory_space<vmem_shared>>) target(%dma_start3A_41 : memref<640x128xf32, #tpu.memory_space<hbm>>) target_semaphore(%run_scoped3A_38 : memref<!tpu.dma_semaphore, #tpu.memory_space<semaphore_mem>>)
      %dma_wait3A_44 = arith.constant 0 : i32
      %dma_wait3A_45 = tpu.memref_slice %arg5[%arg0, %mul3A_0, %dma_wait3A_44] : memref<2x10240x128xf32, #tpu.memory_space<hbm>> -> memref<1x640x128xf32, #tpu.memory_space<hbm>>
      %dma_wait3A_46 = tpu.memref_squeeze %dma_wait3A_45 : memref<1x640x128xf32, #tpu.memory_space<hbm>> -> memref<640x128xf32, #tpu.memory_space<hbm>>
      %dma_wait3A_47 = arith.constant 0 : i32
      %dma_wait3A_48 = tpu.memref_slice %arg10[%mul3A_0, %dma_wait3A_47] : memref<10240x128xf32, #tpu.memory_space<vmem_shared>> -> memref<640x128xf32, #tpu.memory_space<vmem_shared>>
      tpu.wait_dma2 semaphore(%run_scoped3A_38 : memref<!tpu.dma_semaphore, #tpu.memory_space<semaphore_mem>>) src(%dma_wait3A_48 : memref<640x128xf32, #tpu.memory_space<vmem_shared>>) dst(%dma_wait3A_46 : memref<640x128xf32, #tpu.memory_space<hbm>>)
      tpu.yield
    }) : () -> ()
    return
  }
}

module attributes {stable_mosaic.version = 14 : i64} {
  func.func @body(%arg0: i32, %arg1: memref<2048x128xf32, #tpu.memory_space<vmem>>, %arg2: memref<128x256xf32, #tpu.memory_space<vmem>>, %arg3: memref<256xf32, #tpu.memory_space<vmem>>, %arg4: memref<2048x256xf32, #tpu.memory_space<vmem>>) attributes {dimension_semantics = [#tpu.dimension_semantics<arbitrary>], iteration_bounds = array<i64: 5>, scalar_prefetch = 0 : i64, scratch_operands = 0 : i64, tpu.core_type = #tpu.core_type<tc>, window_params = [{transform_indices = @transform_0, window_bounds = array<i64: 2048, 128>}, {pipeline_mode = #tpu.pipeline_mode<synchronous>, transform_indices = @transform_1, window_bounds = array<i64: 128, 256>}, {pipeline_mode = #tpu.pipeline_mode<synchronous>, transform_indices = @transform_2, window_bounds = array<i64: 256>}, {transform_indices = @transform_3, window_bounds = array<i64: 2048, 256>}]} {
    %get3A = arith.constant 0 : index
    %get3A_0 = arith.constant 0 : index
    %get3A_1 = vector.load %arg1[%get3A, %get3A_0] : memref<2048x128xf32, #tpu.memory_space<vmem>>, vector<2048x128xf32>
    %get3A_2 = arith.constant 0 : index
    %get3A_3 = arith.constant 0 : index
    %get3A_4 = vector.load %arg2[%get3A_2, %get3A_3] : memref<128x256xf32, #tpu.memory_space<vmem>>, vector<128x256xf32>
    %dot_general3A = arith.constant dense<0.000000e+00> : vector<2048x256xf32>
    %dot_general3A_5 = tpu.matmul %get3A_1, %get3A_4, %dot_general3A {dimension_numbers = #tpu.dot_dimension_numbers<[1], [0], [0], [1], [0, 0, 1, 1], [], []>, transpose_lhs_hint = false} : vector<2048x128xf32>, vector<128x256xf32>, vector<2048x256xf32> -> vector<2048x256xf32>
    %get3A_6 = arith.constant 0 : index
    %get3A_7 = vector.load %arg3[%get3A_6] : memref<256xf32, #tpu.memory_space<vmem>>, vector<256xf32>
    %broadcast_in_dim3A = vector.shape_cast %get3A_7 : vector<256xf32> to vector<1x256xf32>
    %add3A = vector.broadcast %broadcast_in_dim3A : vector<1x256xf32> to vector<2048x256xf32>
    %add3A_8 = arith.addf %dot_general3A_5, %add3A : vector<2048x256xf32>
    %swap3A = arith.constant 0 : index
    %swap3A_9 = arith.constant 0 : index
    %swap3A_10 = vector.load %arg4[%swap3A, %swap3A_9] : memref<2048x256xf32, #tpu.memory_space<vmem>>, vector<2048x256xf32>
    tpu.vector_store %arg4[%swap3A, %swap3A_9], %add3A_8 {strides = array<i32>} : memref<2048x256xf32, #tpu.memory_space<vmem>>, vector<2048x256xf32>,
    return
  }
  func.func @transform_0(%arg0: i32) -> (i32, i32) {
    %c0_i32 = arith.constant 0 : i32
    %c0_i32_0 = arith.constant 0 : i32
    return %arg0, %c0_i32 : i32, i32
  }
  func.func @transform_1(%arg0: i32) -> (i32, i32) {
    %c0_i32 = arith.constant 0 : i32
    %c0_i32_0 = arith.constant 0 : i32
    %c0_i32_1 = arith.constant 0 : i32
    return %c0_i32, %c0_i32_0 : i32, i32
  }
  func.func @transform_2(%arg0: i32) -> i32 {
    %c0_i32 = arith.constant 0 : i32
    %c0_i32_0 = arith.constant 0 : i32
    return %c0_i32 : i32
  }
  func.func @transform_3(%arg0: i32) -> (i32, i32) {
    %c0_i32 = arith.constant 0 : i32
    %c0_i32_0 = arith.constant 0 : i32
    return %arg0, %c0_i32 : i32, i32
  }
}

module attributes {stable_mosaic.version = 14 : i64} {
  func.func @body(%arg0: i32, %arg1: memref<2x10240x128xf32, #tpu.memory_space<vmem>>, %arg2: memref<2x16x10240xf32, #tpu.memory_space<vmem>>, %arg3: memref<10240x256xf32, #tpu.memory_space<vmem>>, %arg4: memref<128x256xf32, #tpu.memory_space<vmem>>, %arg5: memref<2x10240x128xf32, #tpu.memory_space<vmem>>, %arg6: memref<10240xf32, #tpu.memory_space<vmem>>) attributes {dimension_semantics = [#tpu.dimension_semantics<arbitrary>], iteration_bounds = array<i64: 1>, scalar_prefetch = 0 : i64, scratch_operands = 0 : i64, tpu.core_type = #tpu.core_type<tc>, window_params = [{pipeline_mode = #tpu.pipeline_mode<synchronous>, transform_indices = @transform_0, window_bounds = array<i64: 2, 10240, 128>}, {pipeline_mode = #tpu.pipeline_mode<synchronous>, transform_indices = @transform_1, window_bounds = array<i64: 2, 16, 10240>}, {pipeline_mode = #tpu.pipeline_mode<synchronous>, transform_indices = @transform_2, window_bounds = array<i64: 10240, 256>}, {pipeline_mode = #tpu.pipeline_mode<synchronous>, transform_indices = @transform_3, window_bounds = array<i64: 128, 256>}, {pipeline_mode = #tpu.pipeline_mode<synchronous>, transform_indices = @transform_4, window_bounds = array<i64: 2, 10240, 128>}, {pipeline_mode = #tpu.pipeline_mode<synchronous>, transform_indices = @transform_5, window_bounds = array<i64: 10240>}]} {
    %get3A = arith.constant 0 : index
    %get3A_0 = arith.constant 0 : index
    %get3A_1 = arith.constant 0 : index
    %get3A_2 = vector.load %arg2[%get3A, %get3A_0, %get3A_1] : memref<2x16x10240xf32, #tpu.memory_space<vmem>>, vector<2x16x10240xf32>
    %reduce_sum3A = arith.constant dense<0.000000e+00> : vector<10240xf32>
    %reduce_sum3A_3 = vector.multi_reduction <add>, %get3A_2, %reduce_sum3A [0, 1] : vector<2x16x10240xf32> to vector<10240xf32>
    %max3A = arith.constant 1.000000e+00 : f32
    %max3A_4 = vector.broadcast %max3A : f32 to vector<10240xf32>
    %max3A_5 = arith.maximumf %reduce_sum3A_3, %max3A_4 : vector<10240xf32>
    %div3A = arith.constant 1.000000e+00 : f32
    %div3A_6 = vector.broadcast %div3A : f32 to vector<10240xf32>
    %div3A_7 = arith.divf %div3A_6, %max3A_5 : vector<10240xf32>
    %get3A_8 = arith.constant 0 : index
    %get3A_9 = arith.constant 0 : index
    %get3A_10 = arith.constant 0 : index
    %get3A_11 = vector.load %arg1[%get3A_8, %get3A_9, %get3A_10] : memref<2x10240x128xf32, #tpu.memory_space<vmem>>, vector<1x10240x128xf32>
    %get3A_12 = vector.shape_cast %get3A_11 : vector<1x10240x128xf32> to vector<10240x128xf32>
    %get3A_13 = arith.constant 1 : index
    %get3A_14 = arith.constant 0 : index
    %get3A_15 = arith.constant 0 : index
    %get3A_16 = vector.load %arg1[%get3A_13, %get3A_14, %get3A_15] : memref<2x10240x128xf32, #tpu.memory_space<vmem>>, vector<1x10240x128xf32>
    %get3A_17 = vector.shape_cast %get3A_16 : vector<1x10240x128xf32> to vector<10240x128xf32>
    %add3A = arith.addf %get3A_12, %get3A_17 : vector<10240x128xf32>
    %broadcast_in_dim3A = vector.shape_cast %div3A_7 : vector<10240xf32> to vector<10240x1xf32>
    %mul3A = vector.broadcast %broadcast_in_dim3A : vector<10240x1xf32> to vector<10240x128xf32>
    %mul3A_18 = arith.mulf %add3A, %mul3A : vector<10240x128xf32>
    %get3A_19 = arith.constant 0 : index
    %get3A_20 = arith.constant 0 : index
    %get3A_21 = vector.load %arg4[%get3A_19, %get3A_20] : memref<128x256xf32, #tpu.memory_space<vmem>>, vector<128x256xf32>
    %dot_general3A = arith.constant dense<0.000000e+00> : vector<10240x256xf32>
    %dot_general3A_22 = tpu.matmul %mul3A_18, %get3A_21, %dot_general3A {dimension_numbers = #tpu.dot_dimension_numbers<[1], [0], [0], [1], [0, 0, 1, 1], [], []>, transpose_lhs_hint = false} : vector<10240x128xf32>, vector<128x256xf32>, vector<10240x256xf32> -> vector<10240x256xf32>
    %get3A_23 = arith.constant 0 : index
    %get3A_24 = arith.constant 0 : index
    %get3A_25 = vector.load %arg3[%get3A_23, %get3A_24] : memref<10240x256xf32, #tpu.memory_space<vmem>>, vector<10240x256xf32>
    %add3A_26 = arith.addf %dot_general3A_22, %get3A_25 : vector<10240x256xf32>
    %max3A_27 = arith.constant 0.000000e+00 : f32
    %max3A_28 = vector.broadcast %max3A_27 : f32 to vector<10240x256xf32>
    %max3A_29 = arith.maximumf %add3A_26, %max3A_28 : vector<10240x256xf32>
    %slice3A = vector.extract_strided_slice %max3A_29 {offsets = [0, 0], sizes = [10240, 128], strides = [1, 1]} : vector<10240x256xf32> to vector<10240x128xf32>
    %swap3A = arith.constant 0 : index
    %swap3A_30 = arith.constant 0 : index
    %swap3A_31 = arith.constant 0 : index
    %swap3A_32 = vector.load %arg5[%swap3A, %swap3A_30, %swap3A_31] : memref<2x10240x128xf32, #tpu.memory_space<vmem>>, vector<1x10240x128xf32>
    %swap3A_33 = vector.shape_cast %swap3A_32 : vector<1x10240x128xf32> to vector<10240x128xf32>
    %swap3A_34 = vector.shape_cast %slice3A : vector<10240x128xf32> to vector<1x10240x128xf32>
    tpu.vector_store %arg5[%swap3A, %swap3A_30, %swap3A_31], %swap3A_34 {strides = array<i32>} : memref<2x10240x128xf32, #tpu.memory_space<vmem>>, vector<1x10240x128xf32>,
    %slice3A_35 = vector.extract_strided_slice %max3A_29 {offsets = [0, 128], sizes = [10240, 128], strides = [1, 1]} : vector<10240x256xf32> to vector<10240x128xf32>
    %swap3A_36 = arith.constant 1 : index
    %swap3A_37 = arith.constant 0 : index
    %swap3A_38 = arith.constant 0 : index
    %swap3A_39 = vector.load %arg5[%swap3A_36, %swap3A_37, %swap3A_38] : memref<2x10240x128xf32, #tpu.memory_space<vmem>>, vector<1x10240x128xf32>
    %swap3A_40 = vector.shape_cast %swap3A_39 : vector<1x10240x128xf32> to vector<10240x128xf32>
    %swap3A_41 = vector.shape_cast %slice3A_35 : vector<10240x128xf32> to vector<1x10240x128xf32>
    tpu.vector_store %arg5[%swap3A_36, %swap3A_37, %swap3A_38], %swap3A_41 {strides = array<i32>} : memref<2x10240x128xf32, #tpu.memory_space<vmem>>, vector<1x10240x128xf32>,
    %swap3A_42 = arith.constant 0 : index
    %swap3A_43 = vector.load %arg6[%swap3A_42] : memref<10240xf32, #tpu.memory_space<vmem>>, vector<10240xf32>
    tpu.vector_store %arg6[%swap3A_42], %div3A_7 {strides = array<i32>} : memref<10240xf32, #tpu.memory_space<vmem>>, vector<10240xf32>,
    return
  }
  func.func @transform_0(%arg0: i32) -> (i32, i32, i32) {
    %c0_i32 = arith.constant 0 : i32
    %c0_i32_0 = arith.constant 0 : i32
    %c0_i32_1 = arith.constant 0 : i32
    %c0_i32_2 = arith.constant 0 : i32
    return %c0_i32, %c0_i32_0, %c0_i32_1 : i32, i32, i32
  }
  func.func @transform_1(%arg0: i32) -> (i32, i32, i32) {
    %c0_i32 = arith.constant 0 : i32
    %c0_i32_0 = arith.constant 0 : i32
    %c0_i32_1 = arith.constant 0 : i32
    %c0_i32_2 = arith.constant 0 : i32
    return %c0_i32, %c0_i32_0, %c0_i32_1 : i32, i32, i32
  }
  func.func @transform_2(%arg0: i32) -> (i32, i32) {
    %c0_i32 = arith.constant 0 : i32
    %c0_i32_0 = arith.constant 0 : i32
    %c0_i32_1 = arith.constant 0 : i32
    return %c0_i32, %c0_i32_0 : i32, i32
  }
  func.func @transform_3(%arg0: i32) -> (i32, i32) {
    %c0_i32 = arith.constant 0 : i32
    %c0_i32_0 = arith.constant 0 : i32
    %c0_i32_1 = arith.constant 0 : i32
    return %c0_i32, %c0_i32_0 : i32, i32
  }
  func.func @transform_4(%arg0: i32) -> (i32, i32, i32) {
    %c0_i32 = arith.constant 0 : i32
    %c0_i32_0 = arith.constant 0 : i32
    %c0_i32_1 = arith.constant 0 : i32
    %c0_i32_2 = arith.constant 0 : i32
    return %c0_i32, %c0_i32_0, %c0_i32_1 : i32, i32, i32
  }
  func.func @transform_5(%arg0: i32) -> i32 {
    %c0_i32 = arith.constant 0 : i32
    %c0_i32_0 = arith.constant 0 : i32
    return %c0_i32 : i32
  }
}

module attributes {stable_mosaic.version = 14 : i64} {
  func.func @body(%arg0: i32, %arg1: memref<2x2048x128xf32, #tpu.memory_space<vmem>>, %arg2: memref<256x256xf32, #tpu.memory_space<vmem>>, %arg3: memref<256xf32, #tpu.memory_space<vmem>>, %arg4: memref<2048x256xf32, #tpu.memory_space<vmem>>) attributes {dimension_semantics = [#tpu.dimension_semantics<arbitrary>], iteration_bounds = array<i64: 5>, scalar_prefetch = 0 : i64, scratch_operands = 0 : i64, tpu.core_type = #tpu.core_type<tc>, window_params = [{transform_indices = @transform_0, window_bounds = array<i64: 2, 2048, 128>}, {pipeline_mode = #tpu.pipeline_mode<synchronous>, transform_indices = @transform_1, window_bounds = array<i64: 256, 256>}, {pipeline_mode = #tpu.pipeline_mode<synchronous>, transform_indices = @transform_2, window_bounds = array<i64: 256>}, {transform_indices = @transform_3, window_bounds = array<i64: 2048, 256>}]} {
    %get3A = arith.constant 0 : index
    %get3A_0 = arith.constant 0 : index
    %get3A_1 = arith.constant 0 : index
    %get3A_2 = vector.load %arg1[%get3A, %get3A_0, %get3A_1] : memref<2x2048x128xf32, #tpu.memory_space<vmem>>, vector<1x2048x128xf32>
    %get3A_3 = vector.shape_cast %get3A_2 : vector<1x2048x128xf32> to vector<2048x128xf32>
    %get3A_4 = arith.constant 1 : index
    %get3A_5 = arith.constant 0 : index
    %get3A_6 = arith.constant 0 : index
    %get3A_7 = vector.load %arg1[%get3A_4, %get3A_5, %get3A_6] : memref<2x2048x128xf32, #tpu.memory_space<vmem>>, vector<1x2048x128xf32>
    %get3A_8 = vector.shape_cast %get3A_7 : vector<1x2048x128xf32> to vector<2048x128xf32>
    %concatenate3A = tpu.concatenate %get3A_3, %get3A_8 in 1 : vector<2048x128xf32>, vector<2048x128xf32> -> vector<2048x256xf32>
    %get3A_9 = arith.constant 0 : index
    %get3A_10 = arith.constant 0 : index
    %get3A_11 = vector.load %arg2[%get3A_9, %get3A_10] : memref<256x256xf32, #tpu.memory_space<vmem>>, vector<256x256xf32>
    %dot_general3A = arith.constant dense<0.000000e+00> : vector<2048x256xf32>
    %dot_general3A_12 = tpu.matmul %concatenate3A, %get3A_11, %dot_general3A {dimension_numbers = #tpu.dot_dimension_numbers<[1], [0], [0], [1], [0, 0, 1, 1], [], []>, transpose_lhs_hint = false} : vector<2048x256xf32>, vector<256x256xf32>, vector<2048x256xf32> -> vector<2048x256xf32>
    %get3A_13 = arith.constant 0 : index
    %get3A_14 = vector.load %arg3[%get3A_13] : memref<256xf32, #tpu.memory_space<vmem>>, vector<256xf32>
    %broadcast_in_dim3A = vector.shape_cast %get3A_14 : vector<256xf32> to vector<1x256xf32>
    %add3A = vector.broadcast %broadcast_in_dim3A : vector<1x256xf32> to vector<2048x256xf32>
    %add3A_15 = arith.addf %dot_general3A_12, %add3A : vector<2048x256xf32>
    %swap3A = arith.constant 0 : index
    %swap3A_16 = arith.constant 0 : index
    %swap3A_17 = vector.load %arg4[%swap3A, %swap3A_16] : memref<2048x256xf32, #tpu.memory_space<vmem>>, vector<2048x256xf32>
    tpu.vector_store %arg4[%swap3A, %swap3A_16], %add3A_15 {strides = array<i32>} : memref<2048x256xf32, #tpu.memory_space<vmem>>, vector<2048x256xf32>,
    return
  }
  func.func @transform_0(%arg0: i32) -> (i32, i32, i32) {
    %c0_i32 = arith.constant 0 : i32
    %c0_i32_0 = arith.constant 0 : i32
    %c0_i32_1 = arith.constant 0 : i32
    return %c0_i32, %arg0, %c0_i32_0 : i32, i32, i32
  }
  func.func @transform_1(%arg0: i32) -> (i32, i32) {
    %c0_i32 = arith.constant 0 : i32
    %c0_i32_0 = arith.constant 0 : i32
    %c0_i32_1 = arith.constant 0 : i32
    return %c0_i32, %c0_i32_0 : i32, i32
  }
  func.func @transform_2(%arg0: i32) -> i32 {
    %c0_i32 = arith.constant 0 : i32
    %c0_i32_0 = arith.constant 0 : i32
    return %c0_i32 : i32
  }
  func.func @transform_3(%arg0: i32) -> (i32, i32) {
    %c0_i32 = arith.constant 0 : i32
    %c0_i32_0 = arith.constant 0 : i32
    return %arg0, %c0_i32 : i32, i32
  }
}

module attributes {stable_mosaic.version = 14 : i64} {
  func.func @body(%arg0: i32, %arg1: memref<2x10240x128xf32, #tpu.memory_space<vmem>>, %arg2: memref<10240xf32, #tpu.memory_space<vmem>>, %arg3: memref<10240x256xf32, #tpu.memory_space<vmem>>, %arg4: memref<256x256xf32, #tpu.memory_space<vmem>>, %arg5: memref<256x128xf32, #tpu.memory_space<vmem>>, %arg6: memref<128xf32, #tpu.memory_space<vmem>>, %arg7: memref<10240x128xf32, #tpu.memory_space<vmem>>) attributes {dimension_semantics = [#tpu.dimension_semantics<arbitrary>], iteration_bounds = array<i64: 1>, scalar_prefetch = 0 : i64, scratch_operands = 0 : i64, tpu.core_type = #tpu.core_type<tc>, window_params = [{pipeline_mode = #tpu.pipeline_mode<synchronous>, transform_indices = @transform_0, window_bounds = array<i64: 2, 10240, 128>}, {pipeline_mode = #tpu.pipeline_mode<synchronous>, transform_indices = @transform_1, window_bounds = array<i64: 10240>}, {pipeline_mode = #tpu.pipeline_mode<synchronous>, transform_indices = @transform_2, window_bounds = array<i64: 10240, 256>}, {pipeline_mode = #tpu.pipeline_mode<synchronous>, transform_indices = @transform_3, window_bounds = array<i64: 256, 256>}, {pipeline_mode = #tpu.pipeline_mode<synchronous>, transform_indices = @transform_4, window_bounds = array<i64: 256, 128>}, {pipeline_mode = #tpu.pipeline_mode<synchronous>, transform_indices = @transform_5, window_bounds = array<i64: 128>}, {pipeline_mode = #tpu.pipeline_mode<synchronous>, transform_indices = @transform_6, window_bounds = array<i64: 10240, 128>}]} {
    %get3A = arith.constant 0 : index
    %get3A_0 = arith.constant 0 : index
    %get3A_1 = arith.constant 0 : index
    %get3A_2 = vector.load %arg1[%get3A, %get3A_0, %get3A_1] : memref<2x10240x128xf32, #tpu.memory_space<vmem>>, vector<1x10240x128xf32>
    %get3A_3 = vector.shape_cast %get3A_2 : vector<1x10240x128xf32> to vector<10240x128xf32>
    %get3A_4 = arith.constant 1 : index
    %get3A_5 = arith.constant 0 : index
    %get3A_6 = arith.constant 0 : index
    %get3A_7 = vector.load %arg1[%get3A_4, %get3A_5, %get3A_6] : memref<2x10240x128xf32, #tpu.memory_space<vmem>>, vector<1x10240x128xf32>
    %get3A_8 = vector.shape_cast %get3A_7 : vector<1x10240x128xf32> to vector<10240x128xf32>
    %concatenate3A = tpu.concatenate %get3A_3, %get3A_8 in 1 : vector<10240x128xf32>, vector<10240x128xf32> -> vector<10240x256xf32>
    %get3A_9 = arith.constant 0 : index
    %get3A_10 = vector.load %arg2[%get3A_9] : memref<10240xf32, #tpu.memory_space<vmem>>, vector<10240xf32>
    %broadcast_in_dim3A = vector.shape_cast %get3A_10 : vector<10240xf32> to vector<10240x1xf32>
    %mul3A = vector.broadcast %broadcast_in_dim3A : vector<10240x1xf32> to vector<10240x256xf32>
    %mul3A_11 = arith.mulf %concatenate3A, %mul3A : vector<10240x256xf32>
    %get3A_12 = arith.constant 0 : index
    %get3A_13 = arith.constant 0 : index
    %get3A_14 = vector.load %arg4[%get3A_12, %get3A_13] : memref<256x256xf32, #tpu.memory_space<vmem>>, vector<256x256xf32>
    %dot_general3A = arith.constant dense<0.000000e+00> : vector<10240x256xf32>
    %dot_general3A_15 = tpu.matmul %mul3A_11, %get3A_14, %dot_general3A {dimension_numbers = #tpu.dot_dimension_numbers<[1], [0], [0], [1], [0, 0, 1, 1], [], []>, transpose_lhs_hint = false} : vector<10240x256xf32>, vector<256x256xf32>, vector<10240x256xf32> -> vector<10240x256xf32>
    %get3A_16 = arith.constant 0 : index
    %get3A_17 = arith.constant 0 : index
    %get3A_18 = vector.load %arg3[%get3A_16, %get3A_17] : memref<10240x256xf32, #tpu.memory_space<vmem>>, vector<10240x256xf32>
    %add3A = arith.addf %dot_general3A_15, %get3A_18 : vector<10240x256xf32>
    %max3A = arith.constant 0.000000e+00 : f32
    %max3A_19 = vector.broadcast %max3A : f32 to vector<10240x256xf32>
    %max3A_20 = arith.maximumf %add3A, %max3A_19 : vector<10240x256xf32>
    %get3A_21 = arith.constant 0 : index
    %get3A_22 = arith.constant 0 : index
    %get3A_23 = vector.load %arg5[%get3A_21, %get3A_22] : memref<256x128xf32, #tpu.memory_space<vmem>>, vector<256x128xf32>
    %dot_general3A_24 = arith.constant dense<0.000000e+00> : vector<10240x128xf32>
    %dot_general3A_25 = tpu.matmul %max3A_20, %get3A_23, %dot_general3A_24 {dimension_numbers = #tpu.dot_dimension_numbers<[1], [0], [0], [1], [0, 0, 1, 1], [], []>, transpose_lhs_hint = false} : vector<10240x256xf32>, vector<256x128xf32>, vector<10240x128xf32> -> vector<10240x128xf32>
    %get3A_26 = arith.constant 0 : index
    %get3A_27 = vector.load %arg6[%get3A_26] : memref<128xf32, #tpu.memory_space<vmem>>, vector<128xf32>
    %broadcast_in_dim3A_28 = vector.shape_cast %get3A_27 : vector<128xf32> to vector<1x128xf32>
    %add3A_29 = vector.broadcast %broadcast_in_dim3A_28 : vector<1x128xf32> to vector<10240x128xf32>
    %add3A_30 = arith.addf %dot_general3A_25, %add3A_29 : vector<10240x128xf32>
    %swap3A = arith.constant 0 : index
    %swap3A_31 = arith.constant 0 : index
    %swap3A_32 = vector.load %arg7[%swap3A, %swap3A_31] : memref<10240x128xf32, #tpu.memory_space<vmem>>, vector<10240x128xf32>
    tpu.vector_store %arg7[%swap3A, %swap3A_31], %add3A_30 {strides = array<i32>} : memref<10240x128xf32, #tpu.memory_space<vmem>>, vector<10240x128xf32>,
    return
  }
  func.func @transform_0(%arg0: i32) -> (i32, i32, i32) {
    %c0_i32 = arith.constant 0 : i32
    %c0_i32_0 = arith.constant 0 : i32
    %c0_i32_1 = arith.constant 0 : i32
    %c0_i32_2 = arith.constant 0 : i32
    return %c0_i32, %c0_i32_0, %c0_i32_1 : i32, i32, i32
  }
  func.func @transform_1(%arg0: i32) -> i32 {
    %c0_i32 = arith.constant 0 : i32
    %c0_i32_0 = arith.constant 0 : i32
    return %c0_i32 : i32
  }
  func.func @transform_2(%arg0: i32) -> (i32, i32) {
    %c0_i32 = arith.constant 0 : i32
    %c0_i32_0 = arith.constant 0 : i32
    %c0_i32_1 = arith.constant 0 : i32
    return %c0_i32, %c0_i32_0 : i32, i32
  }
  func.func @transform_3(%arg0: i32) -> (i32, i32) {
    %c0_i32 = arith.constant 0 : i32
    %c0_i32_0 = arith.constant 0 : i32
    %c0_i32_1 = arith.constant 0 : i32
    return %c0_i32, %c0_i32_0 : i32, i32
  }
  func.func @transform_4(%arg0: i32) -> (i32, i32) {
    %c0_i32 = arith.constant 0 : i32
    %c0_i32_0 = arith.constant 0 : i32
    %c0_i32_1 = arith.constant 0 : i32
    return %c0_i32, %c0_i32_0 : i32, i32
  }
  func.func @transform_5(%arg0: i32) -> i32 {
    %c0_i32 = arith.constant 0 : i32
    %c0_i32_0 = arith.constant 0 : i32
    return %c0_i32 : i32
  }
  func.func @transform_6(%arg0: i32) -> (i32, i32) {
    %c0_i32 = arith.constant 0 : i32
    %c0_i32_0 = arith.constant 0 : i32
    %c0_i32_1 = arith.constant 0 : i32
    return %c0_i32, %c0_i32_0 : i32, i32
  }
}

</mosaic_0001>

<sc_bundles>
// kernel: kernel.11.cloned.1.call-start
scs
__scs_entry_jumppad:
0x0: {  	(pc) =	sbr.rel $0x88, $3  }
0x1: {  	(tag) =	ssettag $0x0;
	lr =	simm.s32 $0x1  }
0x2: {  	[smem:$0x3F97] =	sst lr;
	_ =	strace $0xD0000000  }
0x3: {  	_ = 	snop  }
0x4: {  	_ = 	snop  }
0x5: {  	_ = 	snop  }
0x6: {  	_ = 	snop  }
0x7: {  	_ = 	snop  }
__scs_overlays_trampoline_lowered:
0x8: {  	[smem:$0x3FA6] =	sst s0  }
0x9: {  	[smem:$0x3FA7] =	sst s1  }
0xa: {  	[smem:$0x3FA8] =	sst s2  }
0xb: {  	[smem:$0x3FA9] =	sst s3  }
0xc: {  	[smem:$0x3FAA] =	sst s4  }
0xd: {  	[smem:$0x3FAB] =	sst s5  }
0xe: {  	[smem:$0x3FAC] =	sst s6  }
0xf: {  	[smem:$0x3FAD] =	sst s7  }
0x10: {  	[smem:$0x3FAE] =	sst s8  }
0x11: {  	[smem:$0x3FAF] =	sst s9;
	s0 =	simm.s32 @!p0 $0x0  }
0x12: {  	s1 =	sld [smem:$0x3F95];
	s0 =	simm.s32 @p0 $0x1  }
0x13: {  	[smem:$0x3FB0] =	sst s0;
	s0 =	simm.s32 @!p1 $0x0  }
0x14: {  	s2 =	sld [smem:$0x3F94];
	s0 =	simm.s32 @p1 $0x1  }
0x15: {  	[smem:$0x3FB1] =	sst s0;
	s0 =	simm.s32 @!p2 $0x0  }
0x16: {  	s3 =	sld [smem:$0x3FDB];
	s0 =	simm.s32 @p2 $0x1  }
0x17: {  	s4 =	simm.s32 $0x1BF5;
	[smem:$0x3FB3] =	sst s0  }
0x18: {  	s0 =	sld [smem:$0x3F96];
	_ =	swait.ge [sflag:s4], $0x0  }
0x19: {  	s7 =	sld [smem:$0x3F97]  }
0x1a: {  	s8 =	sadd.s32 $0xFFFFE003, lr  }
0x1b: {  	s9 =	sadd.s32 $0xFFFFFEF7, lr;
	s5 =	simm.s32 $0xFFFFFFFF;
	p2 =	slt.u32 s8, $0xFFFFF086  }
0x1c: {  	p1 =	slt.u32 s9, $0xF7A;
	s5 =	simm.s32 @!p2 $0x0  }
0x1d: {  	s5 =	simm.s32 @p1 $0x1;
	p0 =	seq.s32 s7, s2  }
0x1e: {  	s7 =	smul.u32 @!p0 $0xF7A, s2;
	p2 =	seq.s32 @!p0 s5, $0x0  }
0x1f: {  	s9 =	smul.u32 $0xF7A, s1;
	s8 =	simm.s32 @!p0 $0x1BF5;
	p2 =	por !p2, p0  }
0x20: {  	[sflag:s8] =	ssyncset.s32 @!p0 $0xFFFFF086;
	s6 =	sadd.s32 @!p0 s3, s7;
	s7 =	simm.s32 @!p0 $0x108  }
0x21: {  	s3 =	sadd.s32 s3, s9;
	s6 =	sadd.s32 @!p0 $0x88, s6;
	s7 =	simm.s32 @p2 $0x1082  }
0x22: {  	[simem:s7], [sflag:s8] =	dma.local @!p0 [hbm:s6], $0xF7A  }
0x23: {  	s9 =	sor.u32 $0xD0000000, s2;
	s6 =	simm.s32 $0x108;
	_ =	swait.ge @!p0 [sflag:s8], $0x0  }
0x24: {  	s3 =	sadd.s32 $0x88, s3;
	s6 =	simm.s32 @!p1 $0x1082;
	[sflag:s4] =	ssyncset.s32 $0xFFFFF086  }
0x25: {  	[simem:s6], [sflag:s4] =	dma.local [hbm:s3], $0xF7A  }
0x26: {  	[smem:$0x3F97] =	sst s1;
	(tag) =	ssettag s2;
	_ =	strace s9  }
0x27: {  	s1 =	sld [smem:$0x3FA7]  }
0x28: {  	s2 =	sld [smem:$0x3FA8]  }
0x29: {  	s4 =	sld [smem:$0x3FAA]  }
0x2a: {  	p0 =	seq.s32 s5, $0x0;
	s5 =	sld [smem:$0x3FAB]  }
0x2b: {  	s6 =	sld [smem:$0x3FAC]  }
0x2c: {  	s7 =	sld [smem:$0x3FAD]  }
0x2d: {  	s3 =	simm.s32 $0x108;
	s8 =	sld [smem:$0x3FAE]  }
0x2e: {  	s3 =	simm.s32 @!p0 $0x1082;
	s9 =	sld [smem:$0x3FAF]  }
0x2f: {  	lr =	sadd.s32 s0, s3;
	s0 =	sld [smem:$0x3FA6]  }
0x30: {  	s3 =	sld [smem:$0x3FA9]  }
0x31: {  	[smem:$0x3FB2] =	sst s10  }
0x32: {  	s10 =	sld [smem:$0x3FB0];
	_ =	sdelay $0x3  }
0x33: {  	p0 =	seq.s32 s10, $0x1;
	s10 =	sld [smem:$0x3FB2];
	_ =	sdelay $0x3  }
0x34: {  	[smem:$0x3FB2] =	sst s10  }
0x35: {  	s10 =	sld [smem:$0x3FB1];
	_ =	sdelay $0x3  }
0x36: {  	p1 =	seq.s32 s10, $0x1;
	s10 =	sld [smem:$0x3FB2];
	_ =	sdelay $0x3  }
0x37: {  	[smem:$0x3FB2] =	sst s10  }
0x38: {  	s10 =	sld [smem:$0x3FB3]  }
0x39: {  	_ = 	snop;
	(pc) =	sbr.ind lr, $3  }
0x3a: {  	_ = 	snop  }
0x3b: {  	_ = 	snop  }
0x3c: {  	p2 =	seq.s32 s10, $0x1;
	s10 =	sld [smem:$0x3FB2]  }
0x3d: {  	_ =	shalt  }
0x3e: {  	_ =	shalt  }
0x3f: {  	_ =	shalt  }
0x40: {  	_ =	shalt  }
0x41: {  	_ =	shalt  }
0x42: {  	_ =	shalt  }
0x43: {  	_ =	shalt  }
0x44: {  	_ =	shalt  }
0x45: {  	_ =	shalt  }
0x46: {  	_ =	shalt  }
0x47: {  	_ =	shalt  }
0x48: {  	_ =	shalt  }
0x49: {  	_ =	shalt  }
0x4a: {  	_ =	shalt  }
0x4b: {  	_ =	shalt  }
0x4c: {  	_ =	shalt  }
0x4d: {  	_ =	shalt  }
0x4e: {  	_ =	shalt  }
0x4f: {  	_ =	shalt  }
0x50: {  	_ =	shalt  }
0x51: {  	_ =	shalt  }
0x52: {  	_ =	shalt  }
0x53: {  	_ =	shalt  }
0x54: {  	_ =	shalt  }
0x55: {  	_ =	shalt  }
0x56: {  	_ =	shalt  }
0x57: {  	_ =	shalt  }
0x58: {  	_ =	shalt  }
0x59: {  	_ =	shalt  }
0x5a: {  	_ =	shalt  }
0x5b: {  	_ =	shalt  }
0x5c: {  	_ =	shalt  }
0x5d: {  	_ =	shalt  }
0x5e: {  	_ =	shalt  }
0x5f: {  	_ =	shalt  }
0x60: {  	_ =	shalt  }
0x61: {  	_ =	shalt  }
0x62: {  	_ =	shalt  }
0x63: {  	_ =	shalt  }
0x64: {  	_ =	shalt  }
0x65: {  	_ =	shalt  }
0x66: {  	_ =	shalt  }
0x67: {  	_ =	shalt  }
0x68: {  	_ =	shalt  }
0x69: {  	_ =	shalt  }
0x6a: {  	_ =	shalt  }
0x6b: {  	_ =	shalt  }
0x6c: {  	_ =	shalt  }
0x6d: {  	_ =	shalt  }
0x6e: {  	_ =	shalt  }
0x6f: {  	_ =	shalt  }
0x70: {  	_ =	shalt  }
0x71: {  	_ =	shalt  }
0x72: {  	_ =	shalt  }
0x73: {  	_ =	shalt  }
0x74: {  	_ =	shalt  }
0x75: {  	_ =	shalt  }
0x76: {  	_ =	shalt  }
0x77: {  	_ =	shalt  }
0x78: {  	_ =	shalt  }
0x79: {  	_ =	shalt  }
0x7a: {  	_ =	shalt  }
0x7b: {  	_ =	shalt  }
0x7c: {  	_ =	shalt  }
0x7d: {  	_ =	shalt  }
0x7e: {  	_ =	shalt  }
0x7f: {  	_ =	shalt  }
0x80: {  	_ =	shalt  }
0x81: {  	_ =	shalt  }
0x82: {  	_ =	shalt  }
0x83: {  	_ =	shalt  }
0x84: {  	_ =	shalt  }
0x85: {  	_ =	shalt  }
0x86: {  	_ =	shalt  }
0x87: {  	_ =	shalt  }
.Lfunc_end0:
.L_simem_size_0:
called_computation.1_lowered:
.L_overlay_start_0:
0x88: {  	s2 =	sld [smem:$0x3FD9]  }
0x89: {  	s3 =	sld [smem:$0x3FFE];
	_ =	sdelay $0x1  }
0x8a: {  	s1 =	srdreg.scid  }
0x8b: {  	s0 =	sand.u32 $0x1, s1  }
0x8c: {  	s16 =	sshll.u32 s0, $0xA;
	s2 =	sadd.s32 s3, s2  }
0x8d: {  	s2 =	sadd.s32 s2, s16  }
0x8e: {  	[smem:$0x3FBE] =	sst s2  }
0x8f: {  	_ = 	snop  }
0x90: {  	(tm) =	ssettm $0x1  }
0x91: {  	s17 =	sld [smem:$0x3FFB];
	_ =	sdelay $0x3  }
0x92: {  	_ =	strace s17  }
0x93: {  	s2 =	sld [smem:$0x3FFC];
	_ =	sdelay $0x3  }
0x94: {  	_ =	strace s2  }
0x95: {  	s2 =	sld [smem:$0x3FFD];
	_ =	sdelay $0x3  }
0x96: {  	_ =	strace s2  }
0x97: {  	_ =	strace $0x8FFFFFFF  }
0x98: {  	s18 =	sld [smem:$0x3FDB];
	_ =	sdelay $0x1  }
0x99: {  	s19 =	simm.s32 $_scs_section_size  }
0x9a: {  	s4 =	simm.s32 $_size__tile_overlayer_lowered;
	s5 =	simm.s32 $_tile_overlayer_lowered  }
0x9b: {  	s22 =	simm.s32 $0x1BFF;
	s21 =	sshll.u32 s5, $0x1;
	s2 =	sadd.s32 s19, s18  }
0x9c: {  	s6 =	simm.s32 $0x0;
	s20 =	sshll.u32 s4, $0x1;
	s4 =	sadd.s32 s21, s2  }
0x9d: {  	[timem:s6], [sflag:s22] =	dma.local [hbm:s4], s20  }
0x9e: {  	_ =	swait.ge [sflag:s22], s20  }
0x9f: {  	s3 =	ssub.s32 $0x0, s20;
	[sflag:s22] =	ssyncset.done $0x0  }
0xa0: {  	[sflag:s22] =	ssyncadd.s32 s3;
	_ =	sdelay $0x1  }
0xa1: {  	s23 =	simm.s32 $0x1B8B  }
0xa2: {  	_ =	swait.ge [sflag:s23], $0x1  }
0xa3: {  	[sflag:s23] =	ssyncset.done $0x0  }
0xa4: {  	s25 =	simm.s32 $0x1B8E;
	s24 =	sld [smem:$0x3FFE];
	[sflag:s23] =	ssyncadd.s32 $0xFFFFFFFF  }
0xa5: {  	s26 =	simm.s32 $execute0_lowered;
	[smem:$0x3FD2] =	sst s25  }
0xa6: {  	s4 =	sshll.u32 s26, $0x1;
	_ =	strace $0x80000049;
	[dreg:$0x1] =	wrdreg $0xFFFFFFFF  }
0xa7: {  	s28 =	simm.s32 $_size_execute0_lowered;
	s2 =	sadd.s32 s2, s4;
	[dreg:$0x0] =	wrdreg $0x0  }
0xa8: {  	s4 =	sshll.u32 s28, $0x1;
	[dreg:$0x2] =	wrdreg s2  }
0xa9: {  	[dreg:$0x3] =	wrdreg s4  }
0xaa: {  	[dreg:$0x4] =	wrdreg $0xC0  }
0xab: {  	_ =	task [dreg:s6], $0x5FFFF  }
0xac: {  	[dreg:$0x1] =	wrdreg $0xFFFFFFFF  }
0xad: {  	[dreg:$0x0] =	wrdreg $0x60  }
0xae: {  	[dreg:$0x2] =	wrdreg s24  }
0xaf: {  	[dreg:$0x3] =	wrdreg $0x90000  }
0xb0: {  	[dreg:$0x4] =	wrdreg $0x9  }
0xb1: {  	_ =	task.clear_ibuf [dreg:s6], $0x5FFFF;
	_ =	strace $0x90000049  }
0xb2: {  	s29 =	simm.s32 $0x9;
	_ =	strace $0x8000004B  }
0xb3: {  	_ =	swait.ge [sflag:s29], $0x1  }
0xb4: {  	[sflag:s29] =	ssyncadd.s32 $0xFFFFFFFF  }
0xb5: {  	_ =	strace $0x9000004B  }
0xb6: {  	_ =	sfence  }
0xb7: {  	s30 =	sld [smem:$0x0];
	_ =	sdelay $0x2  }
0xb8: {  	s31 =	sshll.u32 s1, $0xD;
	s1 =	sshrl.u32 s1, $0x2  }
0xb9: {  	s3 =	sand.u32 $0x4000, s31;
	s1 =	sadd.s32 s1, s30  }
0xba: {  	s0 =	sor.u32 s3, s0;
	s1 =	sshll.u32 s1, $0x11  }
0xbb: {  	s0 =	sor.u32 s1, s0  }
0xbc: {  	s0 =	sadd.s32 $0x8F2B, s0  }
0xbd: {  	[sflag:s0] =	ssyncadd.remote.s32 $0x1  }
0xbe: {  	_ =	sfence.sel $0xFFFF  }
0xbf: {  	[dreg:$0x0] =	wrdreg $0xFFFFFFFF;
	(pc) =	sbr.abs _section_cstart, $3  }
0xc0: {  	[dreg:$0x1] =	wrdreg $0xFFFFFFFF  }
0xc1: {  	_ =	task.clear_ibuf [dreg:s6], $0x2FFFF;
	_ =	strace $0x9FFFFFFF  }
0xc2: {  	(tm) =	ssettm $0x7FFFFFFF  }
0xc3: {  	_ =	shalt  }
tec
execute0_lowered:
.L_overlay_start_1:
0x0: {  	(tag) =	ssettag $0x1  }
0x1: {  	s7 =	rddreg [dreg:$0x0]  }
0x2: {  	s0 =	srdreg.scid;
	s2 =	rddreg [dreg:$0x1];
	s3 =	simm.s32 $0x0  }
0x3: {  	s1 =	stileid.u32;
	s15 =	simm.s32 $0x80;
	s16 =	simm.s32 $0x1000  }
0x4: {  	s19 =	simm.s32 $0x1;
	s20 =	simm.s32 $0x2;
	s21 =	simm.s32 $0x3  }
0x5: {  	s5 =	sand.u32 $0x1, s0;
	s0 =	rddreg [dreg:$0x2];
	s8 =	smul.u32 $0x14000, s1  }
0x6: {  	s22 =	simm.s32 $0x0;
	[smem:$0x7FF] =	sst s3;
	s28 =	smul.u32 $0x50000, s1  }
0x7: {  	s10 =	sadd.s32 $0x7B800, s7;
	s13 =	smul.u32 $0xA00, s1;
	s31 =	sshll.u32 s1, $0x6  }
0x8: {  	s17 =	sadd.s32 $0x85880, s7;
	s6 =	smul.u32 $0x140000, s5;
	s5 =	ssub.s32 $0x2, s5  }
0x9: {  	_ =	strace $0x8000004A;
	s29 =	sshrl.u32 s5, $0x1;
	s30 =	sshrl.u32 s28, $0x2  }
0xa: {  	s18 =	sor.u32 $0x80, s13;
	s4 =	sshrl.u32 s6, $0x3;
	s6 =	sadd.s32 s8, s6  }
0xb: {  	s12 =	ssub.s32 s5, s29;
	s14 =	sadd.s32 s30, s2;
	s5 =	sor.u32 $0x1C04, s31  }
0xc: {  	s9 =	sadd.s32 s4, s7;
	s4 =	sadd.s32 $0x1E600, s7;
	s6 =	sshrl.u32 s6, $0x3  }
0xd: {  	s11 =	sadd.s32 s6, s7;
	s6 =	sadd.s32 s10, s13;
	s7 =	sadd.s32 $0x20E00, s9  }
0xe: {  	s9 =	smax.u32 s12, $0x1;
	s10 =	sadd.s32 s10, s18;
	s12 =	simm.s32 $0x4  }
0xf: {  	s13 =	sadd.s32 s13, s17;
	s17 =	sadd.s32 s17, s18;
	s18 =	simm.s32 $0x5000  }
0x10: {  	s8 =	sadd.s32 $0x8FA00, s11;
	s11 =	sshrl.u32 s14, $0x3;
	s14 =	simm.s32 $0x800  }
.LBB2_1:
0x11: {  	[spmem:s11], [sflag:s5] =	dma.local [hbm:s4], $0x2800  }
0x12: {  	_ =	swait.ge [sflag:s12], $0x2800  }
0x13: {  	[sflag:s12] =	ssyncset.done $0x0  }
0x14: {  	[sflag:s12] =	ssyncadd.s32 $0xFFFFD800  }
0x15: {  	[bflag:$0x0] =	sbarrier.arrive $0xFFFF  }
0x16: {  	[tilespmem:s3], [sflag:$0x4] =	stream.linear.gather [hbm4b:s6+s3], $0x400, $0x38;
	[tilespmem:$0x1D000] =	vst v63  }
0x17: {  	_ =	swait.ge [sflag:s12], $0x400  }
0x18: {  	[sflag:s12] =	ssyncset.done $0x0  }
0x19: {  	[sflag:s12] =	ssyncadd.s32 $0xFFFFFC00  }
0x1a: {  	[tilespmem:s14], [sflag:$0x4] =	stream.linear.gather [hbm4b:s13+s3], $0x400, $0x38;
	[tilespmem:$0x1D000] =	vst v63  }
0x1b: {  	_ =	swait.ge [sflag:s12], $0x400  }
0x1c: {  	[sflag:s12] =	ssyncset.done $0x0  }
0x1d: {  	s23 =	sand.u32 $0x400, s3;
	[sflag:s12] =	ssyncadd.s32 $0xFFFFFC00  }
0x1e: {  	[tilespmem:s16], [sflag:$0x1] =	stream.indirect.gather [hbm4b:s7+s15], $0x80, s3, s15, $0xb8;
	[tilespmem:$0x1D000] =	vst v63  }
0x1f: {  	s24 =	sxor.u32 $0x400, s23  }
0x20: {  	[tilespmem:s24], [sflag:$0x3] =	stream.linear.gather [hbm4b:s10+s3], $0x400, $0x38;
	[tilespmem:$0x1D000] =	vst v63  }
0x21: {  	s25 =	sor.u32 $0x800, s24  }
0x22: {  	[tilespmem:s25], [sflag:$0x3] =	stream.linear.gather [hbm4b:s17+s3], $0x400, $0x38;
	[tilespmem:$0x1D000] =	vst v63  }
0x23: {  	s28 =	sor.u32 $0x80, s23  }
0x24: {  	[tilespmem:s18], [sflag:$0x2] =	stream.indirect.gather [hbm4b:s7+s15], $0x80, s28, s15, $0xb8;
	[tilespmem:$0x1D000] =	vst v63  }
0x25: {  	_ =	swait.ge [sflag:s19], $0x4000  }
0x26: {  	[sflag:s19] =	ssyncset.done $0x0  }
0x27: {  	s29 =	sor.u32 $0x800, s23;
	[sflag:s19] =	ssyncadd.s32 $0xFFFFC000  }
0x28: {  	[spmem:s2] =	stream.indirect.scatter.add.f32 [tilespmem:s16], [sflag:$0x4], $0x80, s29, s15, $0xb8;
	[tilespmem:$0x1D000] =	vst v63  }
0x29: {  	_ =	swait.ge [sflag:s12], $0x4000  }
0x2a: {  	[sflag:s12] =	ssyncset.done $0x0  }
0x2b: {  	s31 =	sor.u32 $0x100, s23;
	[sflag:s12] =	ssyncadd.s32 $0xFFFFC000  }
0x2c: {  	[tilespmem:s16], [sflag:$0x1] =	stream.indirect.gather [hbm4b:s7+s15], $0x80, s31, s15, $0xb8;
	[tilespmem:$0x1D000] =	vst v63  }
0x2d: {  	_ =	swait.ge [sflag:s20], $0x4000  }
0x2e: {  	[sflag:s20] =	ssyncset.done $0x0  }
0x2f: {  	s26 =	sor.u32 $0x880, s23;
	[sflag:s20] =	ssyncadd.s32 $0xFFFFC000  }
0x30: {  	[spmem:s2] =	stream.indirect.scatter.add.f32 [tilespmem:s18], [sflag:$0x4], $0x80, s26, s15, $0xb8;
	[tilespmem:$0x1D000] =	vst v63  }
0x31: {  	_ =	swait.ge [sflag:s12], $0x4000  }
0x32: {  	[sflag:s12] =	ssyncset.done $0x0  }
0x33: {  	s28 =	sor.u32 $0x180, s23;
	[sflag:s12] =	ssyncadd.s32 $0xFFFFC000  }
0x34: {  	[tilespmem:s18], [sflag:$0x2] =	stream.indirect.gather [hbm4b:s7+s15], $0x80, s28, s15, $0xb8;
	[tilespmem:$0x1D000] =	vst v63  }
0x35: {  	_ =	swait.ge [sflag:s19], $0x4000  }
0x36: {  	[sflag:s19] =	ssyncset.done $0x0  }
0x37: {  	s29 =	sor.u32 $0x900, s23;
	[sflag:s19] =	ssyncadd.s32 $0xFFFFC000  }
0x38: {  	[spmem:s2] =	stream.indirect.scatter.add.f32 [tilespmem:s16], [sflag:$0x4], $0x80, s29, s15, $0xb8;
	[tilespmem:$0x1D000] =	vst v63  }
0x39: {  	_ =	swait.ge [sflag:s12], $0x4000  }
0x3a: {  	[sflag:s12] =	ssyncset.done $0x0  }
0x3b: {  	s31 =	sor.u32 $0x200, s23;
	[sflag:s12] =	ssyncadd.s32 $0xFFFFC000  }
0x3c: {  	[tilespmem:s16], [sflag:$0x1] =	stream.indirect.gather [hbm4b:s7+s15], $0x80, s31, s15, $0xb8;
	[tilespmem:$0x1D000] =	vst v63  }
0x3d: {  	_ =	swait.ge [sflag:s20], $0x4000  }
0x3e: {  	[sflag:s20] =	ssyncset.done $0x0  }
0x3f: {  	s26 =	sor.u32 $0x980, s23;
	[sflag:s20] =	ssyncadd.s32 $0xFFFFC000  }
0x40: {  	[spmem:s2] =	stream.indirect.scatter.add.f32 [tilespmem:s18], [sflag:$0x4], $0x80, s26, s15, $0xb8;
	[tilespmem:$0x1D000] =	vst v63  }
0x41: {  	_ =	swait.ge [sflag:s12], $0x4000  }
0x42: {  	[sflag:s12] =	ssyncset.done $0x0  }
0x43: {  	s28 =	sor.u32 $0x280, s23;
	[sflag:s12] =	ssyncadd.s32 $0xFFFFC000  }
0x44: {  	[tilespmem:s18], [sflag:$0x2] =	stream.indirect.gather [hbm4b:s7+s15], $0x80, s28, s15, $0xb8;
	[tilespmem:$0x1D000] =	vst v63  }
0x45: {  	_ =	swait.ge [sflag:s19], $0x4000  }
0x46: {  	[sflag:s19] =	ssyncset.done $0x0  }
0x47: {  	s29 =	sor.u32 $0xA00, s23;
	[sflag:s19] =	ssyncadd.s32 $0xFFFFC000  }
0x48: {  	[spmem:s2] =	stream.indirect.scatter.add.f32 [tilespmem:s16], [sflag:$0x4], $0x80, s29, s15, $0xb8;
	[tilespmem:$0x1D000] =	vst v63  }
0x49: {  	_ =	swait.ge [sflag:s12], $0x4000  }
0x4a: {  	[sflag:s12] =	ssyncset.done $0x0  }
0x4b: {  	s31 =	sor.u32 $0x300, s23;
	[sflag:s12] =	ssyncadd.s32 $0xFFFFC000  }
0x4c: {  	[tilespmem:s16], [sflag:$0x1] =	stream.indirect.gather [hbm4b:s7+s15], $0x80, s31, s15, $0xb8;
	[tilespmem:$0x1D000] =	vst v63  }
0x4d: {  	_ =	swait.ge [sflag:s20], $0x4000  }
0x4e: {  	[sflag:s20] =	ssyncset.done $0x0  }
0x4f: {  	s26 =	sor.u32 $0xA80, s23;
	[sflag:s20] =	ssyncadd.s32 $0xFFFFC000  }
0x50: {  	[spmem:s2] =	stream.indirect.scatter.add.f32 [tilespmem:s18], [sflag:$0x4], $0x80, s26, s15, $0xb8;
	[tilespmem:$0x1D000] =	vst v63  }
0x51: {  	_ =	swait.ge [sflag:s12], $0x4000  }
0x52: {  	[sflag:s12] =	ssyncset.done $0x0  }
0x53: {  	s28 =	sor.u32 $0x380, s23;
	[sflag:s12] =	ssyncadd.s32 $0xFFFFC000  }
0x54: {  	[tilespmem:s18], [sflag:$0x2] =	stream.indirect.gather [hbm4b:s7+s15], $0x80, s28, s15, $0xb8;
	[tilespmem:$0x1D000] =	vst v63  }
0x55: {  	_ =	swait.ge [sflag:s19], $0x4000  }
0x56: {  	[sflag:s19] =	ssyncset.done $0x0  }
0x57: {  	s29 =	sor.u32 $0xB00, s23;
	[sflag:s19] =	ssyncadd.s32 $0xFFFFC000  }
0x58: {  	[spmem:s2] =	stream.indirect.scatter.add.f32 [tilespmem:s16], [sflag:$0x4], $0x80, s29, s15, $0xb8;
	[tilespmem:$0x1D000] =	vst v63  }
0x59: {  	_ =	swait.ge [sflag:s12], $0x4000  }
0x5a: {  	[sflag:s12] =	ssyncset.done $0x0  }
0x5b: {  	[sflag:s12] =	ssyncadd.s32 $0xFFFFC000  }
0x5c: {  	_ =	swait.ge [sflag:s21], $0x400  }
0x5d: {  	[sflag:s21] =	ssyncset.done $0x0  }
0x5e: {  	[sflag:s21] =	ssyncadd.s32 $0xFFFFFC00  }
0x5f: {  	_ =	swait.ge [sflag:s21], $0x400  }
0x60: {  	[sflag:s21] =	ssyncset.done $0x0  }
0x61: {  	[sflag:s21] =	ssyncadd.s32 $0xFFFFFC00  }
0x62: {  	[tilespmem:s16], [sflag:$0x1] =	stream.indirect.gather [hbm4b:s7+s15], $0x80, s24, s15, $0xb8;
	[tilespmem:$0x1D000] =	vst v63  }
0x63: {  	_ =	swait.ge [sflag:s20], $0x4000  }
0x64: {  	[sflag:s20] =	ssyncset.done $0x0  }
0x65: {  	s30 =	simm.s32 $0x800;
	s23 =	sor.u32 $0xB80, s23;
	[sflag:s20] =	ssyncadd.s32 $0xFFFFC000  }
0x66: {  	[spmem:s2] =	stream.indirect.scatter.add.f32 [tilespmem:s18], [sflag:$0x4], $0x80, s23, s15, $0xb8;
	[tilespmem:$0x1D000] =	vst v63  }
0x67: {  	s25 =	sadd.s32 $0x80, s17;
	s31 =	simm.s32 $0x400;
	_ =	swait.ge [sflag:s12], $0x4000  }
0x68: {  	s24 =	sadd.s32 $0x80, s10;
	s23 =	sand.u32 $0x400, s31;
	[sflag:s12] =	ssyncset.done $0x0  }
.LBB2_2:
0x69: {  	s29 =	sxor.u32 $0x400, s23  }
0x6a: {  	[sflag:s12] =	ssyncadd.s32 $0xFFFFC000;
	s28 =	smov.u32 s30;
	s26 =	sadd.s32 $0x400, s30  }
0x6b: {  	[tilespmem:s29], [sflag:$0x3] =	stream.linear.gather [hbm4b:s24+s3], $0x400, $0x38;
	[tilespmem:$0x1D000] =	vst v63  }
0x6c: {  	p0 =	sne.s32 s30, $0x4C00;
	s30 =	sor.u32 $0x800, s29  }
0x6d: {  	[tilespmem:s30], [sflag:$0x3] =	stream.linear.gather [hbm4b:s25+s3], $0x400, $0x38;
	[tilespmem:$0x1D000] =	vst v63  }
0x6e: {  	s30 =	sor.u32 $0x80, s23  }
0x6f: {  	[tilespmem:s18], [sflag:$0x2] =	stream.indirect.gather [hbm4b:s7+s15], $0x80, s30, s15, $0xb8;
	[tilespmem:$0x1D000] =	vst v63  }
0x70: {  	_ =	swait.ge [sflag:s19], $0x4000  }
0x71: {  	[sflag:s19] =	ssyncset.done $0x0  }
0x72: {  	s30 =	sor.u32 $0x800, s23;
	[sflag:s19] =	ssyncadd.s32 $0xFFFFC000  }
0x73: {  	[spmem:s2] =	stream.indirect.scatter.add.f32 [tilespmem:s16], [sflag:$0x4], $0x80, s30, s15, $0xb8;
	[tilespmem:$0x1D000] =	vst v63  }
0x74: {  	_ =	swait.ge [sflag:s12], $0x4000  }
0x75: {  	[sflag:s12] =	ssyncset.done $0x0  }
0x76: {  	s30 =	sor.u32 $0x100, s23;
	[sflag:s12] =	ssyncadd.s32 $0xFFFFC000  }
0x77: {  	[tilespmem:s16], [sflag:$0x1] =	stream.indirect.gather [hbm4b:s7+s15], $0x80, s30, s15, $0xb8;
	[tilespmem:$0x1D000] =	vst v63  }
0x78: {  	_ =	swait.ge [sflag:s20], $0x4000  }
0x79: {  	[sflag:s20] =	ssyncset.done $0x0  }
0x7a: {  	s30 =	sor.u32 $0x880, s23;
	[sflag:s20] =	ssyncadd.s32 $0xFFFFC000  }
0x7b: {  	[spmem:s2] =	stream.indirect.scatter.add.f32 [tilespmem:s18], [sflag:$0x4], $0x80, s30, s15, $0xb8;
	[tilespmem:$0x1D000] =	vst v63  }
0x7c: {  	_ =	swait.ge [sflag:s12], $0x4000  }
0x7d: {  	[sflag:s12] =	ssyncset.done $0x0  }
0x7e: {  	s30 =	sor.u32 $0x180, s23;
	[sflag:s12] =	ssyncadd.s32 $0xFFFFC000  }
0x7f: {  	[tilespmem:s18], [sflag:$0x2] =	stream.indirect.gather [hbm4b:s7+s15], $0x80, s30, s15, $0xb8;
	[tilespmem:$0x1D000] =	vst v63  }
0x80: {  	_ =	swait.ge [sflag:s19], $0x4000  }
0x81: {  	[sflag:s19] =	ssyncset.done $0x0  }
0x82: {  	s30 =	sor.u32 $0x900, s23;
	[sflag:s19] =	ssyncadd.s32 $0xFFFFC000  }
0x83: {  	[spmem:s2] =	stream.indirect.scatter.add.f32 [tilespmem:s16], [sflag:$0x4], $0x80, s30, s15, $0xb8;
	[tilespmem:$0x1D000] =	vst v63  }
0x84: {  	_ =	swait.ge [sflag:s12], $0x4000  }
0x85: {  	[sflag:s12] =	ssyncset.done $0x0  }
0x86: {  	s30 =	sor.u32 $0x200, s23;
	[sflag:s12] =	ssyncadd.s32 $0xFFFFC000  }
0x87: {  	[tilespmem:s16], [sflag:$0x1] =	stream.indirect.gather [hbm4b:s7+s15], $0x80, s30, s15, $0xb8;
	[tilespmem:$0x1D000] =	vst v63  }
0x88: {  	_ =	swait.ge [sflag:s20], $0x4000  }
0x89: {  	[sflag:s20] =	ssyncset.done $0x0  }
0x8a: {  	s30 =	sor.u32 $0x980, s23;
	[sflag:s20] =	ssyncadd.s32 $0xFFFFC000  }
0x8b: {  	[spmem:s2] =	stream.indirect.scatter.add.f32 [tilespmem:s18], [sflag:$0x4], $0x80, s30, s15, $0xb8;
	[tilespmem:$0x1D000] =	vst v63  }
0x8c: {  	_ =	swait.ge [sflag:s12], $0x4000  }
0x8d: {  	[sflag:s12] =	ssyncset.done $0x0  }
0x8e: {  	s30 =	sor.u32 $0x280, s23;
	[sflag:s12] =	ssyncadd.s32 $0xFFFFC000  }
0x8f: {  	[tilespmem:s18], [sflag:$0x2] =	stream.indirect.gather [hbm4b:s7+s15], $0x80, s30, s15, $0xb8;
	[tilespmem:$0x1D000] =	vst v63  }
0x90: {  	_ =	swait.ge [sflag:s19], $0x4000  }
0x91: {  	[sflag:s19] =	ssyncset.done $0x0  }
0x92: {  	s30 =	sor.u32 $0xA00, s23;
	[sflag:s19] =	ssyncadd.s32 $0xFFFFC000  }
0x93: {  	[spmem:s2] =	stream.indirect.scatter.add.f32 [tilespmem:s16], [sflag:$0x4], $0x80, s30, s15, $0xb8;
	[tilespmem:$0x1D000] =	vst v63  }
0x94: {  	_ =	swait.ge [sflag:s12], $0x4000  }
0x95: {  	[sflag:s12] =	ssyncset.done $0x0  }
0x96: {  	s30 =	sor.u32 $0x300, s23;
	[sflag:s12] =	ssyncadd.s32 $0xFFFFC000  }
0x97: {  	[tilespmem:s16], [sflag:$0x1] =	stream.indirect.gather [hbm4b:s7+s15], $0x80, s30, s15, $0xb8;
	[tilespmem:$0x1D000] =	vst v63  }
0x98: {  	_ =	swait.ge [sflag:s20], $0x4000  }
0x99: {  	[sflag:s20] =	ssyncset.done $0x0  }
0x9a: {  	s30 =	sor.u32 $0xA80, s23;
	[sflag:s20] =	ssyncadd.s32 $0xFFFFC000  }
0x9b: {  	[spmem:s2] =	stream.indirect.scatter.add.f32 [tilespmem:s18], [sflag:$0x4], $0x80, s30, s15, $0xb8;
	[tilespmem:$0x1D000] =	vst v63  }
0x9c: {  	_ =	swait.ge [sflag:s12], $0x4000  }
0x9d: {  	[sflag:s12] =	ssyncset.done $0x0  }
0x9e: {  	s30 =	sor.u32 $0x380, s23;
	[sflag:s12] =	ssyncadd.s32 $0xFFFFC000  }
0x9f: {  	[tilespmem:s18], [sflag:$0x2] =	stream.indirect.gather [hbm4b:s7+s15], $0x80, s30, s15, $0xb8;
	[tilespmem:$0x1D000] =	vst v63  }
0xa0: {  	_ =	swait.ge [sflag:s19], $0x4000  }
0xa1: {  	[sflag:s19] =	ssyncset.done $0x0  }
0xa2: {  	s30 =	sor.u32 $0xB00, s23;
	[sflag:s19] =	ssyncadd.s32 $0xFFFFC000  }
0xa3: {  	[spmem:s2] =	stream.indirect.scatter.add.f32 [tilespmem:s16], [sflag:$0x4], $0x80, s30, s15, $0xb8;
	[tilespmem:$0x1D000] =	vst v63  }
0xa4: {  	_ =	swait.ge [sflag:s12], $0x4000  }
0xa5: {  	[sflag:s12] =	ssyncset.done $0x0  }
0xa6: {  	[sflag:s12] =	ssyncadd.s32 $0xFFFFC000  }
0xa7: {  	_ =	swait.ge [sflag:s21], $0x400  }
0xa8: {  	[sflag:s21] =	ssyncset.done $0x0  }
0xa9: {  	[sflag:s21] =	ssyncadd.s32 $0xFFFFFC00  }
0xaa: {  	_ =	swait.ge [sflag:s21], $0x400  }
0xab: {  	[sflag:s21] =	ssyncset.done $0x0  }
0xac: {  	[sflag:s21] =	ssyncadd.s32 $0xFFFFFC00  }
0xad: {  	[tilespmem:s16], [sflag:$0x1] =	stream.indirect.gather [hbm4b:s7+s15], $0x80, s29, s15, $0xb8;
	[tilespmem:$0x1D000] =	vst v63  }
0xae: {  	_ =	swait.ge [sflag:s20], $0x4000  }
.Ltmp0:
0xaf: {  	[sflag:s20] =	ssyncset.done $0x0;
	(pc) =	sbr.rel @p0 .LBB2_2-.Ltmp0, $4  }
0xb0: {  	s23 =	sor.u32 $0xB80, s23;
	[sflag:s20] =	ssyncadd.s32 $0xFFFFC000  }
0xb1: {  	[spmem:s2] =	stream.indirect.scatter.add.f32 [tilespmem:s18], [sflag:$0x4], $0x80, s23, s15, $0xb8;
	[tilespmem:$0x1D000] =	vst v63  }
0xb2: {  	s24 =	sadd.s32 $0x80, s24;
	s25 =	sadd.s32 $0x80, s25;
	_ =	swait.ge [sflag:s12], $0x4000  }
0xb3: {  	s30 =	smov.u32 s26;
	s23 =	sand.u32 $0x400, s28;
	[sflag:s12] =	ssyncset.done $0x0  }
0xb4: {  	s26 =	sxor.u32 $0x400, s23;
	[sflag:s12] =	ssyncadd.s32 $0xFFFFC000  }
0xb5: {  	[tilespmem:s26], [sflag:$0x3] =	stream.linear.gather [hbm4b:s24+s3], $0x400, $0x38;
	[tilespmem:$0x1D000] =	vst v63  }
0xb6: {  	s31 =	sor.u32 $0x800, s26  }
0xb7: {  	[tilespmem:s31], [sflag:$0x3] =	stream.linear.gather [hbm4b:s25+s3], $0x400, $0x38;
	[tilespmem:$0x1D000] =	vst v63  }
0xb8: {  	s25 =	sor.u32 $0x80, s23  }
0xb9: {  	[tilespmem:s18], [sflag:$0x2] =	stream.indirect.gather [hbm4b:s7+s15], $0x80, s25, s15, $0xb8;
	[tilespmem:$0x1D000] =	vst v63  }
0xba: {  	_ =	swait.ge [sflag:s19], $0x4000  }
0xbb: {  	[sflag:s19] =	ssyncset.done $0x0  }
0xbc: {  	s28 =	sor.u32 $0x800, s23;
	[sflag:s19] =	ssyncadd.s32 $0xFFFFC000  }
0xbd: {  	[spmem:s2] =	stream.indirect.scatter.add.f32 [tilespmem:s16], [sflag:$0x4], $0x80, s28, s15, $0xb8;
	[tilespmem:$0x1D000] =	vst v63  }
0xbe: {  	_ =	swait.ge [sflag:s12], $0x4000  }
0xbf: {  	[sflag:s12] =	ssyncset.done $0x0  }
0xc0: {  	s29 =	sor.u32 $0x100, s23;
	[sflag:s12] =	ssyncadd.s32 $0xFFFFC000  }
0xc1: {  	[tilespmem:s16], [sflag:$0x1] =	stream.indirect.gather [hbm4b:s7+s15], $0x80, s29, s15, $0xb8;
	[tilespmem:$0x1D000] =	vst v63  }
0xc2: {  	_ =	swait.ge [sflag:s20], $0x4000  }
0xc3: {  	[sflag:s20] =	ssyncset.done $0x0  }
0xc4: {  	s30 =	sor.u32 $0x880, s23;
	[sflag:s20] =	ssyncadd.s32 $0xFFFFC000  }
0xc5: {  	[spmem:s2] =	stream.indirect.scatter.add.f32 [tilespmem:s18], [sflag:$0x4], $0x80, s30, s15, $0xb8;
	[tilespmem:$0x1D000] =	vst v63  }
0xc6: {  	_ =	swait.ge [sflag:s12], $0x4000  }
0xc7: {  	[sflag:s12] =	ssyncset.done $0x0  }
0xc8: {  	s31 =	sor.u32 $0x180, s23;
	[sflag:s12] =	ssyncadd.s32 $0xFFFFC000  }
0xc9: {  	[tilespmem:s18], [sflag:$0x2] =	stream.indirect.gather [hbm4b:s7+s15], $0x80, s31, s15, $0xb8;
	[tilespmem:$0x1D000] =	vst v63  }
0xca: {  	_ =	swait.ge [sflag:s19], $0x4000  }
0xcb: {  	[sflag:s19] =	ssyncset.done $0x0  }
0xcc: {  	s25 =	sor.u32 $0x900, s23;
	[sflag:s19] =	ssyncadd.s32 $0xFFFFC000  }
0xcd: {  	[spmem:s2] =	stream.indirect.scatter.add.f32 [tilespmem:s16], [sflag:$0x4], $0x80, s25, s15, $0xb8;
	[tilespmem:$0x1D000] =	vst v63  }
0xce: {  	_ =	swait.ge [sflag:s12], $0x4000  }
0xcf: {  	[sflag:s12] =	ssyncset.done $0x0  }
0xd0: {  	s28 =	sor.u32 $0x200, s23;
	[sflag:s12] =	ssyncadd.s32 $0xFFFFC000  }
0xd1: {  	[tilespmem:s16], [sflag:$0x1] =	stream.indirect.gather [hbm4b:s7+s15], $0x80, s28, s15, $0xb8;
	[tilespmem:$0x1D000] =	vst v63  }
0xd2: {  	_ =	swait.ge [sflag:s20], $0x4000  }
0xd3: {  	[sflag:s20] =	ssyncset.done $0x0  }
0xd4: {  	s29 =	sor.u32 $0x980, s23;
	[sflag:s20] =	ssyncadd.s32 $0xFFFFC000  }
0xd5: {  	[spmem:s2] =	stream.indirect.scatter.add.f32 [tilespmem:s18], [sflag:$0x4], $0x80, s29, s15, $0xb8;
	[tilespmem:$0x1D000] =	vst v63  }
0xd6: {  	_ =	swait.ge [sflag:s12], $0x4000  }
0xd7: {  	[sflag:s12] =	ssyncset.done $0x0  }
0xd8: {  	s30 =	sor.u32 $0x280, s23;
	[sflag:s12] =	ssyncadd.s32 $0xFFFFC000  }
0xd9: {  	[tilespmem:s18], [sflag:$0x2] =	stream.indirect.gather [hbm4b:s7+s15], $0x80, s30, s15, $0xb8;
	[tilespmem:$0x1D000] =	vst v63  }
0xda: {  	_ =	swait.ge [sflag:s19], $0x4000  }
0xdb: {  	[sflag:s19] =	ssyncset.done $0x0  }
0xdc: {  	s31 =	sor.u32 $0xA00, s23;
	[sflag:s19] =	ssyncadd.s32 $0xFFFFC000  }
0xdd: {  	[spmem:s2] =	stream.indirect.scatter.add.f32 [tilespmem:s16], [sflag:$0x4], $0x80, s31, s15, $0xb8;
	[tilespmem:$0x1D000] =	vst v63  }
0xde: {  	_ =	swait.ge [sflag:s12], $0x4000  }
0xdf: {  	[sflag:s12] =	ssyncset.done $0x0  }
0xe0: {  	s25 =	sor.u32 $0x300, s23;
	[sflag:s12] =	ssyncadd.s32 $0xFFFFC000  }
0xe1: {  	[tilespmem:s16], [sflag:$0x1] =	stream.indirect.gather [hbm4b:s7+s15], $0x80, s25, s15, $0xb8;
	[tilespmem:$0x1D000] =	vst v63  }
0xe2: {  	_ =	swait.ge [sflag:s20], $0x4000  }
0xe3: {  	[sflag:s20] =	ssyncset.done $0x0  }
0xe4: {  	s28 =	sor.u32 $0xA80, s23;
	[sflag:s20] =	ssyncadd.s32 $0xFFFFC000  }
0xe5: {  	[spmem:s2] =	stream.indirect.scatter.add.f32 [tilespmem:s18], [sflag:$0x4], $0x80, s28, s15, $0xb8;
	[tilespmem:$0x1D000] =	vst v63  }
0xe6: {  	_ =	swait.ge [sflag:s12], $0x4000  }
0xe7: {  	[sflag:s12] =	ssyncset.done $0x0  }
0xe8: {  	s29 =	sor.u32 $0x380, s23;
	[sflag:s12] =	ssyncadd.s32 $0xFFFFC000  }
0xe9: {  	[tilespmem:s18], [sflag:$0x2] =	stream.indirect.gather [hbm4b:s7+s15], $0x80, s29, s15, $0xb8;
	[tilespmem:$0x1D000] =	vst v63  }
0xea: {  	_ =	swait.ge [sflag:s19], $0x4000  }
0xeb: {  	[sflag:s19] =	ssyncset.done $0x0  }
0xec: {  	s30 =	sor.u32 $0xB00, s23;
	[sflag:s19] =	ssyncadd.s32 $0xFFFFC000  }
0xed: {  	[spmem:s2] =	stream.indirect.scatter.add.f32 [tilespmem:s16], [sflag:$0x4], $0x80, s30, s15, $0xb8;
	[tilespmem:$0x1D000] =	vst v63  }
0xee: {  	_ =	swait.ge [sflag:s12], $0x4000  }
0xef: {  	[sflag:s12] =	ssyncset.done $0x0  }
0xf0: {  	[sflag:s12] =	ssyncadd.s32 $0xFFFFC000  }
0xf1: {  	_ =	swait.ge [sflag:s21], $0x400  }
0xf2: {  	[sflag:s21] =	ssyncset.done $0x0  }
0xf3: {  	[sflag:s21] =	ssyncadd.s32 $0xFFFFFC00  }
0xf4: {  	_ =	swait.ge [sflag:s21], $0x400  }
0xf5: {  	[sflag:s21] =	ssyncset.done $0x0  }
0xf6: {  	[sflag:s21] =	ssyncadd.s32 $0xFFFFFC00  }
0xf7: {  	[tilespmem:s16], [sflag:$0x1] =	stream.indirect.gather [hbm4b:s7+s15], $0x80, s26, s15, $0xb8;
	[tilespmem:$0x1D000] =	vst v63  }
0xf8: {  	_ =	swait.ge [sflag:s20], $0x4000  }
0xf9: {  	[sflag:s20] =	ssyncset.done $0x0  }
0xfa: {  	s31 =	sor.u32 $0xB80, s23;
	[sflag:s20] =	ssyncadd.s32 $0xFFFFC000  }
0xfb: {  	[spmem:s2] =	stream.indirect.scatter.add.f32 [tilespmem:s18], [sflag:$0x4], $0x80, s31, s15, $0xb8;
	[tilespmem:$0x1D000] =	vst v63  }
0xfc: {  	_ =	swait.ge [sflag:s12], $0x4000  }
0xfd: {  	[sflag:s12] =	ssyncset.done $0x0  }
0xfe: {  	[sflag:s12] =	ssyncadd.s32 $0xFFFFC000  }
0xff: {  	_ =	swait.ge [sflag:s19], $0x4000  }
0x100: {  	s22 =	sadd.s32 $0x1, s22;
	[sflag:s19] =	ssyncset.done $0x0  }
0x101: {  	p0 =	sne.s32 s22, s9;
	[sflag:s19] =	ssyncadd.s32 $0xFFFFC000  }
.Ltmp1:
0x102: {  	[bflag:$0x0] =	sbarrier.arrive $0xFFFF;
	(pc) =	sbr.rel @p0 .LBB2_1-.Ltmp1, $4  }
0x103: {  	[hbm:s8], [sflag:s5] =	dma.local [spmem:s11], $0x2800  }
0x104: {  	_ =	swait.ge [sflag:s12], $0x2800  }
0x105: {  	[sflag:s12] =	ssyncset.done $0x0  }
0x106: {  	[sflag:s12] =	ssyncadd.s32 $0xFFFFD800  }
0x107: {  	_ =	sfence.sel $0x180000  }
0x108: {  	[bflag:$0x0] =	sbarrier.arrive $0xFFFF  }
0x109: {  	p0 =	sne.s32 s1, $0x0;
	_ =	strace $0x9000004A  }
0x10a: {  	s0 =	sadd.s32 @!p0 $0x100000, s0;
	[bflag:$0x2] =	sbarrier.arrive $0xFFFF  }
0x10b: {  	[sflag:s0] =	ssyncadd.tile.s32 @!p0 $0x1;
	_ =	shalt  }
.Lfunc_end2:
_tile_overlayer_lowered:
.L_overlay_start_2:
0x10c: {  	(tag) =	ssettag $0x2  }
0x10d: {  	s0 =	rddreg [dreg:$0x0];
	s2 =	stileid.u32  }
0x10e: {  	s1 =	rddreg [dreg:$0x1];
	p0 =	sne.s32 s2, $0x0  }
0x10f: {  	s3 =	rddreg [dreg:$0x2];
	[bflag:$0x3] =	sbarrier.arrive $0xFFFF;
	s2 =	simm.s32 @!p0 $0x1C04  }
0x110: {  	[timem:s3], [sflag:s2] =	dma.local @!p0 [hbm:s0], s1  }
0x111: {  	s0 =	simm.s32 @!p0 $0x4  }
0x112: {  	_ =	swait.ge @!p0 [sflag:s0], s1  }
0x113: {  	s1 =	ssub.s32 @!p0 $0x0, s1;
	[sflag:s0] =	ssyncset.done @!p0 $0x0  }
0x114: {  	[sflag:s0] =	ssyncadd.s32 @!p0 s1  }
0x115: {  	[bflag:$0x3] =	sbarrier.arrive $0xFFFF  }
0x116: {  	_ =	shalt  }

// kernel: kernel.8.cloned.1.call-start
scs
__scs_entry_jumppad:
0x0: {  	(pc) =	sbr.rel $0x88, $3  }
0x1: {  	(tag) =	ssettag $0x0;
	lr =	simm.s32 $0x1  }
0x2: {  	[smem:$0x3F97] =	sst lr;
	_ =	strace $0xD0000000  }
0x3: {  	_ = 	snop  }
0x4: {  	_ = 	snop  }
0x5: {  	_ = 	snop  }
0x6: {  	_ = 	snop  }
0x7: {  	_ = 	snop  }
__scs_overlays_trampoline_lowered:
0x8: {  	[smem:$0x3FA6] =	sst s0  }
0x9: {  	[smem:$0x3FA7] =	sst s1  }
0xa: {  	[smem:$0x3FA8] =	sst s2  }
0xb: {  	[smem:$0x3FA9] =	sst s3  }
0xc: {  	[smem:$0x3FAA] =	sst s4  }
0xd: {  	[smem:$0x3FAB] =	sst s5  }
0xe: {  	[smem:$0x3FAC] =	sst s6  }
0xf: {  	[smem:$0x3FAD] =	sst s7  }
0x10: {  	[smem:$0x3FAE] =	sst s8  }
0x11: {  	[smem:$0x3FAF] =	sst s9;
	s0 =	simm.s32 @!p0 $0x0  }
0x12: {  	s1 =	sld [smem:$0x3F95];
	s0 =	simm.s32 @p0 $0x1  }
0x13: {  	[smem:$0x3FB0] =	sst s0;
	s0 =	simm.s32 @!p1 $0x0  }
0x14: {  	s2 =	sld [smem:$0x3F94];
	s0 =	simm.s32 @p1 $0x1  }
0x15: {  	[smem:$0x3FB1] =	sst s0;
	s0 =	simm.s32 @!p2 $0x0  }
0x16: {  	s3 =	sld [smem:$0x3FDB];
	s0 =	simm.s32 @p2 $0x1  }
0x17: {  	s4 =	simm.s32 $0x1BF5;
	[smem:$0x3FB3] =	sst s0  }
0x18: {  	s0 =	sld [smem:$0x3F96];
	_ =	swait.ge [sflag:s4], $0x0  }
0x19: {  	s7 =	sld [smem:$0x3F97]  }
0x1a: {  	s8 =	sadd.s32 $0xFFFFE003, lr  }
0x1b: {  	s9 =	sadd.s32 $0xFFFFFEF7, lr;
	s5 =	simm.s32 $0xFFFFFFFF;
	p2 =	slt.u32 s8, $0xFFFFF086  }
0x1c: {  	p1 =	slt.u32 s9, $0xF7A;
	s5 =	simm.s32 @!p2 $0x0  }
0x1d: {  	s5 =	simm.s32 @p1 $0x1;
	p0 =	seq.s32 s7, s2  }
0x1e: {  	s7 =	smul.u32 @!p0 $0xF7A, s2;
	p2 =	seq.s32 @!p0 s5, $0x0  }
0x1f: {  	s9 =	smul.u32 $0xF7A, s1;
	s8 =	simm.s32 @!p0 $0x1BF5;
	p2 =	por !p2, p0  }
0x20: {  	[sflag:s8] =	ssyncset.s32 @!p0 $0xFFFFF086;
	s6 =	sadd.s32 @!p0 s3, s7;
	s7 =	simm.s32 @!p0 $0x108  }
0x21: {  	s3 =	sadd.s32 s3, s9;
	s6 =	sadd.s32 @!p0 $0x88, s6;
	s7 =	simm.s32 @p2 $0x1082  }
0x22: {  	[simem:s7], [sflag:s8] =	dma.local @!p0 [hbm:s6], $0xF7A  }
0x23: {  	s9 =	sor.u32 $0xD0000000, s2;
	s6 =	simm.s32 $0x108;
	_ =	swait.ge @!p0 [sflag:s8], $0x0  }
0x24: {  	s3 =	sadd.s32 $0x88, s3;
	s6 =	simm.s32 @!p1 $0x1082;
	[sflag:s4] =	ssyncset.s32 $0xFFFFF086  }
0x25: {  	[simem:s6], [sflag:s4] =	dma.local [hbm:s3], $0xF7A  }
0x26: {  	[smem:$0x3F97] =	sst s1;
	(tag) =	ssettag s2;
	_ =	strace s9  }
0x27: {  	s1 =	sld [smem:$0x3FA7]  }
0x28: {  	s2 =	sld [smem:$0x3FA8]  }
0x29: {  	s4 =	sld [smem:$0x3FAA]  }
0x2a: {  	p0 =	seq.s32 s5, $0x0;
	s5 =	sld [smem:$0x3FAB]  }
0x2b: {  	s6 =	sld [smem:$0x3FAC]  }
0x2c: {  	s7 =	sld [smem:$0x3FAD]  }
0x2d: {  	s3 =	simm.s32 $0x108;
	s8 =	sld [smem:$0x3FAE]  }
0x2e: {  	s3 =	simm.s32 @!p0 $0x1082;
	s9 =	sld [smem:$0x3FAF]  }
0x2f: {  	lr =	sadd.s32 s0, s3;
	s0 =	sld [smem:$0x3FA6]  }
0x30: {  	s3 =	sld [smem:$0x3FA9]  }
0x31: {  	[smem:$0x3FB2] =	sst s10  }
0x32: {  	s10 =	sld [smem:$0x3FB0];
	_ =	sdelay $0x3  }
0x33: {  	p0 =	seq.s32 s10, $0x1;
	s10 =	sld [smem:$0x3FB2];
	_ =	sdelay $0x3  }
0x34: {  	[smem:$0x3FB2] =	sst s10  }
0x35: {  	s10 =	sld [smem:$0x3FB1];
	_ =	sdelay $0x3  }
0x36: {  	p1 =	seq.s32 s10, $0x1;
	s10 =	sld [smem:$0x3FB2];
	_ =	sdelay $0x3  }
0x37: {  	[smem:$0x3FB2] =	sst s10  }
0x38: {  	s10 =	sld [smem:$0x3FB3]  }
0x39: {  	_ = 	snop;
	(pc) =	sbr.ind lr, $3  }
0x3a: {  	_ = 	snop  }
0x3b: {  	_ = 	snop  }
0x3c: {  	p2 =	seq.s32 s10, $0x1;
	s10 =	sld [smem:$0x3FB2]  }
0x3d: {  	_ =	shalt  }
0x3e: {  	_ =	shalt  }
0x3f: {  	_ =	shalt  }
0x40: {  	_ =	shalt  }
0x41: {  	_ =	shalt  }
0x42: {  	_ =	shalt  }
0x43: {  	_ =	shalt  }
0x44: {  	_ =	shalt  }
0x45: {  	_ =	shalt  }
0x46: {  	_ =	shalt  }
0x47: {  	_ =	shalt  }
0x48: {  	_ =	shalt  }
0x49: {  	_ =	shalt  }
0x4a: {  	_ =	shalt  }
0x4b: {  	_ =	shalt  }
0x4c: {  	_ =	shalt  }
0x4d: {  	_ =	shalt  }
0x4e: {  	_ =	shalt  }
0x4f: {  	_ =	shalt  }
0x50: {  	_ =	shalt  }
0x51: {  	_ =	shalt  }
0x52: {  	_ =	shalt  }
0x53: {  	_ =	shalt  }
0x54: {  	_ =	shalt  }
0x55: {  	_ =	shalt  }
0x56: {  	_ =	shalt  }
0x57: {  	_ =	shalt  }
0x58: {  	_ =	shalt  }
0x59: {  	_ =	shalt  }
0x5a: {  	_ =	shalt  }
0x5b: {  	_ =	shalt  }
0x5c: {  	_ =	shalt  }
0x5d: {  	_ =	shalt  }
0x5e: {  	_ =	shalt  }
0x5f: {  	_ =	shalt  }
0x60: {  	_ =	shalt  }
0x61: {  	_ =	shalt  }
0x62: {  	_ =	shalt  }
0x63: {  	_ =	shalt  }
0x64: {  	_ =	shalt  }
0x65: {  	_ =	shalt  }
0x66: {  	_ =	shalt  }
0x67: {  	_ =	shalt  }
0x68: {  	_ =	shalt  }
0x69: {  	_ =	shalt  }
0x6a: {  	_ =	shalt  }
0x6b: {  	_ =	shalt  }
0x6c: {  	_ =	shalt  }
0x6d: {  	_ =	shalt  }
0x6e: {  	_ =	shalt  }
0x6f: {  	_ =	shalt  }
0x70: {  	_ =	shalt  }
0x71: {  	_ =	shalt  }
0x72: {  	_ =	shalt  }
0x73: {  	_ =	shalt  }
0x74: {  	_ =	shalt  }
0x75: {  	_ =	shalt  }
0x76: {  	_ =	shalt  }
0x77: {  	_ =	shalt  }
0x78: {  	_ =	shalt  }
0x79: {  	_ =	shalt  }
0x7a: {  	_ =	shalt  }
0x7b: {  	_ =	shalt  }
0x7c: {  	_ =	shalt  }
0x7d: {  	_ =	shalt  }
0x7e: {  	_ =	shalt  }
0x7f: {  	_ =	shalt  }
0x80: {  	_ =	shalt  }
0x81: {  	_ =	shalt  }
0x82: {  	_ =	shalt  }
0x83: {  	_ =	shalt  }
0x84: {  	_ =	shalt  }
0x85: {  	_ =	shalt  }
0x86: {  	_ =	shalt  }
0x87: {  	_ =	shalt  }
.Lfunc_end0:
.L_simem_size_0:
called_computation_lowered:
.L_overlay_start_0:
0x88: {  	s2 =	sld [smem:$0x3FD9]  }
0x89: {  	s3 =	sld [smem:$0x3FFE];
	_ =	sdelay $0x1  }
0x8a: {  	s1 =	srdreg.scid  }
0x8b: {  	s0 =	sand.u32 $0x1, s1  }
0x8c: {  	s17 =	sshll.u32 s0, $0xA;
	s2 =	sadd.s32 s3, s2  }
0x8d: {  	s2 =	sadd.s32 s2, s17  }
0x8e: {  	[smem:$0x3FBE] =	sst s2  }
0x8f: {  	_ = 	snop  }
0x90: {  	s2 =	sld [smem:$0x3FC9];
	(tm) =	ssettm $0x1  }
0x91: {  	s18 =	sld [smem:$0x3FFB];
	_ =	sdelay $0x3  }
0x92: {  	_ =	strace s18  }
0x93: {  	s3 =	sld [smem:$0x3FFC];
	_ =	sdelay $0x3  }
0x94: {  	_ =	strace s3  }
0x95: {  	s3 =	sld [smem:$0x3FFD];
	_ =	sdelay $0x3  }
0x96: {  	_ =	strace s3  }
0x97: {  	_ =	strace $0x8FFFFFFF  }
0x98: {  	s19 =	sld [smem:$0x3FDB];
	_ =	sdelay $0x1  }
0x99: {  	s4 =	simm.s32 $_scs_section_size  }
0x9a: {  	s5 =	simm.s32 $_size__tile_overlayer_lowered;
	s6 =	simm.s32 $_tile_overlayer_lowered  }
0x9b: {  	s22 =	simm.s32 $0x1BFF;
	s21 =	sshll.u32 s6, $0x1;
	s3 =	sadd.s32 s4, s19  }
0x9c: {  	s7 =	simm.s32 $0x0;
	s20 =	sshll.u32 s5, $0x1;
	s5 =	sadd.s32 s21, s3  }
0x9d: {  	[timem:s7], [sflag:s22] =	dma.local [hbm:s5], s20  }
0x9e: {  	_ =	swait.ge [sflag:s22], s20  }
0x9f: {  	s4 =	ssub.s32 $0x0, s20;
	[sflag:s22] =	ssyncset.done $0x0  }
0xa0: {  	[sflag:s22] =	ssyncadd.s32 s4;
	_ =	sdelay $0x1  }
0xa1: {  	s23 =	simm.s32 $0x1B8B  }
0xa2: {  	_ =	swait.ge [sflag:s23], $0x1  }
0xa3: {  	[sflag:s23] =	ssyncset.done $0x0  }
0xa4: {  	s25 =	simm.s32 $0x1B8E;
	s24 =	sld [smem:$0x3FFE];
	[sflag:s23] =	ssyncadd.s32 $0xFFFFFFFF  }
0xa5: {  	s26 =	simm.s32 $execute0_lowered;
	[smem:$0x3FD2] =	sst s25  }
0xa6: {  	s5 =	sshll.u32 s26, $0x1;
	_ =	strace $0x80000046;
	[dreg:$0x1] =	wrdreg $0xFFFFFFFF  }
0xa7: {  	s28 =	simm.s32 $_size_execute0_lowered;
	s3 =	sadd.s32 s3, s5;
	[dreg:$0x0] =	wrdreg $0x0  }
0xa8: {  	s5 =	sshll.u32 s28, $0x1;
	[dreg:$0x2] =	wrdreg s3  }
0xa9: {  	[dreg:$0x3] =	wrdreg s5  }
0xaa: {  	[dreg:$0x4] =	wrdreg $0xC0  }
0xab: {  	_ =	task [dreg:s7], $0x5FFFF  }
0xac: {  	[dreg:$0x1] =	wrdreg $0xFFFFFFFF  }
0xad: {  	[dreg:$0x0] =	wrdreg $0x60  }
0xae: {  	[dreg:$0x2] =	wrdreg s2  }
0xaf: {  	[dreg:$0x3] =	wrdreg s24  }
0xb0: {  	[dreg:$0x4] =	wrdreg $0x64000  }
0xb1: {  	[dreg:$0x5] =	wrdreg $0x9  }
0xb2: {  	_ =	task.clear_ibuf [dreg:s7], $0x6FFFF;
	_ =	strace $0x90000046  }
0xb3: {  	s29 =	simm.s32 $0x9;
	_ =	strace $0x80000048  }
0xb4: {  	_ =	swait.ge [sflag:s29], $0x1  }
0xb5: {  	[sflag:s29] =	ssyncadd.s32 $0xFFFFFFFF  }
0xb6: {  	_ =	strace $0x90000048  }
0xb7: {  	_ =	sfence  }
0xb8: {  	s30 =	sld [smem:$0x0];
	_ =	sdelay $0x2  }
0xb9: {  	s31 =	sshll.u32 s1, $0xD;
	s1 =	sshrl.u32 s1, $0x2  }
0xba: {  	s3 =	sand.u32 $0x4000, s31;
	s1 =	sadd.s32 s1, s30  }
0xbb: {  	s0 =	sor.u32 s3, s0;
	s1 =	sshll.u32 s1, $0x11  }
0xbc: {  	s0 =	sor.u32 s1, s0  }
0xbd: {  	s0 =	sadd.s32 $0x8F2B, s0  }
0xbe: {  	[sflag:s0] =	ssyncadd.remote.s32 $0x1  }
0xbf: {  	_ =	sfence.sel $0xFFFF  }
0xc0: {  	[dreg:$0x0] =	wrdreg $0xFFFFFFFF;
	(pc) =	sbr.abs _section_cstart, $3  }
0xc1: {  	[dreg:$0x1] =	wrdreg $0xFFFFFFFF  }
0xc2: {  	_ =	task.clear_ibuf [dreg:s7], $0x2FFFF;
	_ =	strace $0x9FFFFFFF  }
0xc3: {  	(tm) =	ssettm $0x7FFFFFFF  }
tec
execute0_lowered:
.L_overlay_start_1:
0x0: {  	(tag) =	ssettag $0x1  }
0x1: {  	s0 =	rddreg [dreg:$0x0]  }
0x2: {  	s1 =	rddreg [dreg:$0x1];
	s2 =	srdreg.scid  }
0x3: {  	s3 =	rddreg [dreg:$0x2];
	s17 =	stileid.u32;
	s4 =	simm.s32 $0x0  }
0x4: {  	s7 =	sand.u32 $0x1, s2;
	s9 =	smul.u32 $0x14000, s17;
	[smem:$0x7FF] =	sst s4  }
0x5: {  	s5 =	sshrl.u32 s17, $0x3;
	s12 =	sadd.s32 $0x3C00, s1;
	s14 =	smul.u32 $0x50000, s17  }
0x6: {  	s6 =	sadd.s32 $0x20E00, s1;
	s13 =	sshll.u32 s17, $0x7;
	s8 =	smul.u32 $0x140000, s7  }
0x7: {  	s15 =	sshll.u32 s17, $0x8;
	s31 =	sshll.u32 s17, $0x6;
	s10 =	smul.u32 $0x28000, s7  }
0x8: {  	_ =	strace $0x80000047;
	s11 =	smul.u32 $0x14000, s5;
	s5 =	sadd.s32 $0x1E600, s1  }
0x9: {  	s19 =	sand.u32 $0x380, s13;
	s20 =	sshll.u32 s7, $0x4;
	s25 =	ssub.s32 $0x2, s7  }
0xa: {  	s29 =	sand.u32 $0x300, s15;
	s30 =	smul.u32 $0x6A00, s7;
	s7 =	sor.u32 $0x1C04, s31  }
0xb: {  	s23 =	sor.u32 s17, s20;
	s26 =	sshrl.u32 s25, $0x1;
	s14 =	sshrl.u32 s14, $0x2  }
0xc: {  	s17 =	smul.u32 $0x6A0, s17;
	s8 =	sadd.s32 s9, s8;
	s18 =	sadd.s32 s10, s11  }
0xd: {  	s13 =	ssub.s32 s25, s26;
	s14 =	sadd.s32 s14, s3;
	s25 =	simm.s32 $0x80  }
0xe: {  	s26 =	simm.s32 $0x0;
	s8 =	sshrl.u32 s8, $0x3;
	s9 =	sor.u32 s19, s18  }
0xf: {  	s15 =	sadd.s32 s17, s30;
	s11 =	smax.u32 s13, $0x1;
	s13 =	sshrl.u32 s14, $0x3  }
0x10: {  	s14 =	simm.s32 $0x4;
	s17 =	simm.s32 $0x200;
	s18 =	simm.s32 $0x60  }
0x11: {  	s19 =	simm.s32 $0x400;
	s22 =	sshrl.u32 s9, $0x3;
	s9 =	smul.u32 $0x3500, s23  }
0x12: {  	s21 =	sadd.s32 s8, s1;
	s20 =	sadd.s32 $0x20, s15;
	s15 =	simm.s32 $0x1A400  }
0x13: {  	s23 =	simm.s32 $0x3;
	s24 =	sadd.s32 s22, s1;
	s28 =	sand.u32 $0x7FC00, s9  }
0x14: {  	v0 =	vlaneseq.u32;
	v1 =	vimm.f32 $1.000000000e+00;
	s1 =	sadd.s32 $0x11080, s1;
	s22 =	simm.s32 $0x1;
	s8 =	sor.u32 s29, s28  }
0x15: {  	vm0 =	vcmask $0xF08;
	vm1 =	vcmask $0x1710;
	vm2 =	vcmask $0x1F18;
	s9 =	sadd.s32 $0x21800, s21;
	s10 =	sadd.s32 $0x71800, s24;
	s16 =	sshrl.u32 s8, $0x3  }
0x16: {  	vm3 =	vcmask $0x2720;
	vm4 =	vcmask $0x2F28;
	v0 =	vand.u32 $0x1, v0;
	s21 =	simm.s32 $0x3400;
	s24 =	simm.s32 $0x2;
	s8 =	sadd.s32 s12, s16  }
0x17: {  	vm5 =	vcmask $0x3730;
	vm6 =	vcmask $0x3F38;
	v0 =	vmul.u32 $0x2800, v0;
	s12 =	sadd.s32 s12, s20;
	s16 =	sadd.s32 s16, s1;
	s20 =	sadd.s32 s1, s20  }
.LBB2_1:
0x18: {  	[spmem:s13], [sflag:s7] =	dma.local [hbm:s5], $0x2800  }
0x19: {  	_ =	swait.ge [sflag:s14], $0x2800  }
0x1a: {  	[sflag:s14] =	ssyncset.done $0x0  }
0x1b: {  	[sflag:s14] =	ssyncadd.s32 $0xFFFFD800  }
0x1c: {  	[tilespmem:s15], [sflag:$0x4] =	stream.linear.gather [hbm4b:s6+s4], $0x5000, $0x38;
	[tilespmem:$0x1F400] =	vst v63  }
0x1d: {  	_ =	swait.ge [sflag:s14], $0x5000  }
0x1e: {  	[sflag:s14] =	ssyncset.done $0x0  }
0x1f: {  	[sflag:s14] =	ssyncadd.s32 $0xFFFFB000  }
0x20: {  	[bflag:$0x0] =	sbarrier.arrive $0xFFFF  }
0x21: {  	[tilespmem:s4], [sflag:$0x4] =	stream.linear.gather [hbm4b:s8+s4], $0x100, $0x38;
	[tilespmem:$0x1F400] =	vst v63  }
0x22: {  	_ =	swait.ge [sflag:s14], $0x100  }
0x23: {  	[sflag:s14] =	ssyncset.done $0x0  }
0x24: {  	[sflag:s14] =	ssyncadd.s32 $0xFFFFFF00  }
0x25: {  	[tilespmem:s17], [sflag:$0x4] =	stream.linear.gather [hbm4b:s16+s4], $0x100, $0x38;
	[tilespmem:$0x1F400] =	vst v63  }
0x26: {  	_ =	swait.ge [sflag:s14], $0x100  }
0x27: {  	s28 =	smov.u32 s20;
	[sflag:s14] =	ssyncset.done $0x0  }
0x28: {  	s29 =	smov.u32 s12;
	s30 =	simm.s32 $0x0;
	[sflag:s14] =	ssyncadd.s32 $0xFFFFFF00  }
0x29: {  	[tilespmem:s19], [sflag:$0x1] =	stream.indirect.gather [hbm4b:s0+s18], $0x80, s4, s18, $0xb8;
	[tilespmem:$0x1F400] =	vst v63  }
.LBB2_2:
0x2a: {  	s31 =	sand.u32 $0x100, s30  }
0x2b: {  	s1 =	sxor.u32 $0x100, s31  }
0x2c: {  	[tilespmem:s1], [sflag:$0x3] =	stream.linear.gather [hbm4b:s29+s4], $0x100, $0x38;
	[tilespmem:$0x1F400] =	vst v63  }
0x2d: {  	s2 =	sor.u32 $0x200, s1  }
0x2e: {  	[tilespmem:s2], [sflag:$0x3] =	stream.linear.gather [hbm4b:s28+s4], $0x100, $0x38;
	[tilespmem:$0x1F400] =	vst v63  }
0x2f: {  	s2 =	sor.u32 $0x80, s31  }
0x30: {  	[tilespmem:s21], [sflag:$0x2] =	stream.indirect.gather [hbm4b:s0+s18], $0x80, s2, s18, $0xb8;
	[tilespmem:$0x1F400] =	vst v63  }
0x31: {  	_ =	swait.ge [sflag:s22], $0x3000  }
0x32: {  	[sflag:s22] =	ssyncset.done $0x0  }
0x33: {  	s2 =	sor.u32 $0x200, s31;
	[sflag:s22] =	ssyncadd.s32 $0xFFFFD000  }
0x34: {  	[spmem:s3] =	stream.indirect.scatter.add.f32 [tilespmem:s19], [sflag:$0x4], $0x80, s2, s18, $0xb8;
	[tilespmem:$0x1F400] =	vst v63  }
0x35: {  	_ =	swait.ge [sflag:s14], $0x3000  }
0x36: {  	[sflag:s14] =	ssyncset.done $0x0  }
0x37: {  	[sflag:s14] =	ssyncadd.s32 $0xFFFFD000  }
0x38: {  	v2 =	vld [tilespmem:s31+$0x200];
	_ =	sdelay $0x4  }
0x39: {  	v2 =	vadd.s32 v0, v2;
	_ =	sdelay $0x4  }
0x3a: {  	[tilespmem:v2+s15+$0x0] =	vst.idx.add.f32.msk $0x3, v1  }
0x3b: {  	[tilespmem:v2+s15+$0x0] =	vst.idx.add.f32.msk vm0, v1  }
0x3c: {  	[tilespmem:v2+s15+$0x0] =	vst.idx.add.f32.msk vm1, v1  }
0x3d: {  	[tilespmem:v2+s15+$0x0] =	vst.idx.add.f32.msk vm2, v1  }
0x3e: {  	[tilespmem:v2+s15+$0x0] =	vst.idx.add.f32.msk vm3, v1  }
0x3f: {  	[tilespmem:v2+s15+$0x0] =	vst.idx.add.f32.msk vm4, v1  }
0x40: {  	[tilespmem:v2+s15+$0x0] =	vst.idx.add.f32.msk vm5, v1  }
0x41: {  	[tilespmem:v2+s15+$0x0] =	vst.idx.add.f32.msk vm6, v1  }
0x42: {  	v2 =	vld [tilespmem:s31+$0x210];
	_ =	sdelay $0x4  }
0x43: {  	v2 =	vadd.s32 v0, v2;
	_ =	sdelay $0x4  }
0x44: {  	[tilespmem:v2+s15+$0x0] =	vst.idx.add.f32.msk $0x3, v1  }
0x45: {  	[tilespmem:v2+s15+$0x0] =	vst.idx.add.f32.msk vm0, v1  }
0x46: {  	[tilespmem:v2+s15+$0x0] =	vst.idx.add.f32.msk vm1, v1  }
0x47: {  	[tilespmem:v2+s15+$0x0] =	vst.idx.add.f32.msk vm2, v1  }
0x48: {  	[tilespmem:v2+s15+$0x0] =	vst.idx.add.f32.msk vm3, v1  }
0x49: {  	[tilespmem:v2+s15+$0x0] =	vst.idx.add.f32.msk vm4, v1  }
0x4a: {  	[tilespmem:v2+s15+$0x0] =	vst.idx.add.f32.msk vm5, v1  }
0x4b: {  	[tilespmem:v2+s15+$0x0] =	vst.idx.add.f32.msk vm6, v1  }
0x4c: {  	v2 =	vld [tilespmem:s31+$0x220];
	_ =	sdelay $0x4  }
0x4d: {  	v2 =	vadd.s32 v0, v2;
	_ =	sdelay $0x4  }
0x4e: {  	[tilespmem:v2+s15+$0x0] =	vst.idx.add.f32.msk $0x3, v1  }
0x4f: {  	[tilespmem:v2+s15+$0x0] =	vst.idx.add.f32.msk vm0, v1  }
0x50: {  	[tilespmem:v2+s15+$0x0] =	vst.idx.add.f32.msk vm1, v1  }
0x51: {  	[tilespmem:v2+s15+$0x0] =	vst.idx.add.f32.msk vm2, v1  }
0x52: {  	[tilespmem:v2+s15+$0x0] =	vst.idx.add.f32.msk vm3, v1  }
0x53: {  	[tilespmem:v2+s15+$0x0] =	vst.idx.add.f32.msk vm4, v1  }
0x54: {  	[tilespmem:v2+s15+$0x0] =	vst.idx.add.f32.msk vm5, v1  }
0x55: {  	[tilespmem:v2+s15+$0x0] =	vst.idx.add.f32.msk vm6, v1  }
0x56: {  	v2 =	vld [tilespmem:s31+$0x230];
	_ =	sdelay $0x4  }
0x57: {  	v2 =	vadd.s32 v0, v2;
	_ =	sdelay $0x4  }
0x58: {  	[tilespmem:v2+s15+$0x0] =	vst.idx.add.f32.msk $0x3, v1  }
0x59: {  	[tilespmem:v2+s15+$0x0] =	vst.idx.add.f32.msk vm0, v1  }
0x5a: {  	[tilespmem:v2+s15+$0x0] =	vst.idx.add.f32.msk vm1, v1  }
0x5b: {  	[tilespmem:v2+s15+$0x0] =	vst.idx.add.f32.msk vm2, v1  }
0x5c: {  	[tilespmem:v2+s15+$0x0] =	vst.idx.add.f32.msk vm3, v1  }
0x5d: {  	[tilespmem:v2+s15+$0x0] =	vst.idx.add.f32.msk vm4, v1  }
0x5e: {  	[tilespmem:v2+s15+$0x0] =	vst.idx.add.f32.msk vm5, v1  }
0x5f: {  	[tilespmem:v2+s15+$0x0] =	vst.idx.add.f32.msk vm6, v1  }
0x60: {  	v2 =	vld [tilespmem:s31+$0x240];
	_ =	sdelay $0x4  }
0x61: {  	v2 =	vadd.s32 v0, v2;
	_ =	sdelay $0x4  }
0x62: {  	[tilespmem:v2+s15+$0x0] =	vst.idx.add.f32.msk $0x3, v1  }
0x63: {  	[tilespmem:v2+s15+$0x0] =	vst.idx.add.f32.msk vm0, v1  }
0x64: {  	[tilespmem:v2+s15+$0x0] =	vst.idx.add.f32.msk vm1, v1  }
0x65: {  	[tilespmem:v2+s15+$0x0] =	vst.idx.add.f32.msk vm2, v1  }
0x66: {  	[tilespmem:v2+s15+$0x0] =	vst.idx.add.f32.msk vm3, v1  }
0x67: {  	[tilespmem:v2+s15+$0x0] =	vst.idx.add.f32.msk vm4, v1  }
0x68: {  	[tilespmem:v2+s15+$0x0] =	vst.idx.add.f32.msk vm5, v1  }
0x69: {  	[tilespmem:v2+s15+$0x0] =	vst.idx.add.f32.msk vm6, v1  }
0x6a: {  	v2 =	vld [tilespmem:s31+$0x250];
	_ =	sdelay $0x4  }
0x6b: {  	v2 =	vadd.s32 v0, v2;
	_ =	sdelay $0x4  }
0x6c: {  	[tilespmem:v2+s15+$0x0] =	vst.idx.add.f32.msk $0x3, v1  }
0x6d: {  	[tilespmem:v2+s15+$0x0] =	vst.idx.add.f32.msk vm0, v1  }
0x6e: {  	[tilespmem:v2+s15+$0x0] =	vst.idx.add.f32.msk vm1, v1  }
0x6f: {  	[tilespmem:v2+s15+$0x0] =	vst.idx.add.f32.msk vm2, v1  }
0x70: {  	[tilespmem:v2+s15+$0x0] =	vst.idx.add.f32.msk vm3, v1  }
0x71: {  	[tilespmem:v2+s15+$0x0] =	vst.idx.add.f32.msk vm4, v1  }
0x72: {  	[tilespmem:v2+s15+$0x0] =	vst.idx.add.f32.msk vm5, v1  }
0x73: {  	[tilespmem:v2+s15+$0x0] =	vst.idx.add.f32.msk vm6, v1  }
0x74: {  	_ =	swait.ge [sflag:s23], $0x100  }
0x75: {  	[sflag:s23] =	ssyncset.done $0x0  }
0x76: {  	[sflag:s23] =	ssyncadd.s32 $0xFFFFFF00  }
0x77: {  	_ =	swait.ge [sflag:s23], $0x100  }
0x78: {  	[sflag:s23] =	ssyncset.done $0x0  }
0x79: {  	[sflag:s23] =	ssyncadd.s32 $0xFFFFFF00  }
0x7a: {  	[tilespmem:s19], [sflag:$0x1] =	stream.indirect.gather [hbm4b:s0+s18], $0x80, s1, s18, $0xb8;
	[tilespmem:$0x1F400] =	vst v63  }
0x7b: {  	_ =	swait.ge [sflag:s24], $0x3000  }
0x7c: {  	[sflag:s24] =	ssyncset.done $0x0  }
0x7d: {  	s2 =	sor.u32 $0x280, s31;
	[sflag:s24] =	ssyncadd.s32 $0xFFFFD000  }
0x7e: {  	[spmem:s3] =	stream.indirect.scatter.add.f32 [tilespmem:s21], [sflag:$0x4], $0x80, s2, s18, $0xb8;
	[tilespmem:$0x1F400] =	vst v63  }
0x7f: {  	_ =	swait.ge [sflag:s14], $0x3000  }
0x80: {  	[sflag:s14] =	ssyncset.done $0x0  }
0x81: {  	[sflag:s14] =	ssyncadd.s32 $0xFFFFD000  }
0x82: {  	v2 =	vld [tilespmem:s31+$0x280];
	_ =	sdelay $0x4  }
0x83: {  	v2 =	vadd.s32 v0, v2;
	_ =	sdelay $0x4  }
0x84: {  	[tilespmem:v2+s15+$0x0] =	vst.idx.add.f32.msk $0x3, v1  }
0x85: {  	[tilespmem:v2+s15+$0x0] =	vst.idx.add.f32.msk vm0, v1  }
0x86: {  	[tilespmem:v2+s15+$0x0] =	vst.idx.add.f32.msk vm1, v1  }
0x87: {  	[tilespmem:v2+s15+$0x0] =	vst.idx.add.f32.msk vm2, v1  }
0x88: {  	[tilespmem:v2+s15+$0x0] =	vst.idx.add.f32.msk vm3, v1  }
0x89: {  	[tilespmem:v2+s15+$0x0] =	vst.idx.add.f32.msk vm4, v1  }
0x8a: {  	[tilespmem:v2+s15+$0x0] =	vst.idx.add.f32.msk vm5, v1  }
0x8b: {  	[tilespmem:v2+s15+$0x0] =	vst.idx.add.f32.msk vm6, v1  }
0x8c: {  	v2 =	vld [tilespmem:s31+$0x290];
	_ =	sdelay $0x4  }
0x8d: {  	v2 =	vadd.s32 v0, v2;
	_ =	sdelay $0x4  }
0x8e: {  	[tilespmem:v2+s15+$0x0] =	vst.idx.add.f32.msk $0x3, v1  }
0x8f: {  	[tilespmem:v2+s15+$0x0] =	vst.idx.add.f32.msk vm0, v1  }
0x90: {  	[tilespmem:v2+s15+$0x0] =	vst.idx.add.f32.msk vm1, v1  }
0x91: {  	[tilespmem:v2+s15+$0x0] =	vst.idx.add.f32.msk vm2, v1  }
0x92: {  	[tilespmem:v2+s15+$0x0] =	vst.idx.add.f32.msk vm3, v1  }
0x93: {  	[tilespmem:v2+s15+$0x0] =	vst.idx.add.f32.msk vm4, v1  }
0x94: {  	[tilespmem:v2+s15+$0x0] =	vst.idx.add.f32.msk vm5, v1  }
0x95: {  	[tilespmem:v2+s15+$0x0] =	vst.idx.add.f32.msk vm6, v1  }
0x96: {  	v2 =	vld [tilespmem:s31+$0x2A0];
	_ =	sdelay $0x4  }
0x97: {  	v2 =	vadd.s32 v0, v2;
	_ =	sdelay $0x4  }
0x98: {  	[tilespmem:v2+s15+$0x0] =	vst.idx.add.f32.msk $0x3, v1  }
0x99: {  	[tilespmem:v2+s15+$0x0] =	vst.idx.add.f32.msk vm0, v1  }
0x9a: {  	[tilespmem:v2+s15+$0x0] =	vst.idx.add.f32.msk vm1, v1  }
0x9b: {  	[tilespmem:v2+s15+$0x0] =	vst.idx.add.f32.msk vm2, v1  }
0x9c: {  	[tilespmem:v2+s15+$0x0] =	vst.idx.add.f32.msk vm3, v1  }
0x9d: {  	[tilespmem:v2+s15+$0x0] =	vst.idx.add.f32.msk vm4, v1  }
0x9e: {  	[tilespmem:v2+s15+$0x0] =	vst.idx.add.f32.msk vm5, v1  }
0x9f: {  	[tilespmem:v2+s15+$0x0] =	vst.idx.add.f32.msk vm6, v1  }
0xa0: {  	v2 =	vld [tilespmem:s31+$0x2B0];
	_ =	sdelay $0x4  }
0xa1: {  	v2 =	vadd.s32 v0, v2;
	_ =	sdelay $0x4  }
0xa2: {  	[tilespmem:v2+s15+$0x0] =	vst.idx.add.f32.msk $0x3, v1  }
0xa3: {  	[tilespmem:v2+s15+$0x0] =	vst.idx.add.f32.msk vm0, v1  }
0xa4: {  	[tilespmem:v2+s15+$0x0] =	vst.idx.add.f32.msk vm1, v1  }
0xa5: {  	[tilespmem:v2+s15+$0x0] =	vst.idx.add.f32.msk vm2, v1  }
0xa6: {  	[tilespmem:v2+s15+$0x0] =	vst.idx.add.f32.msk vm3, v1  }
0xa7: {  	[tilespmem:v2+s15+$0x0] =	vst.idx.add.f32.msk vm4, v1  }
0xa8: {  	[tilespmem:v2+s15+$0x0] =	vst.idx.add.f32.msk vm5, v1  }
0xa9: {  	[tilespmem:v2+s15+$0x0] =	vst.idx.add.f32.msk vm6, v1  }
0xaa: {  	v2 =	vld [tilespmem:s31+$0x2C0];
	_ =	sdelay $0x4  }
0xab: {  	v2 =	vadd.s32 v0, v2;
	_ =	sdelay $0x4  }
0xac: {  	[tilespmem:v2+s15+$0x0] =	vst.idx.add.f32.msk $0x3, v1  }
0xad: {  	[tilespmem:v2+s15+$0x0] =	vst.idx.add.f32.msk vm0, v1  }
0xae: {  	[tilespmem:v2+s15+$0x0] =	vst.idx.add.f32.msk vm1, v1  }
0xaf: {  	[tilespmem:v2+s15+$0x0] =	vst.idx.add.f32.msk vm2, v1  }
0xb0: {  	[tilespmem:v2+s15+$0x0] =	vst.idx.add.f32.msk vm3, v1  }
0xb1: {  	[tilespmem:v2+s15+$0x0] =	vst.idx.add.f32.msk vm4, v1  }
0xb2: {  	[tilespmem:v2+s15+$0x0] =	vst.idx.add.f32.msk vm5, v1  }
0xb3: {  	[tilespmem:v2+s15+$0x0] =	vst.idx.add.f32.msk vm6, v1  }
0xb4: {  	v2 =	vld [tilespmem:s31+$0x2D0];
	_ =	sdelay $0x4  }
0xb5: {  	v2 =	vadd.s32 v0, v2;
	_ =	sdelay $0x4  }
0xb6: {  	[tilespmem:v2+s15+$0x0] =	vst.idx.add.f32.msk $0x3, v1  }
0xb7: {  	[tilespmem:v2+s15+$0x0] =	vst.idx.add.f32.msk vm0, v1  }
0xb8: {  	p0 =	sne.s32 s30, $0x3400;
	[tilespmem:v2+s15+$0x0] =	vst.idx.add.f32.msk vm1, v1  }
.Ltmp0:
0xb9: {  	[tilespmem:v2+s15+$0x0] =	vst.idx.add.f32.msk vm2, v1;
	(pc) =	sbr.rel @p0 .LBB2_2-.Ltmp0, $4  }
0xba: {  	[tilespmem:v2+s15+$0x0] =	vst.idx.add.f32.msk vm3, v1  }
0xbb: {  	[tilespmem:v2+s15+$0x0] =	vst.idx.add.f32.msk vm4, v1  }
0xbc: {  	[tilespmem:v2+s15+$0x0] =	vst.idx.add.f32.msk vm5, v1  }
0xbd: {  	s30 =	sadd.s32 $0x100, s30;
	s29 =	sadd.s32 $0x20, s29;
	s28 =	sadd.s32 $0x20, s28;
	[tilespmem:v2+s15+$0x0] =	vst.idx.add.f32.msk vm6, v1  }
0xbe: {  	_ =	swait.ge [sflag:s22], $0x3000  }
0xbf: {  	[sflag:s22] =	ssyncset.done $0x0  }
0xc0: {  	[sflag:s22] =	ssyncadd.s32 $0xFFFFD000  }
0xc1: {  	[bflag:$0x0] =	sbarrier.arrive $0xFFFF  }
0xc2: {  	[hbm:s9], [sflag:s7] =	dma.local [spmem:s13], $0x2800  }
0xc3: {  	_ =	swait.ge [sflag:s14], $0x2800  }
0xc4: {  	[sflag:s14] =	ssyncset.done $0x0  }
0xc5: {  	s1 =	simm.s32 $0x1A400;
	[sflag:s14] =	ssyncadd.s32 $0xFFFFD800  }
0xc6: {  	v3 =	vld [tilespmem:s1+$0x2810]  }
0xc7: {  	v8 =	vld [tilespmem:s1+$0x2830]  }
0xc8: {  	v9 =	vld [tilespmem:s1+$0x30]  }
0xc9: {  	v2 =	vld [tilespmem:s1+$0x2820]  }
0xca: {  	v7 =	vld [tilespmem:s1+$0x20]  }
0xcb: {  	s2 =	simm.s32 $0x0;
	v5 =	vld [tilespmem:s1+$0x10]  }
0xcc: {  	s2 =	sand.u32 $0x3FC0, s2;
	v4 =	vld [tilespmem:s1+$0x0]  }
0xcd: {  	v6 =	vld [tilespmem:s2+$0x1CC00]  }
0xce: {  	s28 =	simm.s32 $0x40;
	s29 =	simm.s32 $0x1A440;
	v8 =	vadd.f32 v8, v9  }
.LBB2_4:
0xcf: {  	v9 =	vld [tilespmem:s29+$0x2810];
	p0 =	sne.s32 s28, $0x27C0;
	v7 =	vadd.f32 v2, v7;
	s2 =	smov.u32 s28;
	s28 =	sadd.s32 $0x40, s28  }
0xd0: {  	s2 =	sand.u32 $0x3FC0, s2;
	v10 =	vld [tilespmem:s29+$0x2830];
	v3 =	vadd.f32 v3, v5;
	[tilespmem:s1+$0x30] =	vst v8  }
0xd1: {  	v2 =	vld [tilespmem:s29+$0x2820];
	[tilespmem:s1+$0x20] =	vst v7  }
0xd2: {  	v8 =	vld [tilespmem:s29+$0x30];
	v4 =	vadd.f32 v6, v4;
	[tilespmem:s1+$0x10] =	vst v3  }
.Ltmp1:
0xd3: {  	v7 =	vld [tilespmem:s29+$0x20];
	(pc) =	sbr.rel @p0 .LBB2_4-.Ltmp1, $4  }
0xd4: {  	v5 =	vld [tilespmem:s29+$0x10];
	[tilespmem:s1+$0x0] =	vst v4;
	v3 =	vmov v9;
	s1 =	smov.u32 s29  }
0xd5: {  	v4 =	vld [tilespmem:s29+$0x0]  }
0xd6: {  	v6 =	vld [tilespmem:s2+$0x1CC00]  }
0xd7: {  	s29 =	sadd.s32 $0x40, s29;
	v8 =	vadd.f32 v10, v8  }
0xd8: {  	_ = 	snop  }
0xd9: {  	v2 =	vadd.f32 v2, v7  }
0xda: {  	v3 =	vadd.f32 v3, v5;
	[tilespmem:s1+$0x30] =	vst v8  }
0xdb: {  	s26 =	sadd.s32 $0x1, s26;
	[tilespmem:s1+$0x20] =	vst v2;
	v2 =	vadd.f32 v6, v4  }
0xdc: {  	p0 =	sne.s32 s26, s11;
	[tilespmem:s1+$0x10] =	vst v3  }
.Ltmp2:
0xdd: {  	[tilespmem:s1+$0x0] =	vst v2;
	(pc) =	sbr.rel @p0 .LBB2_1-.Ltmp2, $4  }
0xde: {  	[hbm4b:s10+s25] =	stream.strided.scatter [tilespmem:s15], [sflag:$0x4], $0x2800, s19, s25, $0x38;
	[tilespmem:$0x1F400] =	vst v63  }
0xdf: {  	_ =	swait.ge [sflag:s14], $0x2800  }
0xe0: {  	[sflag:s14] =	ssyncset.done $0x0  }
0xe1: {  	[sflag:s14] =	ssyncadd.s32 $0xFFFFD800  }
0xe2: {  	_ =	sfence.sel $0x180000  }
0xe3: {  	[bflag:$0x0] =	sbarrier.arrive $0xFFFF  }
0xe4: {  	_ =	strace $0x90000047  }
0xe5: {  	s0 =	stileid.u32;
	[bflag:$0x2] =	sbarrier.arrive $0xFFFF  }
0xe6: {  	p0 =	sne.s32 s0, $0x0;
	s0 =	rddreg [dreg:$0x3]  }
0xe7: {  	s0 =	sadd.s32 @!p0 $0x100000, s0  }
0xe8: {  	[sflag:s0] =	ssyncadd.tile.s32 @!p0 $0x1;
	_ =	shalt  }
.Lfunc_end2:
_tile_overlayer_lowered:
.L_overlay_start_2:
0xe9: {  	(tag) =	ssettag $0x2  }
0xea: {  	s0 =	rddreg [dreg:$0x0];
	s2 =	stileid.u32  }
0xeb: {  	s1 =	rddreg [dreg:$0x1];
	p0 =	sne.s32 s2, $0x0  }
0xec: {  	s3 =	rddreg [dreg:$0x2];
	[bflag:$0x3] =	sbarrier.arrive $0xFFFF;
	s2 =	simm.s32 @!p0 $0x1C04  }
0xed: {  	[timem:s3], [sflag:s2] =	dma.local @!p0 [hbm:s0], s1  }
0xee: {  	s0 =	simm.s32 @!p0 $0x4  }
0xef: {  	_ =	swait.ge @!p0 [sflag:s0], s1  }
0xf0: {  	s1 =	ssub.s32 @!p0 $0x0, s1;
	[sflag:s0] =	ssyncset.done @!p0 $0x0  }
0xf1: {  	[sflag:s0] =	ssyncadd.s32 @!p0 s1  }
0xf2: {  	[bflag:$0x3] =	sbarrier.arrive $0xFFFF  }
0xf3: {  	_ =	shalt  }

</sc_bundles>
